<compile_context>
chip_gen: v7x
topology: tpu7x:2x2x1
jax: 0.10.2.dev20260603
libtpu: 0.0.44.dev20260713+nightly
codegen_flags: <defaults>
</compile_context>

<pallas_src>
import functools

import jax
import jax.numpy as jnp
from jax import lax
from jax.experimental import pallas as pl
from jax.experimental.pallas import tpu as pltpu
from jax.experimental.pallas import tpu_sc as plsc

N = 10000
E = 160000
NC = 2
NS = 16
L = 16
RS = 640
B = 80
EPS = E // NS
NB = EPS // B
BD = 40
BD2 = 80
NBD2 = 62
EPW = E // (NC * NS)
MB = 1000
NBN = N // MB

_f32 = jnp.float32
_mesh = plsc.VectorSubcoreMesh(core_axis_name="c", subcore_axis_name="s")



@functools.partial(
    pl.kernel,
    out_type=jax.ShapeDtypeStruct((NC * N, 128), _f32),
    mesh=_mesh,
    scratch_types=[
        pltpu.VMEM_SHARED((N, 128), _f32),
        pltpu.VMEM((BD2,), jnp.int32),
        pltpu.VMEM((BD,), jnp.int32),
        pltpu.VMEM((BD2, 128), _f32),
    ],
)
def _deg_kernel(dst_hbm, zeros_hbm, out_hbm, acc, dstb0, dstbt, ones_v):
    c = lax.axis_index("c")
    s = lax.axis_index("s")

    @pl.loop(0, BD2)
    def _(i):
        for j in range(8):
            ones_v[i, pl.ds(j * L, L)] = jnp.ones((L,), _f32)

    @pl.when(s < NS - 1)
    def _():
        pltpu.sync_copy(zeros_hbm.at[pl.ds(s * RS, RS)],
                        acc.at[pl.ds(s * RS, RS)])

    @pl.when(s == NS - 1)
    def _():
        tail = N - (NS - 1) * RS
        pltpu.sync_copy(zeros_hbm.at[pl.ds((NS - 1) * RS, tail)],
                        acc.at[pl.ds((NS - 1) * RS, tail)])

    plsc.subcore_barrier()

    base = (s * NC + c) * EPW

    @pl.loop(0, NBD2)
    def _(bk):
        pltpu.sync_copy(dst_hbm.at[pl.ds(base + bk * BD2, BD2)], dstb0)
        pltpu.sync_copy(ones_v, acc.at[dstb0], add=True)

    pltpu.sync_copy(dst_hbm.at[pl.ds(base + NBD2 * BD2, BD)], dstbt)
    pltpu.sync_copy(ones_v.at[pl.ds(0, BD)], acc.at[dstbt], add=True)

    plsc.subcore_barrier()

    @pl.when(s < NS - 1)
    def _():
        pltpu.sync_copy(acc.at[pl.ds(s * RS, RS)],
                        out_hbm.at[pl.ds(c * N + s * RS, RS)])

    @pl.when(s == NS - 1)
    def _():
        pltpu.sync_copy(acc.at[pl.ds((NS - 1) * RS, N - (NS - 1) * RS)],
                        out_hbm.at[pl.ds(c * N + (NS - 1) * RS,
                                         N - (NS - 1) * RS)])


def _make_agg_kernel(C):
    @functools.partial(
        pl.kernel,
        out_type=jax.ShapeDtypeStruct((C * N, 128), _f32),
        mesh=_mesh,
        scratch_types=[
            pltpu.VMEM_SHARED((N, 128), _f32),
            pltpu.VMEM((NB, B), jnp.int32),
            pltpu.VMEM((B,), jnp.int32),
            pltpu.VMEM((B,), jnp.int32),
            pltpu.VMEM((B,), jnp.int32),
            pltpu.VMEM((B, 128), _f32),
            pltpu.VMEM((B, 128), _f32),
            pltpu.VMEM((B, 128), _f32),
            pltpu.SemaphoreType.DMA,
            pltpu.SemaphoreType.DMA,
            pltpu.SemaphoreType.DMA,
            pltpu.SemaphoreType.DMA,
            pltpu.SemaphoreType.DMA,
            pltpu.SemaphoreType.DMA,
        ],
    )
    def _agg(hs_hbm, src_hbm, dst_hbm, out_hbm, acc, srcv, dstb0, dstb1,
             dstb2, rows0, rows1, rows2, gsem0, gsem1, gsem2,
             ssem0, ssem1, ssem2):
        c = lax.axis_index("c")
        s = lax.axis_index("s")

        pltpu.sync_copy(src_hbm.at[s], srcv)

        def _shift(delta):
            @pl.loop(0, NB)
            def _(i):
                for j in range(B // L):
                    sl = pl.ds(j * L, L)
                    srcv[i, sl] = srcv[i, sl] + delta

        _shift(c * N)

        bufs = ((rows0, dstb0, gsem0, ssem0),
                (rows1, dstb1, gsem1, ssem1),
                (rows2, dstb2, gsem2, ssem2))

        def _gather(b, i):
            rbuf, dbuf, gsem, _ = bufs[i]
            pltpu.async_copy(hs_hbm.at[srcv.at[b]], rbuf, gsem)
            pltpu.async_copy(dst_hbm.at[pl.ds(s * EPS + b * B, B)], dbuf, gsem)

        def _wait_gather(b, i):
            rbuf, dbuf, gsem, _ = bufs[i]
            pltpu.make_async_copy(hs_hbm.at[srcv.at[b]], rbuf, gsem).wait()
            pltpu.make_async_copy(dst_hbm.at[pl.ds(s * EPS + b * B, B)],
                                  dbuf, gsem).wait()

        def _scatter(i):
            rbuf, dbuf, _, ssem = bufs[i]
            pltpu.async_copy(rbuf, acc.at[dbuf], ssem, add=True)

        def _wait_scatter(i):
            rbuf, dbuf, _, ssem = bufs[i]
            pltpu.make_async_copy(rbuf, acc.at[dbuf], ssem).wait()

        for p in range(C // NC):
            chunk = c + NC * p
            row0 = chunk * N
            if p > 0:
                _shift(NC * N)
            @pl.when(s < NS - 1)
            def _():
                pltpu.sync_copy(hs_hbm.at[pl.ds(row0 + s * RS, RS)],
                                acc.at[pl.ds(s * RS, RS)])

            @pl.when(s == NS - 1)
            def _():
                tail = N - (NS - 1) * RS
                pltpu.sync_copy(hs_hbm.at[pl.ds(row0 + (NS - 1) * RS, tail)],
                                acc.at[pl.ds((NS - 1) * RS, tail)])

            plsc.subcore_barrier()

            _gather(0, 0)
            _gather(1, 1)
            _wait_gather(0, 0); _scatter(0); _gather(2, 2)
            _wait_gather(1, 1); _scatter(1); _wait_scatter(0); _gather(3, 0)
            _wait_gather(2, 2); _scatter(2); _wait_scatter(1); _gather(4, 1)

            @pl.loop(1, (NB - 2) // 3)
            def _(g):
                b = 3 * g
                _wait_gather(b, 0)
                _scatter(0)
                _wait_scatter(2)
                _gather(b + 2, 2)
                _wait_gather(b + 1, 1)
                _scatter(1)
                _wait_scatter(0)
                _gather(b + 3, 0)
                _wait_gather(b + 2, 2)
                _scatter(2)
                _wait_scatter(1)
                _gather(b + 4, 1)

            _wait_gather(NB - 2, 0); _scatter(0); _wait_scatter(2)
            _wait_gather(NB - 1, 1); _scatter(1); _wait_scatter(0)
            _wait_scatter(1)

            plsc.subcore_barrier()

            @pl.when(s < NS - 1)
            def _():
                pltpu.sync_copy(acc.at[pl.ds(s * RS, RS)],
                                out_hbm.at[pl.ds(row0 + s * RS, RS)])

            @pl.when(s == NS - 1)
            def _():
                tail = N - (NS - 1) * RS
                pltpu.sync_copy(acc.at[pl.ds((NS - 1) * RS, tail)],
                                out_hbm.at[pl.ds(row0 + (NS - 1) * RS, tail)])

            if p + 1 < C // NC:
                plsc.subcore_barrier()

    return _agg


_agg2 = _make_agg_kernel(2)
_agg4 = _make_agg_kernel(4)



def _dinv_call(degp):
    def body(p_ref, o_ref):
        o_ref[...] = jax.lax.rsqrt(p_ref[0:N, :] + p_ref[N:2 * N, :] + 1.0)

    return pl.pallas_call(
        body, out_shape=jax.ShapeDtypeStruct((N, 128), _f32))(degp)


def _mm1_call(x, W1, dinv):
    def body(x_ref, w_ref, d_ref, o_ref):
        o_ref[...] = jnp.dot(x_ref[...], w_ref[...],
                             preferred_element_type=_f32) * d_ref[...]

    return pl.pallas_call(
        body,
        grid=(NBN, 4),
        in_specs=[
            pl.BlockSpec((MB, 256), lambda i, c: (i, 0)),
            pl.BlockSpec((256, 128), lambda i, c: (0, c)),
            pl.BlockSpec((MB, 128), lambda i, c: (i, 0)),
        ],
        out_specs=pl.BlockSpec((MB, 128), lambda i, c: (c * NBN + i, 0)),
        out_shape=jax.ShapeDtypeStruct((4 * N, 128), _f32),
    )(x, W1, dinv)


def _mm2_fused(agg1, dinv, b1, W2):
    def body(a_ref, d_ref, b_ref, w_ref, out1_ref, hs2_ref):
        d = d_ref[...]
        cols = [jnp.maximum(a_ref[c] * d + b_ref[c], 0.0) for c in range(4)]
        lhs = jnp.concatenate(cols, axis=1)
        out1_ref[...] = lhs
        hs2_ref[...] = jnp.dot(lhs, w_ref[...],
                               preferred_element_type=_f32) * d

    return pl.pallas_call(
        body,
        grid=(NBN, 2),
        in_specs=[
            pl.BlockSpec((4, MB, 128), lambda i, c: (0, i, 0)),
            pl.BlockSpec((MB, 128), lambda i, c: (i, 0)),
            pl.BlockSpec((4, 1, 128), lambda i, c: (0, 0, 0)),
            pl.BlockSpec((512, 128), lambda i, c: (0, c)),
        ],
        out_specs=[
            pl.BlockSpec((MB, 512), lambda i, c: (i, 0)),
            pl.BlockSpec((MB, 128), lambda i, c: (c * NBN + i, 0)),
        ],
        out_shape=[
            jax.ShapeDtypeStruct((N, 512), _f32),
            jax.ShapeDtypeStruct((2 * N, 128), _f32),
        ],
    )(agg1.reshape(4, N, 128), dinv, b1.reshape(4, 1, 128), W2)


def _epi_call(agg, dinv, b, C, relu):
    def body(a_ref, d_ref, b_ref, o_ref):
        r = a_ref[...] * d_ref[...] + b_ref[0]
        o_ref[...] = jnp.maximum(r, 0.0) if relu else r

    return pl.pallas_call(
        body,
        grid=(NBN, C),
        in_specs=[
            pl.BlockSpec((MB, 128), lambda i, c: (c * NBN + i, 0)),
            pl.BlockSpec((MB, 128), lambda i, c: (i, 0)),
            pl.BlockSpec((1, 1, 128), lambda i, c: (c, 0, 0)),
        ],
        out_specs=pl.BlockSpec((MB, 128), lambda i, c: (i, c)),
        out_shape=jax.ShapeDtypeStruct((N, C * 128), _f32),
    )(agg, dinv, b.reshape(C, 1, 128))



def kernel(x, edge_index, W1, b1, W2, b2):
    ei = edge_index.astype(jnp.int32)
    src = ei[0]
    dst = ei[1]

    src3 = src.reshape(NS, NB, B)

    degp = _deg_kernel(dst, jnp.zeros((N, 128), _f32))
    dinv = _dinv_call(degp)

    hs1 = _mm1_call(x, W1, dinv)
    agg1 = _agg4(hs1, src3, dst)
    out1 = _epi_call(agg1, dinv, b1, 4, relu=True)
    _, hs2 = _mm2_fused(agg1, dinv, b1, W2)
    agg2 = _agg2(hs2, src3, dst)
    out2 = _epi_call(agg2, dinv, b2, 2, relu=False)

    return (out2, x, out1, out2)

# --- scband reference (transcript-rebuilt; emitter-appended) ---
"""Pipeline reference for scband-gcn-884763263087 (READ-ONLY COPY).

The authoritative reference and input builder live on the scoring server;
editing this copy changes nothing except your own understanding.
"""

import jax, jax.numpy as jnp
import numpy as np

N_NODES = 10000

def gcn_conv(x, edge_index, W, b):
    # PyG GCNConv with normalize=True, aggr='add', edge_weight=None, add_self_loops=True
    n = x.shape[0]
    h = x @ W
    src = edge_index[0]
    dst = edge_index[1]
    loop = jnp.arange(n, dtype=src.dtype)
    src = jnp.concatenate([src, loop])
    dst = jnp.concatenate([dst, loop])
    w = jnp.ones(src.shape[0], dtype=x.dtype)
    deg = jax.ops.segment_sum(w, dst, num_segments=n)
    dinv = jnp.where(deg > 0, deg ** -0.5, 0.0)
    norm = dinv[src] * dinv[dst]
    msgs = h[src] * norm[:, None]
    out = jax.ops.segment_sum(msgs, dst, num_segments=n)
    return out + b

def setup_inputs(seed: int = 0) -> dict:
    key = jax.random.key(seed)
    k1, k2, k3, k4 = jax.random.split(key, 4)
    x = jax.random.normal(k1, (N_NODES, 256), dtype=jnp.float32)
    edge_index = jax.random.randint(k2, (2, 160000), 0, N_NODES, dtype=jnp.int64)
    # glorot-style init for GCNConv weights; bias zeros (PyG default)
    W1 = jax.random.normal(k3, (256, 512), dtype=jnp.float32) * (2.0 / (256 + 512)) ** 0.5
    b1 = jnp.zeros((512,), dtype=jnp.float32)
    W2 = jax.random.normal(k4, (512, 256), dtype=jnp.float32) * (2.0 / (512 + 256)) ** 0.5
    b2 = jnp.zeros((256,), dtype=jnp.float32)
    return {"x": x, "edge_index": edge_index, "W1": W1, "b1": b1, "W2": W2, "b2": b2}

def reference(x, edge_index, W1, b1, W2, b2):
    # eval mode: F.dropout(p=0.5, training=False) is identity
    h1 = jax.nn.relu(gcn_conv(x, edge_index, W1, b1))
    out = gcn_conv(h1, edge_index, W2, b2)
    # (final output, per-layer outputs: input, conv1, conv2)
    return (out, x, h1, out)

if __name__ == "__main__":
    import jax
    _d = setup_inputs()
    print(jax.jit(kernel)(*tuple(_d.values())))

</pallas_src>

<mosaic_0001>
#map = affine_map<(d0, d1) -> (0)>
#map1 = affine_map<(d0, d1) -> (0, 0)>
module attributes {stable_mosaic.version = 14 : i64} {
  func.func @_deg_kernel(%arg0: i32, %arg1: i32, %arg2: memref<160000xi32, #tpu.memory_space<hbm>>, %arg3: memref<10000x128xf32, #tpu.memory_space<hbm>>, %arg4: memref<20000x128xf32, #tpu.memory_space<hbm>>, %arg5: memref<10000x128xf32, #tpu.memory_space<vmem_shared>>, %arg6: memref<80xi32, #tpu.memory_space<vmem>>, %arg7: memref<40xi32, #tpu.memory_space<vmem>>, %arg8: memref<80x128xf32, #tpu.memory_space<vmem>>) attributes {dimension_semantics = [#tpu.dimension_semantics<core_parallel>, #tpu.dimension_semantics<subcore_parallel>], iteration_bounds = array<i64: 2, 16>, scalar_prefetch = 0 : i64, scratch_operands = 4 : i64, tpu.core_type = #tpu.core_type<sc_vector_subcore>, window_params = [{transform_indices = #map}, {transform_indices = #map1}, {transform_indices = #map1}]} {
    %scan3A = arith.constant 0 : i32
    %scan3A_0 = arith.constant 80 : i32
    %scan3A_1 = arith.addi %scan3A, %scan3A_0 : i32
    %scan3A_2 = arith.constant 1 : i32
    scf.for %scan3A_31 = %scan3A to %scan3A_1 step %scan3A_2  : i32 {
      %mul3A_32 = arith.constant 1 : i32
      %mul3A_33 = arith.muli %scan3A_31, %mul3A_32 : i32
      %add3A_34 = arith.constant 0 : i32
      %add3A_35 = arith.addi %add3A_34, %mul3A_33 : i32
      %broadcast_in_dim3A = arith.constant 1.000000e+00 : f32
      %broadcast_in_dim3A_36 = vector.broadcast %broadcast_in_dim3A : f32 to vector<16xf32>
      %swap3A = arith.index_cast %add3A_35 : i32 to index
      %swap3A_37 = arith.constant 0 : index
      %swap3A_38 = tpu.vector_load %arg8[%swap3A, %swap3A_37] {strides = array<i32>} : memref<80x128xf32, #tpu.memory_space<vmem>>, vector<1x16xf32>,
      %swap3A_39 = vector.shape_cast %swap3A_38 : vector<1x16xf32> to vector<16xf32>
      %swap3A_40 = vector.shape_cast %broadcast_in_dim3A_36 : vector<16xf32> to vector<1x16xf32>
      tpu.vector_store %arg8[%swap3A, %swap3A_37], %swap3A_40 {strides = array<i32>} : memref<80x128xf32, #tpu.memory_space<vmem>>, vector<1x16xf32>,
      %broadcast_in_dim3A_41 = arith.constant 1.000000e+00 : f32
      %broadcast_in_dim3A_42 = vector.broadcast %broadcast_in_dim3A_41 : f32 to vector<16xf32>
      %swap3A_43 = arith.index_cast %add3A_35 : i32 to index
      %swap3A_44 = arith.constant 16 : index
      %swap3A_45 = tpu.vector_load %arg8[%swap3A_43, %swap3A_44] {strides = array<i32>} : memref<80x128xf32, #tpu.memory_space<vmem>>, vector<1x16xf32>,
      %swap3A_46 = vector.shape_cast %swap3A_45 : vector<1x16xf32> to vector<16xf32>
      %swap3A_47 = vector.shape_cast %broadcast_in_dim3A_42 : vector<16xf32> to vector<1x16xf32>
      tpu.vector_store %arg8[%swap3A_43, %swap3A_44], %swap3A_47 {strides = array<i32>} : memref<80x128xf32, #tpu.memory_space<vmem>>, vector<1x16xf32>,
      %broadcast_in_dim3A_48 = arith.constant 1.000000e+00 : f32
      %broadcast_in_dim3A_49 = vector.broadcast %broadcast_in_dim3A_48 : f32 to vector<16xf32>
      %swap3A_50 = arith.index_cast %add3A_35 : i32 to index
      %swap3A_51 = arith.constant 32 : index
      %swap3A_52 = tpu.vector_load %arg8[%swap3A_50, %swap3A_51] {strides = array<i32>} : memref<80x128xf32, #tpu.memory_space<vmem>>, vector<1x16xf32>,
      %swap3A_53 = vector.shape_cast %swap3A_52 : vector<1x16xf32> to vector<16xf32>
      %swap3A_54 = vector.shape_cast %broadcast_in_dim3A_49 : vector<16xf32> to vector<1x16xf32>
      tpu.vector_store %arg8[%swap3A_50, %swap3A_51], %swap3A_54 {strides = array<i32>} : memref<80x128xf32, #tpu.memory_space<vmem>>, vector<1x16xf32>,
      %broadcast_in_dim3A_55 = arith.constant 1.000000e+00 : f32
      %broadcast_in_dim3A_56 = vector.broadcast %broadcast_in_dim3A_55 : f32 to vector<16xf32>
      %swap3A_57 = arith.index_cast %add3A_35 : i32 to index
      %swap3A_58 = arith.constant 48 : index
      %swap3A_59 = tpu.vector_load %arg8[%swap3A_57, %swap3A_58] {strides = array<i32>} : memref<80x128xf32, #tpu.memory_space<vmem>>, vector<1x16xf32>,
      %swap3A_60 = vector.shape_cast %swap3A_59 : vector<1x16xf32> to vector<16xf32>
      %swap3A_61 = vector.shape_cast %broadcast_in_dim3A_56 : vector<16xf32> to vector<1x16xf32>
      tpu.vector_store %arg8[%swap3A_57, %swap3A_58], %swap3A_61 {strides = array<i32>} : memref<80x128xf32, #tpu.memory_space<vmem>>, vector<1x16xf32>,
      %broadcast_in_dim3A_62 = arith.constant 1.000000e+00 : f32
      %broadcast_in_dim3A_63 = vector.broadcast %broadcast_in_dim3A_62 : f32 to vector<16xf32>
      %swap3A_64 = arith.index_cast %add3A_35 : i32 to index
      %swap3A_65 = arith.constant 64 : index
      %swap3A_66 = tpu.vector_load %arg8[%swap3A_64, %swap3A_65] {strides = array<i32>} : memref<80x128xf32, #tpu.memory_space<vmem>>, vector<1x16xf32>,
      %swap3A_67 = vector.shape_cast %swap3A_66 : vector<1x16xf32> to vector<16xf32>
      %swap3A_68 = vector.shape_cast %broadcast_in_dim3A_63 : vector<16xf32> to vector<1x16xf32>
      tpu.vector_store %arg8[%swap3A_64, %swap3A_65], %swap3A_68 {strides = array<i32>} : memref<80x128xf32, #tpu.memory_space<vmem>>, vector<1x16xf32>,
      %broadcast_in_dim3A_69 = arith.constant 1.000000e+00 : f32
      %broadcast_in_dim3A_70 = vector.broadcast %broadcast_in_dim3A_69 : f32 to vector<16xf32>
      %swap3A_71 = arith.index_cast %add3A_35 : i32 to index
      %swap3A_72 = arith.constant 80 : index
      %swap3A_73 = tpu.vector_load %arg8[%swap3A_71, %swap3A_72] {strides = array<i32>} : memref<80x128xf32, #tpu.memory_space<vmem>>, vector<1x16xf32>,
      %swap3A_74 = vector.shape_cast %swap3A_73 : vector<1x16xf32> to vector<16xf32>
      %swap3A_75 = vector.shape_cast %broadcast_in_dim3A_70 : vector<16xf32> to vector<1x16xf32>
      tpu.vector_store %arg8[%swap3A_71, %swap3A_72], %swap3A_75 {strides = array<i32>} : memref<80x128xf32, #tpu.memory_space<vmem>>, vector<1x16xf32>,
      %broadcast_in_dim3A_76 = arith.constant 1.000000e+00 : f32
      %broadcast_in_dim3A_77 = vector.broadcast %broadcast_in_dim3A_76 : f32 to vector<16xf32>
      %swap3A_78 = arith.index_cast %add3A_35 : i32 to index
      %swap3A_79 = arith.constant 96 : index
      %swap3A_80 = tpu.vector_load %arg8[%swap3A_78, %swap3A_79] {strides = array<i32>} : memref<80x128xf32, #tpu.memory_space<vmem>>, vector<1x16xf32>,
      %swap3A_81 = vector.shape_cast %swap3A_80 : vector<1x16xf32> to vector<16xf32>
      %swap3A_82 = vector.shape_cast %broadcast_in_dim3A_77 : vector<16xf32> to vector<1x16xf32>
      tpu.vector_store %arg8[%swap3A_78, %swap3A_79], %swap3A_82 {strides = array<i32>} : memref<80x128xf32, #tpu.memory_space<vmem>>, vector<1x16xf32>,
      %broadcast_in_dim3A_83 = arith.constant 1.000000e+00 : f32
      %broadcast_in_dim3A_84 = vector.broadcast %broadcast_in_dim3A_83 : f32 to vector<16xf32>
      %swap3A_85 = arith.index_cast %add3A_35 : i32 to index
      %swap3A_86 = arith.constant 112 : index
      %swap3A_87 = tpu.vector_load %arg8[%swap3A_85, %swap3A_86] {strides = array<i32>} : memref<80x128xf32, #tpu.memory_space<vmem>>, vector<1x16xf32>,
      %swap3A_88 = vector.shape_cast %swap3A_87 : vector<1x16xf32> to vector<16xf32>
      %swap3A_89 = vector.shape_cast %broadcast_in_dim3A_84 : vector<16xf32> to vector<1x16xf32>
      tpu.vector_store %arg8[%swap3A_85, %swap3A_86], %swap3A_89 {strides = array<i32>} : memref<80x128xf32, #tpu.memory_space<vmem>>, vector<1x16xf32>,
    }
    %scan3A_3 = arith.constant 80 : i32
    %lt3A = arith.constant 15 : i32
    %lt3A_4 = arith.cmpi slt, %arg1, %lt3A : i32
    %convert_element_type3A = arith.extui %lt3A_4 : i1 to i32
    %cond3A = arith.constant 0 : i32
    %cond3A_5 = arith.cmpi ne, %convert_element_type3A, %cond3A : i32
    scf.if %cond3A_5 {
      %mul3A_31 = arith.constant 640 : i32
      %mul3A_32 = arith.muli %arg1, %mul3A_31 : i32
      %mul3A_33 = arith.constant 640 : i32
      %mul3A_34 = arith.muli %arg1, %mul3A_33 : i32
      "tpu.region"() ({
        %run_scoped3A = tpu.sem_alloc : memref<!tpu.dma_semaphore, #tpu.memory_space<semaphore_mem>>
        %dma_start3A = arith.constant 0 : i32
        %dma_start3A_35 = tpu.memref_slice %arg5[%mul3A_34, %dma_start3A] : memref<10000x128xf32, #tpu.memory_space<vmem_shared>> -> memref<640x128xf32, #tpu.memory_space<vmem_shared>>
        %dma_start3A_36 = arith.constant 0 : i32
        %dma_start3A_37 = tpu.memref_slice %arg3[%mul3A_32, %dma_start3A_36] : memref<10000x128xf32, #tpu.memory_space<hbm>> -> memref<640x128xf32, #tpu.memory_space<hbm>>
        tpu.enqueue_dma source(%dma_start3A_37 : memref<640x128xf32, #tpu.memory_space<hbm>>) target(%dma_start3A_35 : memref<640x128xf32, #tpu.memory_space<vmem_shared>>) target_semaphore(%run_scoped3A : memref<!tpu.dma_semaphore, #tpu.memory_space<semaphore_mem>>)
        %dma_wait3A = arith.constant 0 : i32
        %dma_wait3A_38 = tpu.memref_slice %arg5[%mul3A_34, %dma_wait3A] : memref<10000x128xf32, #tpu.memory_space<vmem_shared>> -> memref<640x128xf32, #tpu.memory_space<vmem_shared>>
        %dma_wait3A_39 = arith.constant 0 : i32
        %dma_wait3A_40 = tpu.memref_slice %arg3[%mul3A_32, %dma_wait3A_39] : memref<10000x128xf32, #tpu.memory_space<hbm>> -> memref<640x128xf32, #tpu.memory_space<hbm>>
        tpu.wait_dma2 semaphore(%run_scoped3A : memref<!tpu.dma_semaphore, #tpu.memory_space<semaphore_mem>>) src(%dma_wait3A_40 : memref<640x128xf32, #tpu.memory_space<hbm>>) dst(%dma_wait3A_38 : memref<640x128xf32, #tpu.memory_space<vmem_shared>>)
        tpu.yield
      }) : () -> ()
    } else {
    }
    %eq3A = arith.constant 15 : i32
    %eq3A_6 = arith.cmpi eq, %arg1, %eq3A : i32
    %convert_element_type3A_7 = arith.extui %eq3A_6 : i1 to i32
    %cond3A_8 = arith.constant 0 : i32
    %cond3A_9 = arith.cmpi ne, %convert_element_type3A_7, %cond3A_8 : i32
    scf.if %cond3A_9 {
      "tpu.region"() ({
        %run_scoped3A = tpu.sem_alloc : memref<!tpu.dma_semaphore, #tpu.memory_space<semaphore_mem>>
        %dma_start3A = arith.constant 9600 : i32
        %dma_start3A_31 = arith.constant 0 : i32
        %dma_start3A_32 = tpu.memref_slice %arg5[%dma_start3A, %dma_start3A_31] : memref<10000x128xf32, #tpu.memory_space<vmem_shared>> -> memref<400x128xf32, #tpu.memory_space<vmem_shared>>
        %dma_start3A_33 = arith.constant 9600 : i32
        %dma_start3A_34 = arith.constant 0 : i32
        %dma_start3A_35 = tpu.memref_slice %arg3[%dma_start3A_33, %dma_start3A_34] : memref<10000x128xf32, #tpu.memory_space<hbm>> -> memref<400x128xf32, #tpu.memory_space<hbm>>
        tpu.enqueue_dma source(%dma_start3A_35 : memref<400x128xf32, #tpu.memory_space<hbm>>) target(%dma_start3A_32 : memref<400x128xf32, #tpu.memory_space<vmem_shared>>) target_semaphore(%run_scoped3A : memref<!tpu.dma_semaphore, #tpu.memory_space<semaphore_mem>>)
        %dma_wait3A = arith.constant 9600 : i32
        %dma_wait3A_36 = arith.constant 0 : i32
        %dma_wait3A_37 = tpu.memref_slice %arg5[%dma_wait3A, %dma_wait3A_36] : memref<10000x128xf32, #tpu.memory_space<vmem_shared>> -> memref<400x128xf32, #tpu.memory_space<vmem_shared>>
        %dma_wait3A_38 = arith.constant 9600 : i32
        %dma_wait3A_39 = arith.constant 0 : i32
        %dma_wait3A_40 = tpu.memref_slice %arg3[%dma_wait3A_38, %dma_wait3A_39] : memref<10000x128xf32, #tpu.memory_space<hbm>> -> memref<400x128xf32, #tpu.memory_space<hbm>>
        tpu.wait_dma2 semaphore(%run_scoped3A : memref<!tpu.dma_semaphore, #tpu.memory_space<semaphore_mem>>) src(%dma_wait3A_40 : memref<400x128xf32, #tpu.memory_space<hbm>>) dst(%dma_wait3A_37 : memref<400x128xf32, #tpu.memory_space<vmem_shared>>)
        tpu.yield
      }) : () -> ()
    } else {
    }
    %barrier3A = arith.constant 0 : index
    tpu.barrier barrier_id(%barrier3A)
    %mul3A = arith.constant 2 : i32
    %mul3A_10 = arith.muli %arg1, %mul3A : i32
    %add3A = arith.addi %mul3A_10, %arg0 : i32
    %mul3A_11 = arith.constant 5000 : i32
    %mul3A_12 = arith.muli %add3A, %mul3A_11 : i32
    %scan3A_13 = arith.constant 0 : i32
    %scan3A_14 = arith.constant 62 : i32
    %scan3A_15 = arith.addi %scan3A_13, %scan3A_14 : i32
    %scan3A_16 = arith.constant 1 : i32
    scf.for %scan3A_31 = %scan3A_13 to %scan3A_15 step %scan3A_16  : i32 {
      %mul3A_32 = arith.constant 1 : i32
      %mul3A_33 = arith.muli %scan3A_31, %mul3A_32 : i32
      %add3A_34 = arith.constant 0 : i32
      %add3A_35 = arith.addi %add3A_34, %mul3A_33 : i32
      %mul3A_36 = arith.constant 80 : i32
      %mul3A_37 = arith.muli %add3A_35, %mul3A_36 : i32
      %add3A_38 = arith.addi %mul3A_12, %mul3A_37 : i32
      "tpu.region"() ({
        %run_scoped3A = tpu.sem_alloc : memref<!tpu.dma_semaphore, #tpu.memory_space<semaphore_mem>>
        %dma_start3A = tpu.memref_slice %arg2[%add3A_38] : memref<160000xi32, #tpu.memory_space<hbm>> -> memref<80xi32, #tpu.memory_space<hbm>>
        %dma_start3A_39 = tpu.memref_slice %arg2[%add3A_38] : memref<160000xi32, #tpu.memory_space<hbm>> -> memref<80xi32, #tpu.memory_space<hbm>>
        tpu.enqueue_dma source(%dma_start3A_39 : memref<80xi32, #tpu.memory_space<hbm>>) target(%arg6 : memref<80xi32, #tpu.memory_space<vmem>>) target_semaphore(%run_scoped3A : memref<!tpu.dma_semaphore, #tpu.memory_space<semaphore_mem>>)
        %dma_wait3A = tpu.memref_slice %arg2[%add3A_38] : memref<160000xi32, #tpu.memory_space<hbm>> -> memref<80xi32, #tpu.memory_space<hbm>>
        %dma_wait3A_40 = tpu.memref_slice %arg2[%add3A_38] : memref<160000xi32, #tpu.memory_space<hbm>> -> memref<80xi32, #tpu.memory_space<hbm>>
        tpu.wait_dma2 semaphore(%run_scoped3A : memref<!tpu.dma_semaphore, #tpu.memory_space<semaphore_mem>>) src(%dma_wait3A_40 : memref<80xi32, #tpu.memory_space<hbm>>) dst(%arg6 : memref<80xi32, #tpu.memory_space<vmem>>)
        tpu.yield
      }) : () -> ()
      "tpu.region"() ({
        %run_scoped3A = tpu.sem_alloc : memref<!tpu.dma_semaphore, #tpu.memory_space<semaphore_mem>>
        %dma_start3A = arith.constant 0 : i32
        %dma_start3A_39 = arith.constant 0 : i32
        %dma_start3A_40 = tpu.memref_slice %arg5[%dma_start3A, %dma_start3A_39] : memref<10000x128xf32, #tpu.memory_space<vmem_shared>> -> memref<10000x128xf32, #tpu.memory_space<vmem_shared>>
        tpu.enqueue_indirect_dma source(%arg8 : memref<80x128xf32, #tpu.memory_space<vmem>>) target(%dma_start3A_40 : memref<10000x128xf32, #tpu.memory_space<vmem_shared>>) offsets(%arg6 : memref<80xi32, #tpu.memory_space<vmem>>) semaphore(%run_scoped3A : memref<!tpu.dma_semaphore, #tpu.memory_space<semaphore_mem>>) {add = true}
        %dma_wait3A = arith.constant 0 : i32
        %dma_wait3A_41 = arith.constant 0 : i32
        %dma_wait3A_42 = tpu.memref_slice %arg5[%dma_wait3A, %dma_wait3A_41] : memref<10000x128xf32, #tpu.memory_space<vmem_shared>> -> memref<10000x128xf32, #tpu.memory_space<vmem_shared>>
        tpu.wait_indirect_dma semaphore(%run_scoped3A : memref<!tpu.dma_semaphore, #tpu.memory_space<semaphore_mem>>) src(%arg8 : memref<80x128xf32, #tpu.memory_space<vmem>>) dst(%dma_wait3A_42 : memref<10000x128xf32, #tpu.memory_space<vmem_shared>>)
        tpu.yield
      }) : () -> ()
    }
    %scan3A_17 = arith.constant 62 : i32
    %add3A_18 = arith.constant 4960 : i32
    %add3A_19 = arith.addi %mul3A_12, %add3A_18 : i32
    "tpu.region"() ({
      %run_scoped3A = tpu.sem_alloc : memref<!tpu.dma_semaphore, #tpu.memory_space<semaphore_mem>>
      %dma_start3A = tpu.memref_slice %arg2[%add3A_19] : memref<160000xi32, #tpu.memory_space<hbm>> -> memref<40xi32, #tpu.memory_space<hbm>>
      %dma_start3A_31 = tpu.memref_slice %arg2[%add3A_19] : memref<160000xi32, #tpu.memory_space<hbm>> -> memref<40xi32, #tpu.memory_space<hbm>>
      tpu.enqueue_dma source(%dma_start3A_31 : memref<40xi32, #tpu.memory_space<hbm>>) target(%arg7 : memref<40xi32, #tpu.memory_space<vmem>>) target_semaphore(%run_scoped3A : memref<!tpu.dma_semaphore, #tpu.memory_space<semaphore_mem>>)
      %dma_wait3A = tpu.memref_slice %arg2[%add3A_19] : memref<160000xi32, #tpu.memory_space<hbm>> -> memref<40xi32, #tpu.memory_space<hbm>>
      %dma_wait3A_32 = tpu.memref_slice %arg2[%add3A_19] : memref<160000xi32, #tpu.memory_space<hbm>> -> memref<40xi32, #tpu.memory_space<hbm>>
      tpu.wait_dma2 semaphore(%run_scoped3A : memref<!tpu.dma_semaphore, #tpu.memory_space<semaphore_mem>>) src(%dma_wait3A_32 : memref<40xi32, #tpu.memory_space<hbm>>) dst(%arg7 : memref<40xi32, #tpu.memory_space<vmem>>)
      tpu.yield
    }) : () -> ()
    "tpu.region"() ({
      %run_scoped3A = tpu.sem_alloc : memref<!tpu.dma_semaphore, #tpu.memory_space<semaphore_mem>>
      %dma_start3A = arith.constant 0 : i32
      %dma_start3A_31 = arith.constant 0 : i32
      %dma_start3A_32 = tpu.memref_slice %arg8[%dma_start3A, %dma_start3A_31] : memref<80x128xf32, #tpu.memory_space<vmem>> -> memref<40x128xf32, #tpu.memory_space<vmem>>
      %dma_start3A_33 = arith.constant 0 : i32
      %dma_start3A_34 = arith.constant 0 : i32
      %dma_start3A_35 = tpu.memref_slice %arg5[%dma_start3A_33, %dma_start3A_34] : memref<10000x128xf32, #tpu.memory_space<vmem_shared>> -> memref<10000x128xf32, #tpu.memory_space<vmem_shared>>
      tpu.enqueue_indirect_dma source(%dma_start3A_32 : memref<40x128xf32, #tpu.memory_space<vmem>>) target(%dma_start3A_35 : memref<10000x128xf32, #tpu.memory_space<vmem_shared>>) offsets(%arg7 : memref<40xi32, #tpu.memory_space<vmem>>) semaphore(%run_scoped3A : memref<!tpu.dma_semaphore, #tpu.memory_space<semaphore_mem>>) {add = true}
      %dma_wait3A = arith.constant 0 : i32
      %dma_wait3A_36 = arith.constant 0 : i32
      %dma_wait3A_37 = tpu.memref_slice %arg8[%dma_wait3A, %dma_wait3A_36] : memref<80x128xf32, #tpu.memory_space<vmem>> -> memref<40x128xf32, #tpu.memory_space<vmem>>
      %dma_wait3A_38 = arith.constant 0 : i32
      %dma_wait3A_39 = arith.constant 0 : i32
      %dma_wait3A_40 = tpu.memref_slice %arg5[%dma_wait3A_38, %dma_wait3A_39] : memref<10000x128xf32, #tpu.memory_space<vmem_shared>> -> memref<10000x128xf32, #tpu.memory_space<vmem_shared>>
      tpu.wait_indirect_dma semaphore(%run_scoped3A : memref<!tpu.dma_semaphore, #tpu.memory_space<semaphore_mem>>) src(%dma_wait3A_37 : memref<40x128xf32, #tpu.memory_space<vmem>>) dst(%dma_wait3A_40 : memref<10000x128xf32, #tpu.memory_space<vmem_shared>>)
      tpu.yield
    }) : () -> ()
    %barrier3A_20 = arith.constant 0 : index
    tpu.barrier barrier_id(%barrier3A_20)
    %lt3A_21 = arith.constant 15 : i32
    %lt3A_22 = arith.cmpi slt, %arg1, %lt3A_21 : i32
    %convert_element_type3A_23 = arith.extui %lt3A_22 : i1 to i32
    %cond3A_24 = arith.constant 0 : i32
    %cond3A_25 = arith.cmpi ne, %convert_element_type3A_23, %cond3A_24 : i32
    scf.if %cond3A_25 {
      %mul3A_31 = arith.constant 640 : i32
      %mul3A_32 = arith.muli %arg1, %mul3A_31 : i32
      %mul3A_33 = arith.constant 10000 : i32
      %mul3A_34 = arith.muli %arg0, %mul3A_33 : i32
      %mul3A_35 = arith.constant 640 : i32
      %mul3A_36 = arith.muli %arg1, %mul3A_35 : i32
      %add3A_37 = arith.addi %mul3A_34, %mul3A_36 : i32
      "tpu.region"() ({
        %run_scoped3A = tpu.sem_alloc : memref<!tpu.dma_semaphore, #tpu.memory_space<semaphore_mem>>
        %dma_start3A = arith.constant 0 : i32
        %dma_start3A_38 = tpu.memref_slice %arg4[%add3A_37, %dma_start3A] : memref<20000x128xf32, #tpu.memory_space<hbm>> -> memref<640x128xf32, #tpu.memory_space<hbm>>
        %dma_start3A_39 = arith.constant 0 : i32
        %dma_start3A_40 = tpu.memref_slice %arg5[%mul3A_32, %dma_start3A_39] : memref<10000x128xf32, #tpu.memory_space<vmem_shared>> -> memref<640x128xf32, #tpu.memory_space<vmem_shared>>
        tpu.enqueue_dma source(%dma_start3A_40 : memref<640x128xf32, #tpu.memory_space<vmem_shared>>) target(%dma_start3A_38 : memref<640x128xf32, #tpu.memory_space<hbm>>) target_semaphore(%run_scoped3A : memref<!tpu.dma_semaphore, #tpu.memory_space<semaphore_mem>>)
        %dma_wait3A = arith.constant 0 : i32
        %dma_wait3A_41 = tpu.memref_slice %arg4[%add3A_37, %dma_wait3A] : memref<20000x128xf32, #tpu.memory_space<hbm>> -> memref<640x128xf32, #tpu.memory_space<hbm>>
        %dma_wait3A_42 = arith.constant 0 : i32
        %dma_wait3A_43 = tpu.memref_slice %arg5[%mul3A_32, %dma_wait3A_42] : memref<10000x128xf32, #tpu.memory_space<vmem_shared>> -> memref<640x128xf32, #tpu.memory_space<vmem_shared>>
        tpu.wait_dma2 semaphore(%run_scoped3A : memref<!tpu.dma_semaphore, #tpu.memory_space<semaphore_mem>>) src(%dma_wait3A_43 : memref<640x128xf32, #tpu.memory_space<vmem_shared>>) dst(%dma_wait3A_41 : memref<640x128xf32, #tpu.memory_space<hbm>>)
        tpu.yield
      }) : () -> ()
    } else {
    }
    %eq3A_26 = arith.constant 15 : i32
    %eq3A_27 = arith.cmpi eq, %arg1, %eq3A_26 : i32
    %convert_element_type3A_28 = arith.extui %eq3A_27 : i1 to i32
    %cond3A_29 = arith.constant 0 : i32
    %cond3A_30 = arith.cmpi ne, %convert_element_type3A_28, %cond3A_29 : i32
    scf.if %cond3A_30 {
      %mul3A_31 = arith.constant 10000 : i32
      %mul3A_32 = arith.muli %arg0, %mul3A_31 : i32
      %add3A_33 = arith.constant 9600 : i32
      %add3A_34 = arith.addi %mul3A_32, %add3A_33 : i32
      "tpu.region"() ({
        %run_scoped3A = tpu.sem_alloc : memref<!tpu.dma_semaphore, #tpu.memory_space<semaphore_mem>>
        %dma_start3A = arith.constant 0 : i32
        %dma_start3A_35 = tpu.memref_slice %arg4[%add3A_34, %dma_start3A] : memref<20000x128xf32, #tpu.memory_space<hbm>> -> memref<400x128xf32, #tpu.memory_space<hbm>>
        %dma_start3A_36 = arith.constant 9600 : i32
        %dma_start3A_37 = arith.constant 0 : i32
        %dma_start3A_38 = tpu.memref_slice %arg5[%dma_start3A_36, %dma_start3A_37] : memref<10000x128xf32, #tpu.memory_space<vmem_shared>> -> memref<400x128xf32, #tpu.memory_space<vmem_shared>>
        tpu.enqueue_dma source(%dma_start3A_38 : memref<400x128xf32, #tpu.memory_space<vmem_shared>>) target(%dma_start3A_35 : memref<400x128xf32, #tpu.memory_space<hbm>>) target_semaphore(%run_scoped3A : memref<!tpu.dma_semaphore, #tpu.memory_space<semaphore_mem>>)
        %dma_wait3A = arith.constant 0 : i32
        %dma_wait3A_39 = tpu.memref_slice %arg4[%add3A_34, %dma_wait3A] : memref<20000x128xf32, #tpu.memory_space<hbm>> -> memref<400x128xf32, #tpu.memory_space<hbm>>
        %dma_wait3A_40 = arith.constant 9600 : i32
        %dma_wait3A_41 = arith.constant 0 : i32
        %dma_wait3A_42 = tpu.memref_slice %arg5[%dma_wait3A_40, %dma_wait3A_41] : memref<10000x128xf32, #tpu.memory_space<vmem_shared>> -> memref<400x128xf32, #tpu.memory_space<vmem_shared>>
        tpu.wait_dma2 semaphore(%run_scoped3A : memref<!tpu.dma_semaphore, #tpu.memory_space<semaphore_mem>>) src(%dma_wait3A_42 : memref<400x128xf32, #tpu.memory_space<vmem_shared>>) dst(%dma_wait3A_39 : memref<400x128xf32, #tpu.memory_space<hbm>>)
        tpu.yield
      }) : () -> ()
    } else {
    }
    return
  }
}

#map = affine_map<(d0, d1) -> (0, 0)>
#map1 = affine_map<(d0, d1) -> (0, 0, 0)>
#map2 = affine_map<(d0, d1) -> (0)>
module attributes {stable_mosaic.version = 14 : i64} {
  func.func @_agg(%arg0: i32, %arg1: i32, %arg2: memref<20000x128xf32, #tpu.memory_space<hbm>>, %arg3: memref<16x125x80xi32, #tpu.memory_space<hbm>>, %arg4: memref<160000xi32, #tpu.memory_space<hbm>>, %arg5: memref<20000x128xf32, #tpu.memory_space<hbm>>, %arg6: memref<10000x128xf32, #tpu.memory_space<vmem_shared>>, %arg7: memref<125x80xi32, #tpu.memory_space<vmem>>, %arg8: memref<80xi32, #tpu.memory_space<vmem>>, %arg9: memref<80xi32, #tpu.memory_space<vmem>>, %arg10: memref<80xi32, #tpu.memory_space<vmem>>, %arg11: memref<80x128xf32, #tpu.memory_space<vmem>>, %arg12: memref<80x128xf32, #tpu.memory_space<vmem>>, %arg13: memref<80x128xf32, #tpu.memory_space<vmem>>, %arg14: memref<!tpu.dma_semaphore, #tpu.memory_space<semaphore_mem>>, %arg15: memref<!tpu.dma_semaphore, #tpu.memory_space<semaphore_mem>>, %arg16: memref<!tpu.dma_semaphore, #tpu.memory_space<semaphore_mem>>, %arg17: memref<!tpu.dma_semaphore, #tpu.memory_space<semaphore_mem>>, %arg18: memref<!tpu.dma_semaphore, #tpu.memory_space<semaphore_mem>>, %arg19: memref<!tpu.dma_semaphore, #tpu.memory_space<semaphore_mem>>) attributes {dimension_semantics = [#tpu.dimension_semantics<core_parallel>, #tpu.dimension_semantics<subcore_parallel>], iteration_bounds = array<i64: 2, 16>, scalar_prefetch = 0 : i64, scratch_operands = 14 : i64, tpu.core_type = #tpu.core_type<sc_vector_subcore>, window_params = [{transform_indices = #map}, {transform_indices = #map1}, {transform_indices = #map2}, {transform_indices = #map}]} {
    "tpu.region"() ({
      %run_scoped3A = tpu.sem_alloc : memref<!tpu.dma_semaphore, #tpu.memory_space<semaphore_mem>>
      %dma_start3A_188 = arith.constant 0 : i32
      %dma_start3A_189 = arith.constant 0 : i32
      %dma_start3A_190 = tpu.memref_slice %arg3[%arg1, %dma_start3A_188, %dma_start3A_189] : memref<16x125x80xi32, #tpu.memory_space<hbm>> -> memref<1x125x80xi32, #tpu.memory_space<hbm>>
      %dma_start3A_191 = tpu.memref_squeeze %dma_start3A_190 : memref<1x125x80xi32, #tpu.memory_space<hbm>> -> memref<125x80xi32, #tpu.memory_space<hbm>>
      %dma_start3A_192 = arith.constant 0 : i32
      %dma_start3A_193 = arith.constant 0 : i32
      %dma_start3A_194 = tpu.memref_slice %arg3[%arg1, %dma_start3A_192, %dma_start3A_193] : memref<16x125x80xi32, #tpu.memory_space<hbm>> -> memref<1x125x80xi32, #tpu.memory_space<hbm>>
      %dma_start3A_195 = tpu.memref_squeeze %dma_start3A_194 : memref<1x125x80xi32, #tpu.memory_space<hbm>> -> memref<125x80xi32, #tpu.memory_space<hbm>>
      tpu.enqueue_dma source(%dma_start3A_195 : memref<125x80xi32, #tpu.memory_space<hbm>>) target(%arg7 : memref<125x80xi32, #tpu.memory_space<vmem>>) target_semaphore(%run_scoped3A : memref<!tpu.dma_semaphore, #tpu.memory_space<semaphore_mem>>)
      %dma_wait3A_196 = arith.constant 0 : i32
      %dma_wait3A_197 = arith.constant 0 : i32
      %dma_wait3A_198 = tpu.memref_slice %arg3[%arg1, %dma_wait3A_196, %dma_wait3A_197] : memref<16x125x80xi32, #tpu.memory_space<hbm>> -> memref<1x125x80xi32, #tpu.memory_space<hbm>>
      %dma_wait3A_199 = tpu.memref_squeeze %dma_wait3A_198 : memref<1x125x80xi32, #tpu.memory_space<hbm>> -> memref<125x80xi32, #tpu.memory_space<hbm>>
      %dma_wait3A_200 = arith.constant 0 : i32
      %dma_wait3A_201 = arith.constant 0 : i32
      %dma_wait3A_202 = tpu.memref_slice %arg3[%arg1, %dma_wait3A_200, %dma_wait3A_201] : memref<16x125x80xi32, #tpu.memory_space<hbm>> -> memref<1x125x80xi32, #tpu.memory_space<hbm>>
      %dma_wait3A_203 = tpu.memref_squeeze %dma_wait3A_202 : memref<1x125x80xi32, #tpu.memory_space<hbm>> -> memref<125x80xi32, #tpu.memory_space<hbm>>
      tpu.wait_dma2 semaphore(%run_scoped3A : memref<!tpu.dma_semaphore, #tpu.memory_space<semaphore_mem>>) src(%dma_wait3A_203 : memref<125x80xi32, #tpu.memory_space<hbm>>) dst(%arg7 : memref<125x80xi32, #tpu.memory_space<vmem>>)
      tpu.yield
    }) : () -> ()
    %mul3A = arith.constant 10000 : i32
    %mul3A_0 = arith.muli %arg0, %mul3A : i32
    %scan3A = arith.constant 0 : i32
    %scan3A_1 = arith.constant 125 : i32
    %scan3A_2 = arith.addi %scan3A, %scan3A_1 : i32
    %scan3A_3 = arith.constant 1 : i32
    scf.for %scan3A_188 = %scan3A to %scan3A_2 step %scan3A_3  : i32 {
      %mul3A_189 = arith.constant 1 : i32
      %mul3A_190 = arith.muli %scan3A_188, %mul3A_189 : i32
      %add3A_191 = arith.constant 0 : i32
      %add3A_192 = arith.addi %add3A_191, %mul3A_190 : i32
      %get3A = arith.index_cast %add3A_192 : i32 to index
      %get3A_193 = arith.constant 0 : index
      %get3A_194 = tpu.vector_load %arg7[%get3A, %get3A_193] {strides = array<i32>} : memref<125x80xi32, #tpu.memory_space<vmem>>, vector<1x16xi32>,
      %get3A_195 = vector.shape_cast %get3A_194 : vector<1x16xi32> to vector<16xi32>
      %add3A_196 = vector.broadcast %mul3A_0 : i32 to vector<16xi32>
      %add3A_197 = arith.addi %get3A_195, %add3A_196 : vector<16xi32>
      %swap3A = arith.index_cast %add3A_192 : i32 to index
      %swap3A_198 = arith.constant 0 : index
      %swap3A_199 = tpu.vector_load %arg7[%swap3A, %swap3A_198] {strides = array<i32>} : memref<125x80xi32, #tpu.memory_space<vmem>>, vector<1x16xi32>,
      %swap3A_200 = vector.shape_cast %swap3A_199 : vector<1x16xi32> to vector<16xi32>
      %swap3A_201 = vector.shape_cast %add3A_197 : vector<16xi32> to vector<1x16xi32>
      tpu.vector_store %arg7[%swap3A, %swap3A_198], %swap3A_201 {strides = array<i32>} : memref<125x80xi32, #tpu.memory_space<vmem>>, vector<1x16xi32>,
      %get3A_202 = arith.index_cast %add3A_192 : i32 to index
      %get3A_203 = arith.constant 16 : index
      %get3A_204 = tpu.vector_load %arg7[%get3A_202, %get3A_203] {strides = array<i32>} : memref<125x80xi32, #tpu.memory_space<vmem>>, vector<1x16xi32>,
      %get3A_205 = vector.shape_cast %get3A_204 : vector<1x16xi32> to vector<16xi32>
      %add3A_206 = vector.broadcast %mul3A_0 : i32 to vector<16xi32>
      %add3A_207 = arith.addi %get3A_205, %add3A_206 : vector<16xi32>
      %swap3A_208 = arith.index_cast %add3A_192 : i32 to index
      %swap3A_209 = arith.constant 16 : index
      %swap3A_210 = tpu.vector_load %arg7[%swap3A_208, %swap3A_209] {strides = array<i32>} : memref<125x80xi32, #tpu.memory_space<vmem>>, vector<1x16xi32>,
      %swap3A_211 = vector.shape_cast %swap3A_210 : vector<1x16xi32> to vector<16xi32>
      %swap3A_212 = vector.shape_cast %add3A_207 : vector<16xi32> to vector<1x16xi32>
      tpu.vector_store %arg7[%swap3A_208, %swap3A_209], %swap3A_212 {strides = array<i32>} : memref<125x80xi32, #tpu.memory_space<vmem>>, vector<1x16xi32>,
      %get3A_213 = arith.index_cast %add3A_192 : i32 to index
      %get3A_214 = arith.constant 32 : index
      %get3A_215 = tpu.vector_load %arg7[%get3A_213, %get3A_214] {strides = array<i32>} : memref<125x80xi32, #tpu.memory_space<vmem>>, vector<1x16xi32>,
      %get3A_216 = vector.shape_cast %get3A_215 : vector<1x16xi32> to vector<16xi32>
      %add3A_217 = vector.broadcast %mul3A_0 : i32 to vector<16xi32>
      %add3A_218 = arith.addi %get3A_216, %add3A_217 : vector<16xi32>
      %swap3A_219 = arith.index_cast %add3A_192 : i32 to index
      %swap3A_220 = arith.constant 32 : index
      %swap3A_221 = tpu.vector_load %arg7[%swap3A_219, %swap3A_220] {strides = array<i32>} : memref<125x80xi32, #tpu.memory_space<vmem>>, vector<1x16xi32>,
      %swap3A_222 = vector.shape_cast %swap3A_221 : vector<1x16xi32> to vector<16xi32>
      %swap3A_223 = vector.shape_cast %add3A_218 : vector<16xi32> to vector<1x16xi32>
      tpu.vector_store %arg7[%swap3A_219, %swap3A_220], %swap3A_223 {strides = array<i32>} : memref<125x80xi32, #tpu.memory_space<vmem>>, vector<1x16xi32>,
      %get3A_224 = arith.index_cast %add3A_192 : i32 to index
      %get3A_225 = arith.constant 48 : index
      %get3A_226 = tpu.vector_load %arg7[%get3A_224, %get3A_225] {strides = array<i32>} : memref<125x80xi32, #tpu.memory_space<vmem>>, vector<1x16xi32>,
      %get3A_227 = vector.shape_cast %get3A_226 : vector<1x16xi32> to vector<16xi32>
      %add3A_228 = vector.broadcast %mul3A_0 : i32 to vector<16xi32>
      %add3A_229 = arith.addi %get3A_227, %add3A_228 : vector<16xi32>
      %swap3A_230 = arith.index_cast %add3A_192 : i32 to index
      %swap3A_231 = arith.constant 48 : index
      %swap3A_232 = tpu.vector_load %arg7[%swap3A_230, %swap3A_231] {strides = array<i32>} : memref<125x80xi32, #tpu.memory_space<vmem>>, vector<1x16xi32>,
      %swap3A_233 = vector.shape_cast %swap3A_232 : vector<1x16xi32> to vector<16xi32>
      %swap3A_234 = vector.shape_cast %add3A_229 : vector<16xi32> to vector<1x16xi32>
      tpu.vector_store %arg7[%swap3A_230, %swap3A_231], %swap3A_234 {strides = array<i32>} : memref<125x80xi32, #tpu.memory_space<vmem>>, vector<1x16xi32>,
      %get3A_235 = arith.index_cast %add3A_192 : i32 to index
      %get3A_236 = arith.constant 64 : index
      %get3A_237 = tpu.vector_load %arg7[%get3A_235, %get3A_236] {strides = array<i32>} : memref<125x80xi32, #tpu.memory_space<vmem>>, vector<1x16xi32>,
      %get3A_238 = vector.shape_cast %get3A_237 : vector<1x16xi32> to vector<16xi32>
      %add3A_239 = vector.broadcast %mul3A_0 : i32 to vector<16xi32>
      %add3A_240 = arith.addi %get3A_238, %add3A_239 : vector<16xi32>
      %swap3A_241 = arith.index_cast %add3A_192 : i32 to index
      %swap3A_242 = arith.constant 64 : index
      %swap3A_243 = tpu.vector_load %arg7[%swap3A_241, %swap3A_242] {strides = array<i32>} : memref<125x80xi32, #tpu.memory_space<vmem>>, vector<1x16xi32>,
      %swap3A_244 = vector.shape_cast %swap3A_243 : vector<1x16xi32> to vector<16xi32>
      %swap3A_245 = vector.shape_cast %add3A_240 : vector<16xi32> to vector<1x16xi32>
      tpu.vector_store %arg7[%swap3A_241, %swap3A_242], %swap3A_245 {strides = array<i32>} : memref<125x80xi32, #tpu.memory_space<vmem>>, vector<1x16xi32>,
    }
    %scan3A_4 = arith.constant 125 : i32
    %add3A = arith.constant 0 : i32
    %add3A_5 = arith.addi %arg0, %add3A : i32
    %mul3A_6 = arith.constant 10000 : i32
    %mul3A_7 = arith.muli %add3A_5, %mul3A_6 : i32
    %lt3A = arith.constant 15 : i32
    %lt3A_8 = arith.cmpi slt, %arg1, %lt3A : i32
    %convert_element_type3A = arith.extui %lt3A_8 : i1 to i32
    %cond3A = arith.constant 0 : i32
    %cond3A_9 = arith.cmpi ne, %convert_element_type3A, %cond3A : i32
    scf.if %cond3A_9 {
      %mul3A_188 = arith.constant 640 : i32
      %mul3A_189 = arith.muli %arg1, %mul3A_188 : i32
      %add3A_190 = arith.addi %mul3A_7, %mul3A_189 : i32
      %mul3A_191 = arith.constant 640 : i32
      %mul3A_192 = arith.muli %arg1, %mul3A_191 : i32
      "tpu.region"() ({
        %run_scoped3A = tpu.sem_alloc : memref<!tpu.dma_semaphore, #tpu.memory_space<semaphore_mem>>
        %dma_start3A_193 = arith.constant 0 : i32
        %dma_start3A_194 = tpu.memref_slice %arg6[%mul3A_192, %dma_start3A_193] : memref<10000x128xf32, #tpu.memory_space<vmem_shared>> -> memref<640x128xf32, #tpu.memory_space<vmem_shared>>
        %dma_start3A_195 = arith.constant 0 : i32
        %dma_start3A_196 = tpu.memref_slice %arg2[%add3A_190, %dma_start3A_195] : memref<20000x128xf32, #tpu.memory_space<hbm>> -> memref<640x128xf32, #tpu.memory_space<hbm>>
        tpu.enqueue_dma source(%dma_start3A_196 : memref<640x128xf32, #tpu.memory_space<hbm>>) target(%dma_start3A_194 : memref<640x128xf32, #tpu.memory_space<vmem_shared>>) target_semaphore(%run_scoped3A : memref<!tpu.dma_semaphore, #tpu.memory_space<semaphore_mem>>)
        %dma_wait3A_197 = arith.constant 0 : i32
        %dma_wait3A_198 = tpu.memref_slice %arg6[%mul3A_192, %dma_wait3A_197] : memref<10000x128xf32, #tpu.memory_space<vmem_shared>> -> memref<640x128xf32, #tpu.memory_space<vmem_shared>>
        %dma_wait3A_199 = arith.constant 0 : i32
        %dma_wait3A_200 = tpu.memref_slice %arg2[%add3A_190, %dma_wait3A_199] : memref<20000x128xf32, #tpu.memory_space<hbm>> -> memref<640x128xf32, #tpu.memory_space<hbm>>
        tpu.wait_dma2 semaphore(%run_scoped3A : memref<!tpu.dma_semaphore, #tpu.memory_space<semaphore_mem>>) src(%dma_wait3A_200 : memref<640x128xf32, #tpu.memory_space<hbm>>) dst(%dma_wait3A_198 : memref<640x128xf32, #tpu.memory_space<vmem_shared>>)
        tpu.yield
      }) : () -> ()
    } else {
    }
    %eq3A = arith.constant 15 : i32
    %eq3A_10 = arith.cmpi eq, %arg1, %eq3A : i32
    %convert_element_type3A_11 = arith.extui %eq3A_10 : i1 to i32
    %cond3A_12 = arith.constant 0 : i32
    %cond3A_13 = arith.cmpi ne, %convert_element_type3A_11, %cond3A_12 : i32
    scf.if %cond3A_13 {
      %add3A_188 = arith.constant 9600 : i32
      %add3A_189 = arith.addi %mul3A_7, %add3A_188 : i32
      "tpu.region"() ({
        %run_scoped3A = tpu.sem_alloc : memref<!tpu.dma_semaphore, #tpu.memory_space<semaphore_mem>>
        %dma_start3A_190 = arith.constant 9600 : i32
        %dma_start3A_191 = arith.constant 0 : i32
        %dma_start3A_192 = tpu.memref_slice %arg6[%dma_start3A_190, %dma_start3A_191] : memref<10000x128xf32, #tpu.memory_space<vmem_shared>> -> memref<400x128xf32, #tpu.memory_space<vmem_shared>>
        %dma_start3A_193 = arith.constant 0 : i32
        %dma_start3A_194 = tpu.memref_slice %arg2[%add3A_189, %dma_start3A_193] : memref<20000x128xf32, #tpu.memory_space<hbm>> -> memref<400x128xf32, #tpu.memory_space<hbm>>
        tpu.enqueue_dma source(%dma_start3A_194 : memref<400x128xf32, #tpu.memory_space<hbm>>) target(%dma_start3A_192 : memref<400x128xf32, #tpu.memory_space<vmem_shared>>) target_semaphore(%run_scoped3A : memref<!tpu.dma_semaphore, #tpu.memory_space<semaphore_mem>>)
        %dma_wait3A_195 = arith.constant 9600 : i32
        %dma_wait3A_196 = arith.constant 0 : i32
        %dma_wait3A_197 = tpu.memref_slice %arg6[%dma_wait3A_195, %dma_wait3A_196] : memref<10000x128xf32, #tpu.memory_space<vmem_shared>> -> memref<400x128xf32, #tpu.memory_space<vmem_shared>>
        %dma_wait3A_198 = arith.constant 0 : i32
        %dma_wait3A_199 = tpu.memref_slice %arg2[%add3A_189, %dma_wait3A_198] : memref<20000x128xf32, #tpu.memory_space<hbm>> -> memref<400x128xf32, #tpu.memory_space<hbm>>
        tpu.wait_dma2 semaphore(%run_scoped3A : memref<!tpu.dma_semaphore, #tpu.memory_space<semaphore_mem>>) src(%dma_wait3A_199 : memref<400x128xf32, #tpu.memory_space<hbm>>) dst(%dma_wait3A_197 : memref<400x128xf32, #tpu.memory_space<vmem_shared>>)
        tpu.yield
      }) : () -> ()
    } else {
    }
    %barrier3A = arith.constant 0 : index
    tpu.barrier barrier_id(%barrier3A)
    %dma_start3A = arith.constant 0 : i32
    %dma_start3A_14 = arith.constant 0 : i32
    %dma_start3A_15 = tpu.memref_slice %arg7[%dma_start3A, %dma_start3A_14] : memref<125x80xi32, #tpu.memory_space<vmem>> -> memref<1x80xi32, #tpu.memory_space<vmem>>
    %dma_start3A_16 = tpu.memref_squeeze %dma_start3A_15 : memref<1x80xi32, #tpu.memory_space<vmem>> -> memref<80xi32, #tpu.memory_space<vmem>>
    %dma_start3A_17 = arith.constant 0 : i32
    %dma_start3A_18 = arith.constant 0 : i32
    %dma_start3A_19 = tpu.memref_slice %arg2[%dma_start3A_17, %dma_start3A_18] : memref<20000x128xf32, #tpu.memory_space<hbm>> -> memref<20000x128xf32, #tpu.memory_space<hbm>>
    tpu.enqueue_indirect_dma source(%dma_start3A_19 : memref<20000x128xf32, #tpu.memory_space<hbm>>) target(%arg11 : memref<80x128xf32, #tpu.memory_space<vmem>>) offsets(%dma_start3A_16 : memref<80xi32, #tpu.memory_space<vmem>>) semaphore(%arg14 : memref<!tpu.dma_semaphore, #tpu.memory_space<semaphore_mem>>)
    %mul3A_20 = arith.constant 10000 : i32
    %mul3A_21 = arith.muli %arg1, %mul3A_20 : i32
    %add3A_22 = arith.constant 0 : i32
    %add3A_23 = arith.addi %mul3A_21, %add3A_22 : i32
    %dma_start3A_24 = tpu.memref_slice %arg4[%add3A_23] : memref<160000xi32, #tpu.memory_space<hbm>> -> memref<80xi32, #tpu.memory_space<hbm>>
    %dma_start3A_25 = tpu.memref_slice %arg4[%add3A_23] : memref<160000xi32, #tpu.memory_space<hbm>> -> memref<80xi32, #tpu.memory_space<hbm>>
    tpu.enqueue_dma source(%dma_start3A_25 : memref<80xi32, #tpu.memory_space<hbm>>) target(%arg8 : memref<80xi32, #tpu.memory_space<vmem>>) target_semaphore(%arg14 : memref<!tpu.dma_semaphore, #tpu.memory_space<semaphore_mem>>)
    %dma_start3A_26 = arith.constant 1 : i32
    %dma_start3A_27 = arith.constant 0 : i32
    %dma_start3A_28 = tpu.memref_slice %arg7[%dma_start3A_26, %dma_start3A_27] : memref<125x80xi32, #tpu.memory_space<vmem>> -> memref<1x80xi32, #tpu.memory_space<vmem>>
    %dma_start3A_29 = tpu.memref_squeeze %dma_start3A_28 : memref<1x80xi32, #tpu.memory_space<vmem>> -> memref<80xi32, #tpu.memory_space<vmem>>
    %dma_start3A_30 = arith.constant 0 : i32
    %dma_start3A_31 = arith.constant 0 : i32
    %dma_start3A_32 = tpu.memref_slice %arg2[%dma_start3A_30, %dma_start3A_31] : memref<20000x128xf32, #tpu.memory_space<hbm>> -> memref<20000x128xf32, #tpu.memory_space<hbm>>
    tpu.enqueue_indirect_dma source(%dma_start3A_32 : memref<20000x128xf32, #tpu.memory_space<hbm>>) target(%arg12 : memref<80x128xf32, #tpu.memory_space<vmem>>) offsets(%dma_start3A_29 : memref<80xi32, #tpu.memory_space<vmem>>) semaphore(%arg15 : memref<!tpu.dma_semaphore, #tpu.memory_space<semaphore_mem>>)
    %mul3A_33 = arith.constant 10000 : i32
    %mul3A_34 = arith.muli %arg1, %mul3A_33 : i32
    %add3A_35 = arith.constant 80 : i32
    %add3A_36 = arith.addi %mul3A_34, %add3A_35 : i32
    %dma_start3A_37 = tpu.memref_slice %arg4[%add3A_36] : memref<160000xi32, #tpu.memory_space<hbm>> -> memref<80xi32, #tpu.memory_space<hbm>>
    %dma_start3A_38 = tpu.memref_slice %arg4[%add3A_36] : memref<160000xi32, #tpu.memory_space<hbm>> -> memref<80xi32, #tpu.memory_space<hbm>>
    tpu.enqueue_dma source(%dma_start3A_38 : memref<80xi32, #tpu.memory_space<hbm>>) target(%arg9 : memref<80xi32, #tpu.memory_space<vmem>>) target_semaphore(%arg15 : memref<!tpu.dma_semaphore, #tpu.memory_space<semaphore_mem>>)
    %dma_wait3A = arith.constant 0 : i32
    %dma_wait3A_39 = arith.constant 0 : i32
    %dma_wait3A_40 = tpu.memref_slice %arg7[%dma_wait3A, %dma_wait3A_39] : memref<125x80xi32, #tpu.memory_space<vmem>> -> memref<1x80xi32, #tpu.memory_space<vmem>>
    %dma_wait3A_41 = tpu.memref_squeeze %dma_wait3A_40 : memref<1x80xi32, #tpu.memory_space<vmem>> -> memref<80xi32, #tpu.memory_space<vmem>>
    %dma_wait3A_42 = arith.constant 0 : i32
    %dma_wait3A_43 = arith.constant 0 : i32
    %dma_wait3A_44 = tpu.memref_slice %arg2[%dma_wait3A_42, %dma_wait3A_43] : memref<20000x128xf32, #tpu.memory_space<hbm>> -> memref<20000x128xf32, #tpu.memory_space<hbm>>
    tpu.wait_indirect_dma semaphore(%arg14 : memref<!tpu.dma_semaphore, #tpu.memory_space<semaphore_mem>>) src(%dma_wait3A_44 : memref<20000x128xf32, #tpu.memory_space<hbm>>) dst(%arg11 : memref<80x128xf32, #tpu.memory_space<vmem>>)
    %mul3A_45 = arith.constant 10000 : i32
    %mul3A_46 = arith.muli %arg1, %mul3A_45 : i32
    %add3A_47 = arith.constant 0 : i32
    %add3A_48 = arith.addi %mul3A_46, %add3A_47 : i32
    %dma_wait3A_49 = tpu.memref_slice %arg4[%add3A_48] : memref<160000xi32, #tpu.memory_space<hbm>> -> memref<80xi32, #tpu.memory_space<hbm>>
    %dma_wait3A_50 = tpu.memref_slice %arg4[%add3A_48] : memref<160000xi32, #tpu.memory_space<hbm>> -> memref<80xi32, #tpu.memory_space<hbm>>
    tpu.wait_dma2 semaphore(%arg14 : memref<!tpu.dma_semaphore, #tpu.memory_space<semaphore_mem>>) src(%dma_wait3A_50 : memref<80xi32, #tpu.memory_space<hbm>>) dst(%arg8 : memref<80xi32, #tpu.memory_space<vmem>>)
    %dma_start3A_51 = arith.constant 0 : i32
    %dma_start3A_52 = arith.constant 0 : i32
    %dma_start3A_53 = tpu.memref_slice %arg6[%dma_start3A_51, %dma_start3A_52] : memref<10000x128xf32, #tpu.memory_space<vmem_shared>> -> memref<10000x128xf32, #tpu.memory_space<vmem_shared>>
    tpu.enqueue_indirect_dma source(%arg11 : memref<80x128xf32, #tpu.memory_space<vmem>>) target(%dma_start3A_53 : memref<10000x128xf32, #tpu.memory_space<vmem_shared>>) offsets(%arg8 : memref<80xi32, #tpu.memory_space<vmem>>) semaphore(%arg17 : memref<!tpu.dma_semaphore, #tpu.memory_space<semaphore_mem>>) {add = true}
    %dma_start3A_54 = arith.constant 2 : i32
    %dma_start3A_55 = arith.constant 0 : i32
    %dma_start3A_56 = tpu.memref_slice %arg7[%dma_start3A_54, %dma_start3A_55] : memref<125x80xi32, #tpu.memory_space<vmem>> -> memref<1x80xi32, #tpu.memory_space<vmem>>
    %dma_start3A_57 = tpu.memref_squeeze %dma_start3A_56 : memref<1x80xi32, #tpu.memory_space<vmem>> -> memref<80xi32, #tpu.memory_space<vmem>>
    %dma_start3A_58 = arith.constant 0 : i32
    %dma_start3A_59 = arith.constant 0 : i32
    %dma_start3A_60 = tpu.memref_slice %arg2[%dma_start3A_58, %dma_start3A_59] : memref<20000x128xf32, #tpu.memory_space<hbm>> -> memref<20000x128xf32, #tpu.memory_space<hbm>>
    tpu.enqueue_indirect_dma source(%dma_start3A_60 : memref<20000x128xf32, #tpu.memory_space<hbm>>) target(%arg13 : memref<80x128xf32, #tpu.memory_space<vmem>>) offsets(%dma_start3A_57 : memref<80xi32, #tpu.memory_space<vmem>>) semaphore(%arg16 : memref<!tpu.dma_semaphore, #tpu.memory_space<semaphore_mem>>)
    %mul3A_61 = arith.constant 10000 : i32
    %mul3A_62 = arith.muli %arg1, %mul3A_61 : i32
    %add3A_63 = arith.constant 160 : i32
    %add3A_64 = arith.addi %mul3A_62, %add3A_63 : i32
    %dma_start3A_65 = tpu.memref_slice %arg4[%add3A_64] : memref<160000xi32, #tpu.memory_space<hbm>> -> memref<80xi32, #tpu.memory_space<hbm>>
    %dma_start3A_66 = tpu.memref_slice %arg4[%add3A_64] : memref<160000xi32, #tpu.memory_space<hbm>> -> memref<80xi32, #tpu.memory_space<hbm>>
    tpu.enqueue_dma source(%dma_start3A_66 : memref<80xi32, #tpu.memory_space<hbm>>) target(%arg10 : memref<80xi32, #tpu.memory_space<vmem>>) target_semaphore(%arg16 : memref<!tpu.dma_semaphore, #tpu.memory_space<semaphore_mem>>)
    %dma_wait3A_67 = arith.constant 1 : i32
    %dma_wait3A_68 = arith.constant 0 : i32
    %dma_wait3A_69 = tpu.memref_slice %arg7[%dma_wait3A_67, %dma_wait3A_68] : memref<125x80xi32, #tpu.memory_space<vmem>> -> memref<1x80xi32, #tpu.memory_space<vmem>>
    %dma_wait3A_70 = tpu.memref_squeeze %dma_wait3A_69 : memref<1x80xi32, #tpu.memory_space<vmem>> -> memref<80xi32, #tpu.memory_space<vmem>>
    %dma_wait3A_71 = arith.constant 0 : i32
    %dma_wait3A_72 = arith.constant 0 : i32
    %dma_wait3A_73 = tpu.memref_slice %arg2[%dma_wait3A_71, %dma_wait3A_72] : memref<20000x128xf32, #tpu.memory_space<hbm>> -> memref<20000x128xf32, #tpu.memory_space<hbm>>
    tpu.wait_indirect_dma semaphore(%arg15 : memref<!tpu.dma_semaphore, #tpu.memory_space<semaphore_mem>>) src(%dma_wait3A_73 : memref<20000x128xf32, #tpu.memory_space<hbm>>) dst(%arg12 : memref<80x128xf32, #tpu.memory_space<vmem>>)
    %mul3A_74 = arith.constant 10000 : i32
    %mul3A_75 = arith.muli %arg1, %mul3A_74 : i32
    %add3A_76 = arith.constant 80 : i32
    %add3A_77 = arith.addi %mul3A_75, %add3A_76 : i32
    %dma_wait3A_78 = tpu.memref_slice %arg4[%add3A_77] : memref<160000xi32, #tpu.memory_space<hbm>> -> memref<80xi32, #tpu.memory_space<hbm>>
    %dma_wait3A_79 = tpu.memref_slice %arg4[%add3A_77] : memref<160000xi32, #tpu.memory_space<hbm>> -> memref<80xi32, #tpu.memory_space<hbm>>
    tpu.wait_dma2 semaphore(%arg15 : memref<!tpu.dma_semaphore, #tpu.memory_space<semaphore_mem>>) src(%dma_wait3A_79 : memref<80xi32, #tpu.memory_space<hbm>>) dst(%arg9 : memref<80xi32, #tpu.memory_space<vmem>>)
    %dma_start3A_80 = arith.constant 0 : i32
    %dma_start3A_81 = arith.constant 0 : i32
    %dma_start3A_82 = tpu.memref_slice %arg6[%dma_start3A_80, %dma_start3A_81] : memref<10000x128xf32, #tpu.memory_space<vmem_shared>> -> memref<10000x128xf32, #tpu.memory_space<vmem_shared>>
    tpu.enqueue_indirect_dma source(%arg12 : memref<80x128xf32, #tpu.memory_space<vmem>>) target(%dma_start3A_82 : memref<10000x128xf32, #tpu.memory_space<vmem_shared>>) offsets(%arg9 : memref<80xi32, #tpu.memory_space<vmem>>) semaphore(%arg18 : memref<!tpu.dma_semaphore, #tpu.memory_space<semaphore_mem>>) {add = true}
    %dma_wait3A_83 = arith.constant 0 : i32
    %dma_wait3A_84 = arith.constant 0 : i32
    %dma_wait3A_85 = tpu.memref_slice %arg6[%dma_wait3A_83, %dma_wait3A_84] : memref<10000x128xf32, #tpu.memory_space<vmem_shared>> -> memref<10000x128xf32, #tpu.memory_space<vmem_shared>>
    tpu.wait_indirect_dma semaphore(%arg17 : memref<!tpu.dma_semaphore, #tpu.memory_space<semaphore_mem>>) src(%arg11 : memref<80x128xf32, #tpu.memory_space<vmem>>) dst(%dma_wait3A_85 : memref<10000x128xf32, #tpu.memory_space<vmem_shared>>)
    %dma_start3A_86 = arith.constant 3 : i32
    %dma_start3A_87 = arith.constant 0 : i32
    %dma_start3A_88 = tpu.memref_slice %arg7[%dma_start3A_86, %dma_start3A_87] : memref<125x80xi32, #tpu.memory_space<vmem>> -> memref<1x80xi32, #tpu.memory_space<vmem>>
    %dma_start3A_89 = tpu.memref_squeeze %dma_start3A_88 : memref<1x80xi32, #tpu.memory_space<vmem>> -> memref<80xi32, #tpu.memory_space<vmem>>
    %dma_start3A_90 = arith.constant 0 : i32
    %dma_start3A_91 = arith.constant 0 : i32
    %dma_start3A_92 = tpu.memref_slice %arg2[%dma_start3A_90, %dma_start3A_91] : memref<20000x128xf32, #tpu.memory_space<hbm>> -> memref<20000x128xf32, #tpu.memory_space<hbm>>
    tpu.enqueue_indirect_dma source(%dma_start3A_92 : memref<20000x128xf32, #tpu.memory_space<hbm>>) target(%arg11 : memref<80x128xf32, #tpu.memory_space<vmem>>) offsets(%dma_start3A_89 : memref<80xi32, #tpu.memory_space<vmem>>) semaphore(%arg14 : memref<!tpu.dma_semaphore, #tpu.memory_space<semaphore_mem>>)
    %mul3A_93 = arith.constant 10000 : i32
    %mul3A_94 = arith.muli %arg1, %mul3A_93 : i32
    %add3A_95 = arith.constant 240 : i32
    %add3A_96 = arith.addi %mul3A_94, %add3A_95 : i32
    %dma_start3A_97 = tpu.memref_slice %arg4[%add3A_96] : memref<160000xi32, #tpu.memory_space<hbm>> -> memref<80xi32, #tpu.memory_space<hbm>>
    %dma_start3A_98 = tpu.memref_slice %arg4[%add3A_96] : memref<160000xi32, #tpu.memory_space<hbm>> -> memref<80xi32, #tpu.memory_space<hbm>>
    tpu.enqueue_dma source(%dma_start3A_98 : memref<80xi32, #tpu.memory_space<hbm>>) target(%arg8 : memref<80xi32, #tpu.memory_space<vmem>>) target_semaphore(%arg14 : memref<!tpu.dma_semaphore, #tpu.memory_space<semaphore_mem>>)
    %dma_wait3A_99 = arith.constant 2 : i32
    %dma_wait3A_100 = arith.constant 0 : i32
    %dma_wait3A_101 = tpu.memref_slice %arg7[%dma_wait3A_99, %dma_wait3A_100] : memref<125x80xi32, #tpu.memory_space<vmem>> -> memref<1x80xi32, #tpu.memory_space<vmem>>
    %dma_wait3A_102 = tpu.memref_squeeze %dma_wait3A_101 : memref<1x80xi32, #tpu.memory_space<vmem>> -> memref<80xi32, #tpu.memory_space<vmem>>
    %dma_wait3A_103 = arith.constant 0 : i32
    %dma_wait3A_104 = arith.constant 0 : i32
    %dma_wait3A_105 = tpu.memref_slice %arg2[%dma_wait3A_103, %dma_wait3A_104] : memref<20000x128xf32, #tpu.memory_space<hbm>> -> memref<20000x128xf32, #tpu.memory_space<hbm>>
    tpu.wait_indirect_dma semaphore(%arg16 : memref<!tpu.dma_semaphore, #tpu.memory_space<semaphore_mem>>) src(%dma_wait3A_105 : memref<20000x128xf32, #tpu.memory_space<hbm>>) dst(%arg13 : memref<80x128xf32, #tpu.memory_space<vmem>>)
    %mul3A_106 = arith.constant 10000 : i32
    %mul3A_107 = arith.muli %arg1, %mul3A_106 : i32
    %add3A_108 = arith.constant 160 : i32
    %add3A_109 = arith.addi %mul3A_107, %add3A_108 : i32
    %dma_wait3A_110 = tpu.memref_slice %arg4[%add3A_109] : memref<160000xi32, #tpu.memory_space<hbm>> -> memref<80xi32, #tpu.memory_space<hbm>>
    %dma_wait3A_111 = tpu.memref_slice %arg4[%add3A_109] : memref<160000xi32, #tpu.memory_space<hbm>> -> memref<80xi32, #tpu.memory_space<hbm>>
    tpu.wait_dma2 semaphore(%arg16 : memref<!tpu.dma_semaphore, #tpu.memory_space<semaphore_mem>>) src(%dma_wait3A_111 : memref<80xi32, #tpu.memory_space<hbm>>) dst(%arg10 : memref<80xi32, #tpu.memory_space<vmem>>)
    %dma_start3A_112 = arith.constant 0 : i32
    %dma_start3A_113 = arith.constant 0 : i32
    %dma_start3A_114 = tpu.memref_slice %arg6[%dma_start3A_112, %dma_start3A_113] : memref<10000x128xf32, #tpu.memory_space<vmem_shared>> -> memref<10000x128xf32, #tpu.memory_space<vmem_shared>>
    tpu.enqueue_indirect_dma source(%arg13 : memref<80x128xf32, #tpu.memory_space<vmem>>) target(%dma_start3A_114 : memref<10000x128xf32, #tpu.memory_space<vmem_shared>>) offsets(%arg10 : memref<80xi32, #tpu.memory_space<vmem>>) semaphore(%arg19 : memref<!tpu.dma_semaphore, #tpu.memory_space<semaphore_mem>>) {add = true}
    %dma_wait3A_115 = arith.constant 0 : i32
    %dma_wait3A_116 = arith.constant 0 : i32
    %dma_wait3A_117 = tpu.memref_slice %arg6[%dma_wait3A_115, %dma_wait3A_116] : memref<10000x128xf32, #tpu.memory_space<vmem_shared>> -> memref<10000x128xf32, #tpu.memory_space<vmem_shared>>
    tpu.wait_indirect_dma semaphore(%arg18 : memref<!tpu.dma_semaphore, #tpu.memory_space<semaphore_mem>>) src(%arg12 : memref<80x128xf32, #tpu.memory_space<vmem>>) dst(%dma_wait3A_117 : memref<10000x128xf32, #tpu.memory_space<vmem_shared>>)
    %dma_start3A_118 = arith.constant 4 : i32
    %dma_start3A_119 = arith.constant 0 : i32
    %dma_start3A_120 = tpu.memref_slice %arg7[%dma_start3A_118, %dma_start3A_119] : memref<125x80xi32, #tpu.memory_space<vmem>> -> memref<1x80xi32, #tpu.memory_space<vmem>>
    %dma_start3A_121 = tpu.memref_squeeze %dma_start3A_120 : memref<1x80xi32, #tpu.memory_space<vmem>> -> memref<80xi32, #tpu.memory_space<vmem>>
    %dma_start3A_122 = arith.constant 0 : i32
    %dma_start3A_123 = arith.constant 0 : i32
    %dma_start3A_124 = tpu.memref_slice %arg2[%dma_start3A_122, %dma_start3A_123] : memref<20000x128xf32, #tpu.memory_space<hbm>> -> memref<20000x128xf32, #tpu.memory_space<hbm>>
    tpu.enqueue_indirect_dma source(%dma_start3A_124 : memref<20000x128xf32, #tpu.memory_space<hbm>>) target(%arg12 : memref<80x128xf32, #tpu.memory_space<vmem>>) offsets(%dma_start3A_121 : memref<80xi32, #tpu.memory_space<vmem>>) semaphore(%arg15 : memref<!tpu.dma_semaphore, #tpu.memory_space<semaphore_mem>>)
    %mul3A_125 = arith.constant 10000 : i32
    %mul3A_126 = arith.muli %arg1, %mul3A_125 : i32
    %add3A_127 = arith.constant 320 : i32
    %add3A_128 = arith.addi %mul3A_126, %add3A_127 : i32
    %dma_start3A_129 = tpu.memref_slice %arg4[%add3A_128] : memref<160000xi32, #tpu.memory_space<hbm>> -> memref<80xi32, #tpu.memory_space<hbm>>
    %dma_start3A_130 = tpu.memref_slice %arg4[%add3A_128] : memref<160000xi32, #tpu.memory_space<hbm>> -> memref<80xi32, #tpu.memory_space<hbm>>
    tpu.enqueue_dma source(%dma_start3A_130 : memref<80xi32, #tpu.memory_space<hbm>>) target(%arg9 : memref<80xi32, #tpu.memory_space<vmem>>) target_semaphore(%arg15 : memref<!tpu.dma_semaphore, #tpu.memory_space<semaphore_mem>>)
    %scan3A_131 = arith.constant 0 : i32
    %scan3A_132 = arith.constant 40 : i32
    %scan3A_133 = arith.addi %scan3A_131, %scan3A_132 : i32
    %scan3A_134 = arith.constant 1 : i32
    scf.for %scan3A_188 = %scan3A_131 to %scan3A_133 step %scan3A_134  : i32 {
      %mul3A_189 = arith.constant 1 : i32
      %mul3A_190 = arith.muli %scan3A_188, %mul3A_189 : i32
      %add3A_191 = arith.constant 1 : i32
      %add3A_192 = arith.addi %add3A_191, %mul3A_190 : i32
      %mul3A_193 = arith.constant 3 : i32
      %mul3A_194 = arith.muli %mul3A_193, %add3A_192 : i32
      %dma_wait3A_195 = arith.constant 0 : i32
      %dma_wait3A_196 = tpu.memref_slice %arg7[%mul3A_194, %dma_wait3A_195] : memref<125x80xi32, #tpu.memory_space<vmem>> -> memref<1x80xi32, #tpu.memory_space<vmem>>
      %dma_wait3A_197 = tpu.memref_squeeze %dma_wait3A_196 : memref<1x80xi32, #tpu.memory_space<vmem>> -> memref<80xi32, #tpu.memory_space<vmem>>
      %dma_wait3A_198 = arith.constant 0 : i32
      %dma_wait3A_199 = arith.constant 0 : i32
      %dma_wait3A_200 = tpu.memref_slice %arg2[%dma_wait3A_198, %dma_wait3A_199] : memref<20000x128xf32, #tpu.memory_space<hbm>> -> memref<20000x128xf32, #tpu.memory_space<hbm>>
      tpu.wait_indirect_dma semaphore(%arg14 : memref<!tpu.dma_semaphore, #tpu.memory_space<semaphore_mem>>) src(%dma_wait3A_200 : memref<20000x128xf32, #tpu.memory_space<hbm>>) dst(%arg11 : memref<80x128xf32, #tpu.memory_space<vmem>>)
      %mul3A_201 = arith.constant 10000 : i32
      %mul3A_202 = arith.muli %arg1, %mul3A_201 : i32
      %mul3A_203 = arith.constant 80 : i32
      %mul3A_204 = arith.muli %mul3A_194, %mul3A_203 : i32
      %add3A_205 = arith.addi %mul3A_202, %mul3A_204 : i32
      %dma_wait3A_206 = tpu.memref_slice %arg4[%add3A_205] : memref<160000xi32, #tpu.memory_space<hbm>> -> memref<80xi32, #tpu.memory_space<hbm>>
      %dma_wait3A_207 = tpu.memref_slice %arg4[%add3A_205] : memref<160000xi32, #tpu.memory_space<hbm>> -> memref<80xi32, #tpu.memory_space<hbm>>
      tpu.wait_dma2 semaphore(%arg14 : memref<!tpu.dma_semaphore, #tpu.memory_space<semaphore_mem>>) src(%dma_wait3A_207 : memref<80xi32, #tpu.memory_space<hbm>>) dst(%arg8 : memref<80xi32, #tpu.memory_space<vmem>>)
      %dma_start3A_208 = arith.constant 0 : i32
      %dma_start3A_209 = arith.constant 0 : i32
      %dma_start3A_210 = tpu.memref_slice %arg6[%dma_start3A_208, %dma_start3A_209] : memref<10000x128xf32, #tpu.memory_space<vmem_shared>> -> memref<10000x128xf32, #tpu.memory_space<vmem_shared>>
      tpu.enqueue_indirect_dma source(%arg11 : memref<80x128xf32, #tpu.memory_space<vmem>>) target(%dma_start3A_210 : memref<10000x128xf32, #tpu.memory_space<vmem_shared>>) offsets(%arg8 : memref<80xi32, #tpu.memory_space<vmem>>) semaphore(%arg17 : memref<!tpu.dma_semaphore, #tpu.memory_space<semaphore_mem>>) {add = true}
      %dma_wait3A_211 = arith.constant 0 : i32
      %dma_wait3A_212 = arith.constant 0 : i32
      %dma_wait3A_213 = tpu.memref_slice %arg6[%dma_wait3A_211, %dma_wait3A_212] : memref<10000x128xf32, #tpu.memory_space<vmem_shared>> -> memref<10000x128xf32, #tpu.memory_space<vmem_shared>>
      tpu.wait_indirect_dma semaphore(%arg19 : memref<!tpu.dma_semaphore, #tpu.memory_space<semaphore_mem>>) src(%arg13 : memref<80x128xf32, #tpu.memory_space<vmem>>) dst(%dma_wait3A_213 : memref<10000x128xf32, #tpu.memory_space<vmem_shared>>)
      %add3A_214 = arith.constant 2 : i32
      %add3A_215 = arith.addi %mul3A_194, %add3A_214 : i32
      %dma_start3A_216 = arith.constant 0 : i32
      %dma_start3A_217 = tpu.memref_slice %arg7[%add3A_215, %dma_start3A_216] : memref<125x80xi32, #tpu.memory_space<vmem>> -> memref<1x80xi32, #tpu.memory_space<vmem>>
      %dma_start3A_218 = tpu.memref_squeeze %dma_start3A_217 : memref<1x80xi32, #tpu.memory_space<vmem>> -> memref<80xi32, #tpu.memory_space<vmem>>
      %dma_start3A_219 = arith.constant 0 : i32
      %dma_start3A_220 = arith.constant 0 : i32
      %dma_start3A_221 = tpu.memref_slice %arg2[%dma_start3A_219, %dma_start3A_220] : memref<20000x128xf32, #tpu.memory_space<hbm>> -> memref<20000x128xf32, #tpu.memory_space<hbm>>
      tpu.enqueue_indirect_dma source(%dma_start3A_221 : memref<20000x128xf32, #tpu.memory_space<hbm>>) target(%arg13 : memref<80x128xf32, #tpu.memory_space<vmem>>) offsets(%dma_start3A_218 : memref<80xi32, #tpu.memory_space<vmem>>) semaphore(%arg16 : memref<!tpu.dma_semaphore, #tpu.memory_space<semaphore_mem>>)
      %mul3A_222 = arith.constant 10000 : i32
      %mul3A_223 = arith.muli %arg1, %mul3A_222 : i32
      %mul3A_224 = arith.constant 80 : i32
      %mul3A_225 = arith.muli %add3A_215, %mul3A_224 : i32
      %add3A_226 = arith.addi %mul3A_223, %mul3A_225 : i32
      %dma_start3A_227 = tpu.memref_slice %arg4[%add3A_226] : memref<160000xi32, #tpu.memory_space<hbm>> -> memref<80xi32, #tpu.memory_space<hbm>>
      %dma_start3A_228 = tpu.memref_slice %arg4[%add3A_226] : memref<160000xi32, #tpu.memory_space<hbm>> -> memref<80xi32, #tpu.memory_space<hbm>>
      tpu.enqueue_dma source(%dma_start3A_228 : memref<80xi32, #tpu.memory_space<hbm>>) target(%arg10 : memref<80xi32, #tpu.memory_space<vmem>>) target_semaphore(%arg16 : memref<!tpu.dma_semaphore, #tpu.memory_space<semaphore_mem>>)
      %add3A_229 = arith.constant 1 : i32
      %add3A_230 = arith.addi %mul3A_194, %add3A_229 : i32
      %dma_wait3A_231 = arith.constant 0 : i32
      %dma_wait3A_232 = tpu.memref_slice %arg7[%add3A_230, %dma_wait3A_231] : memref<125x80xi32, #tpu.memory_space<vmem>> -> memref<1x80xi32, #tpu.memory_space<vmem>>
      %dma_wait3A_233 = tpu.memref_squeeze %dma_wait3A_232 : memref<1x80xi32, #tpu.memory_space<vmem>> -> memref<80xi32, #tpu.memory_space<vmem>>
      %dma_wait3A_234 = arith.constant 0 : i32
      %dma_wait3A_235 = arith.constant 0 : i32
      %dma_wait3A_236 = tpu.memref_slice %arg2[%dma_wait3A_234, %dma_wait3A_235] : memref<20000x128xf32, #tpu.memory_space<hbm>> -> memref<20000x128xf32, #tpu.memory_space<hbm>>
      tpu.wait_indirect_dma semaphore(%arg15 : memref<!tpu.dma_semaphore, #tpu.memory_space<semaphore_mem>>) src(%dma_wait3A_236 : memref<20000x128xf32, #tpu.memory_space<hbm>>) dst(%arg12 : memref<80x128xf32, #tpu.memory_space<vmem>>)
      %mul3A_237 = arith.constant 10000 : i32
      %mul3A_238 = arith.muli %arg1, %mul3A_237 : i32
      %mul3A_239 = arith.constant 80 : i32
      %mul3A_240 = arith.muli %add3A_230, %mul3A_239 : i32
      %add3A_241 = arith.addi %mul3A_238, %mul3A_240 : i32
      %dma_wait3A_242 = tpu.memref_slice %arg4[%add3A_241] : memref<160000xi32, #tpu.memory_space<hbm>> -> memref<80xi32, #tpu.memory_space<hbm>>
      %dma_wait3A_243 = tpu.memref_slice %arg4[%add3A_241] : memref<160000xi32, #tpu.memory_space<hbm>> -> memref<80xi32, #tpu.memory_space<hbm>>
      tpu.wait_dma2 semaphore(%arg15 : memref<!tpu.dma_semaphore, #tpu.memory_space<semaphore_mem>>) src(%dma_wait3A_243 : memref<80xi32, #tpu.memory_space<hbm>>) dst(%arg9 : memref<80xi32, #tpu.memory_space<vmem>>)
      %dma_start3A_244 = arith.constant 0 : i32
      %dma_start3A_245 = arith.constant 0 : i32
      %dma_start3A_246 = tpu.memref_slice %arg6[%dma_start3A_244, %dma_start3A_245] : memref<10000x128xf32, #tpu.memory_space<vmem_shared>> -> memref<10000x128xf32, #tpu.memory_space<vmem_shared>>
      tpu.enqueue_indirect_dma source(%arg12 : memref<80x128xf32, #tpu.memory_space<vmem>>) target(%dma_start3A_246 : memref<10000x128xf32, #tpu.memory_space<vmem_shared>>) offsets(%arg9 : memref<80xi32, #tpu.memory_space<vmem>>) semaphore(%arg18 : memref<!tpu.dma_semaphore, #tpu.memory_space<semaphore_mem>>) {add = true}
      %dma_wait3A_247 = arith.constant 0 : i32
      %dma_wait3A_248 = arith.constant 0 : i32
      %dma_wait3A_249 = tpu.memref_slice %arg6[%dma_wait3A_247, %dma_wait3A_248] : memref<10000x128xf32, #tpu.memory_space<vmem_shared>> -> memref<10000x128xf32, #tpu.memory_space<vmem_shared>>
      tpu.wait_indirect_dma semaphore(%arg17 : memref<!tpu.dma_semaphore, #tpu.memory_space<semaphore_mem>>) src(%arg11 : memref<80x128xf32, #tpu.memory_space<vmem>>) dst(%dma_wait3A_249 : memref<10000x128xf32, #tpu.memory_space<vmem_shared>>)
      %add3A_250 = arith.constant 3 : i32
      %add3A_251 = arith.addi %mul3A_194, %add3A_250 : i32
      %dma_start3A_252 = arith.constant 0 : i32
      %dma_start3A_253 = tpu.memref_slice %arg7[%add3A_251, %dma_start3A_252] : memref<125x80xi32, #tpu.memory_space<vmem>> -> memref<1x80xi32, #tpu.memory_space<vmem>>
      %dma_start3A_254 = tpu.memref_squeeze %dma_start3A_253 : memref<1x80xi32, #tpu.memory_space<vmem>> -> memref<80xi32, #tpu.memory_space<vmem>>
      %dma_start3A_255 = arith.constant 0 : i32
      %dma_start3A_256 = arith.constant 0 : i32
      %dma_start3A_257 = tpu.memref_slice %arg2[%dma_start3A_255, %dma_start3A_256] : memref<20000x128xf32, #tpu.memory_space<hbm>> -> memref<20000x128xf32, #tpu.memory_space<hbm>>
      tpu.enqueue_indirect_dma source(%dma_start3A_257 : memref<20000x128xf32, #tpu.memory_space<hbm>>) target(%arg11 : memref<80x128xf32, #tpu.memory_space<vmem>>) offsets(%dma_start3A_254 : memref<80xi32, #tpu.memory_space<vmem>>) semaphore(%arg14 : memref<!tpu.dma_semaphore, #tpu.memory_space<semaphore_mem>>)
      %mul3A_258 = arith.constant 10000 : i32
      %mul3A_259 = arith.muli %arg1, %mul3A_258 : i32
      %mul3A_260 = arith.constant 80 : i32
      %mul3A_261 = arith.muli %add3A_251, %mul3A_260 : i32
      %add3A_262 = arith.addi %mul3A_259, %mul3A_261 : i32
      %dma_start3A_263 = tpu.memref_slice %arg4[%add3A_262] : memref<160000xi32, #tpu.memory_space<hbm>> -> memref<80xi32, #tpu.memory_space<hbm>>
      %dma_start3A_264 = tpu.memref_slice %arg4[%add3A_262] : memref<160000xi32, #tpu.memory_space<hbm>> -> memref<80xi32, #tpu.memory_space<hbm>>
      tpu.enqueue_dma source(%dma_start3A_264 : memref<80xi32, #tpu.memory_space<hbm>>) target(%arg8 : memref<80xi32, #tpu.memory_space<vmem>>) target_semaphore(%arg14 : memref<!tpu.dma_semaphore, #tpu.memory_space<semaphore_mem>>)
      %add3A_265 = arith.constant 2 : i32
      %add3A_266 = arith.addi %mul3A_194, %add3A_265 : i32
      %dma_wait3A_267 = arith.constant 0 : i32
      %dma_wait3A_268 = tpu.memref_slice %arg7[%add3A_266, %dma_wait3A_267] : memref<125x80xi32, #tpu.memory_space<vmem>> -> memref<1x80xi32, #tpu.memory_space<vmem>>
      %dma_wait3A_269 = tpu.memref_squeeze %dma_wait3A_268 : memref<1x80xi32, #tpu.memory_space<vmem>> -> memref<80xi32, #tpu.memory_space<vmem>>
      %dma_wait3A_270 = arith.constant 0 : i32
      %dma_wait3A_271 = arith.constant 0 : i32
      %dma_wait3A_272 = tpu.memref_slice %arg2[%dma_wait3A_270, %dma_wait3A_271] : memref<20000x128xf32, #tpu.memory_space<hbm>> -> memref<20000x128xf32, #tpu.memory_space<hbm>>
      tpu.wait_indirect_dma semaphore(%arg16 : memref<!tpu.dma_semaphore, #tpu.memory_space<semaphore_mem>>) src(%dma_wait3A_272 : memref<20000x128xf32, #tpu.memory_space<hbm>>) dst(%arg13 : memref<80x128xf32, #tpu.memory_space<vmem>>)
      %mul3A_273 = arith.constant 10000 : i32
      %mul3A_274 = arith.muli %arg1, %mul3A_273 : i32
      %mul3A_275 = arith.constant 80 : i32
      %mul3A_276 = arith.muli %add3A_266, %mul3A_275 : i32
      %add3A_277 = arith.addi %mul3A_274, %mul3A_276 : i32
      %dma_wait3A_278 = tpu.memref_slice %arg4[%add3A_277] : memref<160000xi32, #tpu.memory_space<hbm>> -> memref<80xi32, #tpu.memory_space<hbm>>
      %dma_wait3A_279 = tpu.memref_slice %arg4[%add3A_277] : memref<160000xi32, #tpu.memory_space<hbm>> -> memref<80xi32, #tpu.memory_space<hbm>>
      tpu.wait_dma2 semaphore(%arg16 : memref<!tpu.dma_semaphore, #tpu.memory_space<semaphore_mem>>) src(%dma_wait3A_279 : memref<80xi32, #tpu.memory_space<hbm>>) dst(%arg10 : memref<80xi32, #tpu.memory_space<vmem>>)
      %dma_start3A_280 = arith.constant 0 : i32
      %dma_start3A_281 = arith.constant 0 : i32
      %dma_start3A_282 = tpu.memref_slice %arg6[%dma_start3A_280, %dma_start3A_281] : memref<10000x128xf32, #tpu.memory_space<vmem_shared>> -> memref<10000x128xf32, #tpu.memory_space<vmem_shared>>
      tpu.enqueue_indirect_dma source(%arg13 : memref<80x128xf32, #tpu.memory_space<vmem>>) target(%dma_start3A_282 : memref<10000x128xf32, #tpu.memory_space<vmem_shared>>) offsets(%arg10 : memref<80xi32, #tpu.memory_space<vmem>>) semaphore(%arg19 : memref<!tpu.dma_semaphore, #tpu.memory_space<semaphore_mem>>) {add = true}
      %dma_wait3A_283 = arith.constant 0 : i32
      %dma_wait3A_284 = arith.constant 0 : i32
      %dma_wait3A_285 = tpu.memref_slice %arg6[%dma_wait3A_283, %dma_wait3A_284] : memref<10000x128xf32, #tpu.memory_space<vmem_shared>> -> memref<10000x128xf32, #tpu.memory_space<vmem_shared>>
      tpu.wait_indirect_dma semaphore(%arg18 : memref<!tpu.dma_semaphore, #tpu.memory_space<semaphore_mem>>) src(%arg12 : memref<80x128xf32, #tpu.memory_space<vmem>>) dst(%dma_wait3A_285 : memref<10000x128xf32, #tpu.memory_space<vmem_shared>>)
      %add3A_286 = arith.constant 4 : i32
      %add3A_287 = arith.addi %mul3A_194, %add3A_286 : i32
      %dma_start3A_288 = arith.constant 0 : i32
      %dma_start3A_289 = tpu.memref_slice %arg7[%add3A_287, %dma_start3A_288] : memref<125x80xi32, #tpu.memory_space<vmem>> -> memref<1x80xi32, #tpu.memory_space<vmem>>
      %dma_start3A_290 = tpu.memref_squeeze %dma_start3A_289 : memref<1x80xi32, #tpu.memory_space<vmem>> -> memref<80xi32, #tpu.memory_space<vmem>>
      %dma_start3A_291 = arith.constant 0 : i32
      %dma_start3A_292 = arith.constant 0 : i32
      %dma_start3A_293 = tpu.memref_slice %arg2[%dma_start3A_291, %dma_start3A_292] : memref<20000x128xf32, #tpu.memory_space<hbm>> -> memref<20000x128xf32, #tpu.memory_space<hbm>>
      tpu.enqueue_indirect_dma source(%dma_start3A_293 : memref<20000x128xf32, #tpu.memory_space<hbm>>) target(%arg12 : memref<80x128xf32, #tpu.memory_space<vmem>>) offsets(%dma_start3A_290 : memref<80xi32, #tpu.memory_space<vmem>>) semaphore(%arg15 : memref<!tpu.dma_semaphore, #tpu.memory_space<semaphore_mem>>)
      %mul3A_294 = arith.constant 10000 : i32
      %mul3A_295 = arith.muli %arg1, %mul3A_294 : i32
      %mul3A_296 = arith.constant 80 : i32
      %mul3A_297 = arith.muli %add3A_287, %mul3A_296 : i32
      %add3A_298 = arith.addi %mul3A_295, %mul3A_297 : i32
      %dma_start3A_299 = tpu.memref_slice %arg4[%add3A_298] : memref<160000xi32, #tpu.memory_space<hbm>> -> memref<80xi32, #tpu.memory_space<hbm>>
      %dma_start3A_300 = tpu.memref_slice %arg4[%add3A_298] : memref<160000xi32, #tpu.memory_space<hbm>> -> memref<80xi32, #tpu.memory_space<hbm>>
      tpu.enqueue_dma source(%dma_start3A_300 : memref<80xi32, #tpu.memory_space<hbm>>) target(%arg9 : memref<80xi32, #tpu.memory_space<vmem>>) target_semaphore(%arg15 : memref<!tpu.dma_semaphore, #tpu.memory_space<semaphore_mem>>)
    }
    %scan3A_135 = arith.constant 40 : i32
    %dma_wait3A_136 = arith.constant 123 : i32
    %dma_wait3A_137 = arith.constant 0 : i32
    %dma_wait3A_138 = tpu.memref_slice %arg7[%dma_wait3A_136, %dma_wait3A_137] : memref<125x80xi32, #tpu.memory_space<vmem>> -> memref<1x80xi32, #tpu.memory_space<vmem>>
    %dma_wait3A_139 = tpu.memref_squeeze %dma_wait3A_138 : memref<1x80xi32, #tpu.memory_space<vmem>> -> memref<80xi32, #tpu.memory_space<vmem>>
    %dma_wait3A_140 = arith.constant 0 : i32
    %dma_wait3A_141 = arith.constant 0 : i32
    %dma_wait3A_142 = tpu.memref_slice %arg2[%dma_wait3A_140, %dma_wait3A_141] : memref<20000x128xf32, #tpu.memory_space<hbm>> -> memref<20000x128xf32, #tpu.memory_space<hbm>>
    tpu.wait_indirect_dma semaphore(%arg14 : memref<!tpu.dma_semaphore, #tpu.memory_space<semaphore_mem>>) src(%dma_wait3A_142 : memref<20000x128xf32, #tpu.memory_space<hbm>>) dst(%arg11 : memref<80x128xf32, #tpu.memory_space<vmem>>)
    %mul3A_143 = arith.constant 10000 : i32
    %mul3A_144 = arith.muli %arg1, %mul3A_143 : i32
    %add3A_145 = arith.constant 9840 : i32
    %add3A_146 = arith.addi %mul3A_144, %add3A_145 : i32
    %dma_wait3A_147 = tpu.memref_slice %arg4[%add3A_146] : memref<160000xi32, #tpu.memory_space<hbm>> -> memref<80xi32, #tpu.memory_space<hbm>>
    %dma_wait3A_148 = tpu.memref_slice %arg4[%add3A_146] : memref<160000xi32, #tpu.memory_space<hbm>> -> memref<80xi32, #tpu.memory_space<hbm>>
    tpu.wait_dma2 semaphore(%arg14 : memref<!tpu.dma_semaphore, #tpu.memory_space<semaphore_mem>>) src(%dma_wait3A_148 : memref<80xi32, #tpu.memory_space<hbm>>) dst(%arg8 : memref<80xi32, #tpu.memory_space<vmem>>)
    %dma_start3A_149 = arith.constant 0 : i32
    %dma_start3A_150 = arith.constant 0 : i32
    %dma_start3A_151 = tpu.memref_slice %arg6[%dma_start3A_149, %dma_start3A_150] : memref<10000x128xf32, #tpu.memory_space<vmem_shared>> -> memref<10000x128xf32, #tpu.memory_space<vmem_shared>>
    tpu.enqueue_indirect_dma source(%arg11 : memref<80x128xf32, #tpu.memory_space<vmem>>) target(%dma_start3A_151 : memref<10000x128xf32, #tpu.memory_space<vmem_shared>>) offsets(%arg8 : memref<80xi32, #tpu.memory_space<vmem>>) semaphore(%arg17 : memref<!tpu.dma_semaphore, #tpu.memory_space<semaphore_mem>>) {add = true}
    %dma_wait3A_152 = arith.constant 0 : i32
    %dma_wait3A_153 = arith.constant 0 : i32
    %dma_wait3A_154 = tpu.memref_slice %arg6[%dma_wait3A_152, %dma_wait3A_153] : memref<10000x128xf32, #tpu.memory_space<vmem_shared>> -> memref<10000x128xf32, #tpu.memory_space<vmem_shared>>
    tpu.wait_indirect_dma semaphore(%arg19 : memref<!tpu.dma_semaphore, #tpu.memory_space<semaphore_mem>>) src(%arg13 : memref<80x128xf32, #tpu.memory_space<vmem>>) dst(%dma_wait3A_154 : memref<10000x128xf32, #tpu.memory_space<vmem_shared>>)
    %dma_wait3A_155 = arith.constant 124 : i32
    %dma_wait3A_156 = arith.constant 0 : i32
    %dma_wait3A_157 = tpu.memref_slice %arg7[%dma_wait3A_155, %dma_wait3A_156] : memref<125x80xi32, #tpu.memory_space<vmem>> -> memref<1x80xi32, #tpu.memory_space<vmem>>
    %dma_wait3A_158 = tpu.memref_squeeze %dma_wait3A_157 : memref<1x80xi32, #tpu.memory_space<vmem>> -> memref<80xi32, #tpu.memory_space<vmem>>
    %dma_wait3A_159 = arith.constant 0 : i32
    %dma_wait3A_160 = arith.constant 0 : i32
    %dma_wait3A_161 = tpu.memref_slice %arg2[%dma_wait3A_159, %dma_wait3A_160] : memref<20000x128xf32, #tpu.memory_space<hbm>> -> memref<20000x128xf32, #tpu.memory_space<hbm>>
    tpu.wait_indirect_dma semaphore(%arg15 : memref<!tpu.dma_semaphore, #tpu.memory_space<semaphore_mem>>) src(%dma_wait3A_161 : memref<20000x128xf32, #tpu.memory_space<hbm>>) dst(%arg12 : memref<80x128xf32, #tpu.memory_space<vmem>>)
    %mul3A_162 = arith.constant 10000 : i32
    %mul3A_163 = arith.muli %arg1, %mul3A_162 : i32
    %add3A_164 = arith.constant 9920 : i32
    %add3A_165 = arith.addi %mul3A_163, %add3A_164 : i32
    %dma_wait3A_166 = tpu.memref_slice %arg4[%add3A_165] : memref<160000xi32, #tpu.memory_space<hbm>> -> memref<80xi32, #tpu.memory_space<hbm>>
    %dma_wait3A_167 = tpu.memref_slice %arg4[%add3A_165] : memref<160000xi32, #tpu.memory_space<hbm>> -> memref<80xi32, #tpu.memory_space<hbm>>
    tpu.wait_dma2 semaphore(%arg15 : memref<!tpu.dma_semaphore, #tpu.memory_space<semaphore_mem>>) src(%dma_wait3A_167 : memref<80xi32, #tpu.memory_space<hbm>>) dst(%arg9 : memref<80xi32, #tpu.memory_space<vmem>>)
    %dma_start3A_168 = arith.constant 0 : i32
    %dma_start3A_169 = arith.constant 0 : i32
    %dma_start3A_170 = tpu.memref_slice %arg6[%dma_start3A_168, %dma_start3A_169] : memref<10000x128xf32, #tpu.memory_space<vmem_shared>> -> memref<10000x128xf32, #tpu.memory_space<vmem_shared>>
    tpu.enqueue_indirect_dma source(%arg12 : memref<80x128xf32, #tpu.memory_space<vmem>>) target(%dma_start3A_170 : memref<10000x128xf32, #tpu.memory_space<vmem_shared>>) offsets(%arg9 : memref<80xi32, #tpu.memory_space<vmem>>) semaphore(%arg18 : memref<!tpu.dma_semaphore, #tpu.memory_space<semaphore_mem>>) {add = true}
    %dma_wait3A_171 = arith.constant 0 : i32
    %dma_wait3A_172 = arith.constant 0 : i32
    %dma_wait3A_173 = tpu.memref_slice %arg6[%dma_wait3A_171, %dma_wait3A_172] : memref<10000x128xf32, #tpu.memory_space<vmem_shared>> -> memref<10000x128xf32, #tpu.memory_space<vmem_shared>>
    tpu.wait_indirect_dma semaphore(%arg17 : memref<!tpu.dma_semaphore, #tpu.memory_space<semaphore_mem>>) src(%arg11 : memref<80x128xf32, #tpu.memory_space<vmem>>) dst(%dma_wait3A_173 : memref<10000x128xf32, #tpu.memory_space<vmem_shared>>)
    %dma_wait3A_174 = arith.constant 0 : i32
    %dma_wait3A_175 = arith.constant 0 : i32
    %dma_wait3A_176 = tpu.memref_slice %arg6[%dma_wait3A_174, %dma_wait3A_175] : memref<10000x128xf32, #tpu.memory_space<vmem_shared>> -> memref<10000x128xf32, #tpu.memory_space<vmem_shared>>
    tpu.wait_indirect_dma semaphore(%arg18 : memref<!tpu.dma_semaphore, #tpu.memory_space<semaphore_mem>>) src(%arg12 : memref<80x128xf32, #tpu.memory_space<vmem>>) dst(%dma_wait3A_176 : memref<10000x128xf32, #tpu.memory_space<vmem_shared>>)
    %barrier3A_177 = arith.constant 0 : index
    tpu.barrier barrier_id(%barrier3A_177)
    %lt3A_178 = arith.constant 15 : i32
    %lt3A_179 = arith.cmpi slt, %arg1, %lt3A_178 : i32
    %convert_element_type3A_180 = arith.extui %lt3A_179 : i1 to i32
    %cond3A_181 = arith.constant 0 : i32
    %cond3A_182 = arith.cmpi ne, %convert_element_type3A_180, %cond3A_181 : i32
    scf.if %cond3A_182 {
      %mul3A_188 = arith.constant 640 : i32
      %mul3A_189 = arith.muli %arg1, %mul3A_188 : i32
      %mul3A_190 = arith.constant 640 : i32
      %mul3A_191 = arith.muli %arg1, %mul3A_190 : i32
      %add3A_192 = arith.addi %mul3A_7, %mul3A_191 : i32
      "tpu.region"() ({
        %run_scoped3A = tpu.sem_alloc : memref<!tpu.dma_semaphore, #tpu.memory_space<semaphore_mem>>
        %dma_start3A_193 = arith.constant 0 : i32
        %dma_start3A_194 = tpu.memref_slice %arg5[%add3A_192, %dma_start3A_193] : memref<20000x128xf32, #tpu.memory_space<hbm>> -> memref<640x128xf32, #tpu.memory_space<hbm>>
        %dma_start3A_195 = arith.constant 0 : i32
        %dma_start3A_196 = tpu.memref_slice %arg6[%mul3A_189, %dma_start3A_195] : memref<10000x128xf32, #tpu.memory_space<vmem_shared>> -> memref<640x128xf32, #tpu.memory_space<vmem_shared>>
        tpu.enqueue_dma source(%dma_start3A_196 : memref<640x128xf32, #tpu.memory_space<vmem_shared>>) target(%dma_start3A_194 : memref<640x128xf32, #tpu.memory_space<hbm>>) target_semaphore(%run_scoped3A : memref<!tpu.dma_semaphore, #tpu.memory_space<semaphore_mem>>)
        %dma_wait3A_197 = arith.constant 0 : i32
        %dma_wait3A_198 = tpu.memref_slice %arg5[%add3A_192, %dma_wait3A_197] : memref<20000x128xf32, #tpu.memory_space<hbm>> -> memref<640x128xf32, #tpu.memory_space<hbm>>
        %dma_wait3A_199 = arith.constant 0 : i32
        %dma_wait3A_200 = tpu.memref_slice %arg6[%mul3A_189, %dma_wait3A_199] : memref<10000x128xf32, #tpu.memory_space<vmem_shared>> -> memref<640x128xf32, #tpu.memory_space<vmem_shared>>
        tpu.wait_dma2 semaphore(%run_scoped3A : memref<!tpu.dma_semaphore, #tpu.memory_space<semaphore_mem>>) src(%dma_wait3A_200 : memref<640x128xf32, #tpu.memory_space<vmem_shared>>) dst(%dma_wait3A_198 : memref<640x128xf32, #tpu.memory_space<hbm>>)
        tpu.yield
      }) : () -> ()
    } else {
    }
    %eq3A_183 = arith.constant 15 : i32
    %eq3A_184 = arith.cmpi eq, %arg1, %eq3A_183 : i32
    %convert_element_type3A_185 = arith.extui %eq3A_184 : i1 to i32
    %cond3A_186 = arith.constant 0 : i32
    %cond3A_187 = arith.cmpi ne, %convert_element_type3A_185, %cond3A_186 : i32
    scf.if %cond3A_187 {
      %add3A_188 = arith.constant 9600 : i32
      %add3A_189 = arith.addi %mul3A_7, %add3A_188 : i32
      "tpu.region"() ({
        %run_scoped3A = tpu.sem_alloc : memref<!tpu.dma_semaphore, #tpu.memory_space<semaphore_mem>>
        %dma_start3A_190 = arith.constant 0 : i32
        %dma_start3A_191 = tpu.memref_slice %arg5[%add3A_189, %dma_start3A_190] : memref<20000x128xf32, #tpu.memory_space<hbm>> -> memref<400x128xf32, #tpu.memory_space<hbm>>
        %dma_start3A_192 = arith.constant 9600 : i32
        %dma_start3A_193 = arith.constant 0 : i32
        %dma_start3A_194 = tpu.memref_slice %arg6[%dma_start3A_192, %dma_start3A_193] : memref<10000x128xf32, #tpu.memory_space<vmem_shared>> -> memref<400x128xf32, #tpu.memory_space<vmem_shared>>
        tpu.enqueue_dma source(%dma_start3A_194 : memref<400x128xf32, #tpu.memory_space<vmem_shared>>) target(%dma_start3A_191 : memref<400x128xf32, #tpu.memory_space<hbm>>) target_semaphore(%run_scoped3A : memref<!tpu.dma_semaphore, #tpu.memory_space<semaphore_mem>>)
        %dma_wait3A_195 = arith.constant 0 : i32
        %dma_wait3A_196 = tpu.memref_slice %arg5[%add3A_189, %dma_wait3A_195] : memref<20000x128xf32, #tpu.memory_space<hbm>> -> memref<400x128xf32, #tpu.memory_space<hbm>>
        %dma_wait3A_197 = arith.constant 9600 : i32
        %dma_wait3A_198 = arith.constant 0 : i32
        %dma_wait3A_199 = tpu.memref_slice %arg6[%dma_wait3A_197, %dma_wait3A_198] : memref<10000x128xf32, #tpu.memory_space<vmem_shared>> -> memref<400x128xf32, #tpu.memory_space<vmem_shared>>
        tpu.wait_dma2 semaphore(%run_scoped3A : memref<!tpu.dma_semaphore, #tpu.memory_space<semaphore_mem>>) src(%dma_wait3A_199 : memref<400x128xf32, #tpu.memory_space<vmem_shared>>) dst(%dma_wait3A_196 : memref<400x128xf32, #tpu.memory_space<hbm>>)
        tpu.yield
      }) : () -> ()
    } else {
    }
    return
  }
}

#map = affine_map<(d0, d1) -> (0, 0)>
#map1 = affine_map<(d0, d1) -> (0, 0, 0)>
#map2 = affine_map<(d0, d1) -> (0)>
module attributes {stable_mosaic.version = 14 : i64} {
  func.func @_agg(%arg0: i32, %arg1: i32, %arg2: memref<40000x128xf32, #tpu.memory_space<hbm>>, %arg3: memref<16x125x80xi32, #tpu.memory_space<hbm>>, %arg4: memref<160000xi32, #tpu.memory_space<hbm>>, %arg5: memref<40000x128xf32, #tpu.memory_space<hbm>>, %arg6: memref<10000x128xf32, #tpu.memory_space<vmem_shared>>, %arg7: memref<125x80xi32, #tpu.memory_space<vmem>>, %arg8: memref<80xi32, #tpu.memory_space<vmem>>, %arg9: memref<80xi32, #tpu.memory_space<vmem>>, %arg10: memref<80xi32, #tpu.memory_space<vmem>>, %arg11: memref<80x128xf32, #tpu.memory_space<vmem>>, %arg12: memref<80x128xf32, #tpu.memory_space<vmem>>, %arg13: memref<80x128xf32, #tpu.memory_space<vmem>>, %arg14: memref<!tpu.dma_semaphore, #tpu.memory_space<semaphore_mem>>, %arg15: memref<!tpu.dma_semaphore, #tpu.memory_space<semaphore_mem>>, %arg16: memref<!tpu.dma_semaphore, #tpu.memory_space<semaphore_mem>>, %arg17: memref<!tpu.dma_semaphore, #tpu.memory_space<semaphore_mem>>, %arg18: memref<!tpu.dma_semaphore, #tpu.memory_space<semaphore_mem>>, %arg19: memref<!tpu.dma_semaphore, #tpu.memory_space<semaphore_mem>>) attributes {dimension_semantics = [#tpu.dimension_semantics<core_parallel>, #tpu.dimension_semantics<subcore_parallel>], iteration_bounds = array<i64: 2, 16>, scalar_prefetch = 0 : i64, scratch_operands = 14 : i64, tpu.core_type = #tpu.core_type<sc_vector_subcore>, window_params = [{transform_indices = #map}, {transform_indices = #map1}, {transform_indices = #map2}, {transform_indices = #map}]} {
    "tpu.region"() ({
      %run_scoped3A = tpu.sem_alloc : memref<!tpu.dma_semaphore, #tpu.memory_space<semaphore_mem>>
      %dma_start3A_385 = arith.constant 0 : i32
      %dma_start3A_386 = arith.constant 0 : i32
      %dma_start3A_387 = tpu.memref_slice %arg3[%arg1, %dma_start3A_385, %dma_start3A_386] : memref<16x125x80xi32, #tpu.memory_space<hbm>> -> memref<1x125x80xi32, #tpu.memory_space<hbm>>
      %dma_start3A_388 = tpu.memref_squeeze %dma_start3A_387 : memref<1x125x80xi32, #tpu.memory_space<hbm>> -> memref<125x80xi32, #tpu.memory_space<hbm>>
      %dma_start3A_389 = arith.constant 0 : i32
      %dma_start3A_390 = arith.constant 0 : i32
      %dma_start3A_391 = tpu.memref_slice %arg3[%arg1, %dma_start3A_389, %dma_start3A_390] : memref<16x125x80xi32, #tpu.memory_space<hbm>> -> memref<1x125x80xi32, #tpu.memory_space<hbm>>
      %dma_start3A_392 = tpu.memref_squeeze %dma_start3A_391 : memref<1x125x80xi32, #tpu.memory_space<hbm>> -> memref<125x80xi32, #tpu.memory_space<hbm>>
      tpu.enqueue_dma source(%dma_start3A_392 : memref<125x80xi32, #tpu.memory_space<hbm>>) target(%arg7 : memref<125x80xi32, #tpu.memory_space<vmem>>) target_semaphore(%run_scoped3A : memref<!tpu.dma_semaphore, #tpu.memory_space<semaphore_mem>>)
      %dma_wait3A_393 = arith.constant 0 : i32
      %dma_wait3A_394 = arith.constant 0 : i32
      %dma_wait3A_395 = tpu.memref_slice %arg3[%arg1, %dma_wait3A_393, %dma_wait3A_394] : memref<16x125x80xi32, #tpu.memory_space<hbm>> -> memref<1x125x80xi32, #tpu.memory_space<hbm>>
      %dma_wait3A_396 = tpu.memref_squeeze %dma_wait3A_395 : memref<1x125x80xi32, #tpu.memory_space<hbm>> -> memref<125x80xi32, #tpu.memory_space<hbm>>
      %dma_wait3A_397 = arith.constant 0 : i32
      %dma_wait3A_398 = arith.constant 0 : i32
      %dma_wait3A_399 = tpu.memref_slice %arg3[%arg1, %dma_wait3A_397, %dma_wait3A_398] : memref<16x125x80xi32, #tpu.memory_space<hbm>> -> memref<1x125x80xi32, #tpu.memory_space<hbm>>
      %dma_wait3A_400 = tpu.memref_squeeze %dma_wait3A_399 : memref<1x125x80xi32, #tpu.memory_space<hbm>> -> memref<125x80xi32, #tpu.memory_space<hbm>>
      tpu.wait_dma2 semaphore(%run_scoped3A : memref<!tpu.dma_semaphore, #tpu.memory_space<semaphore_mem>>) src(%dma_wait3A_400 : memref<125x80xi32, #tpu.memory_space<hbm>>) dst(%arg7 : memref<125x80xi32, #tpu.memory_space<vmem>>)
      tpu.yield
    }) : () -> ()
    %mul3A = arith.constant 10000 : i32
    %mul3A_0 = arith.muli %arg0, %mul3A : i32
    %scan3A = arith.constant 0 : i32
    %scan3A_1 = arith.constant 125 : i32
    %scan3A_2 = arith.addi %scan3A, %scan3A_1 : i32
    %scan3A_3 = arith.constant 1 : i32
    scf.for %scan3A_385 = %scan3A to %scan3A_2 step %scan3A_3  : i32 {
      %mul3A_386 = arith.constant 1 : i32
      %mul3A_387 = arith.muli %scan3A_385, %mul3A_386 : i32
      %add3A_388 = arith.constant 0 : i32
      %add3A_389 = arith.addi %add3A_388, %mul3A_387 : i32
      %get3A = arith.index_cast %add3A_389 : i32 to index
      %get3A_390 = arith.constant 0 : index
      %get3A_391 = tpu.vector_load %arg7[%get3A, %get3A_390] {strides = array<i32>} : memref<125x80xi32, #tpu.memory_space<vmem>>, vector<1x16xi32>,
      %get3A_392 = vector.shape_cast %get3A_391 : vector<1x16xi32> to vector<16xi32>
      %add3A_393 = vector.broadcast %mul3A_0 : i32 to vector<16xi32>
      %add3A_394 = arith.addi %get3A_392, %add3A_393 : vector<16xi32>
      %swap3A = arith.index_cast %add3A_389 : i32 to index
      %swap3A_395 = arith.constant 0 : index
      %swap3A_396 = tpu.vector_load %arg7[%swap3A, %swap3A_395] {strides = array<i32>} : memref<125x80xi32, #tpu.memory_space<vmem>>, vector<1x16xi32>,
      %swap3A_397 = vector.shape_cast %swap3A_396 : vector<1x16xi32> to vector<16xi32>
      %swap3A_398 = vector.shape_cast %add3A_394 : vector<16xi32> to vector<1x16xi32>
      tpu.vector_store %arg7[%swap3A, %swap3A_395], %swap3A_398 {strides = array<i32>} : memref<125x80xi32, #tpu.memory_space<vmem>>, vector<1x16xi32>,
      %get3A_399 = arith.index_cast %add3A_389 : i32 to index
      %get3A_400 = arith.constant 16 : index
      %get3A_401 = tpu.vector_load %arg7[%get3A_399, %get3A_400] {strides = array<i32>} : memref<125x80xi32, #tpu.memory_space<vmem>>, vector<1x16xi32>,
      %get3A_402 = vector.shape_cast %get3A_401 : vector<1x16xi32> to vector<16xi32>
      %add3A_403 = vector.broadcast %mul3A_0 : i32 to vector<16xi32>
      %add3A_404 = arith.addi %get3A_402, %add3A_403 : vector<16xi32>
      %swap3A_405 = arith.index_cast %add3A_389 : i32 to index
      %swap3A_406 = arith.constant 16 : index
      %swap3A_407 = tpu.vector_load %arg7[%swap3A_405, %swap3A_406] {strides = array<i32>} : memref<125x80xi32, #tpu.memory_space<vmem>>, vector<1x16xi32>,
      %swap3A_408 = vector.shape_cast %swap3A_407 : vector<1x16xi32> to vector<16xi32>
      %swap3A_409 = vector.shape_cast %add3A_404 : vector<16xi32> to vector<1x16xi32>
      tpu.vector_store %arg7[%swap3A_405, %swap3A_406], %swap3A_409 {strides = array<i32>} : memref<125x80xi32, #tpu.memory_space<vmem>>, vector<1x16xi32>,
      %get3A_410 = arith.index_cast %add3A_389 : i32 to index
      %get3A_411 = arith.constant 32 : index
      %get3A_412 = tpu.vector_load %arg7[%get3A_410, %get3A_411] {strides = array<i32>} : memref<125x80xi32, #tpu.memory_space<vmem>>, vector<1x16xi32>,
      %get3A_413 = vector.shape_cast %get3A_412 : vector<1x16xi32> to vector<16xi32>
      %add3A_414 = vector.broadcast %mul3A_0 : i32 to vector<16xi32>
      %add3A_415 = arith.addi %get3A_413, %add3A_414 : vector<16xi32>
      %swap3A_416 = arith.index_cast %add3A_389 : i32 to index
      %swap3A_417 = arith.constant 32 : index
      %swap3A_418 = tpu.vector_load %arg7[%swap3A_416, %swap3A_417] {strides = array<i32>} : memref<125x80xi32, #tpu.memory_space<vmem>>, vector<1x16xi32>,
      %swap3A_419 = vector.shape_cast %swap3A_418 : vector<1x16xi32> to vector<16xi32>
      %swap3A_420 = vector.shape_cast %add3A_415 : vector<16xi32> to vector<1x16xi32>
      tpu.vector_store %arg7[%swap3A_416, %swap3A_417], %swap3A_420 {strides = array<i32>} : memref<125x80xi32, #tpu.memory_space<vmem>>, vector<1x16xi32>,
      %get3A_421 = arith.index_cast %add3A_389 : i32 to index
      %get3A_422 = arith.constant 48 : index
      %get3A_423 = tpu.vector_load %arg7[%get3A_421, %get3A_422] {strides = array<i32>} : memref<125x80xi32, #tpu.memory_space<vmem>>, vector<1x16xi32>,
      %get3A_424 = vector.shape_cast %get3A_423 : vector<1x16xi32> to vector<16xi32>
      %add3A_425 = vector.broadcast %mul3A_0 : i32 to vector<16xi32>
      %add3A_426 = arith.addi %get3A_424, %add3A_425 : vector<16xi32>
      %swap3A_427 = arith.index_cast %add3A_389 : i32 to index
      %swap3A_428 = arith.constant 48 : index
      %swap3A_429 = tpu.vector_load %arg7[%swap3A_427, %swap3A_428] {strides = array<i32>} : memref<125x80xi32, #tpu.memory_space<vmem>>, vector<1x16xi32>,
      %swap3A_430 = vector.shape_cast %swap3A_429 : vector<1x16xi32> to vector<16xi32>
      %swap3A_431 = vector.shape_cast %add3A_426 : vector<16xi32> to vector<1x16xi32>
      tpu.vector_store %arg7[%swap3A_427, %swap3A_428], %swap3A_431 {strides = array<i32>} : memref<125x80xi32, #tpu.memory_space<vmem>>, vector<1x16xi32>,
      %get3A_432 = arith.index_cast %add3A_389 : i32 to index
      %get3A_433 = arith.constant 64 : index
      %get3A_434 = tpu.vector_load %arg7[%get3A_432, %get3A_433] {strides = array<i32>} : memref<125x80xi32, #tpu.memory_space<vmem>>, vector<1x16xi32>,
      %get3A_435 = vector.shape_cast %get3A_434 : vector<1x16xi32> to vector<16xi32>
      %add3A_436 = vector.broadcast %mul3A_0 : i32 to vector<16xi32>
      %add3A_437 = arith.addi %get3A_435, %add3A_436 : vector<16xi32>
      %swap3A_438 = arith.index_cast %add3A_389 : i32 to index
      %swap3A_439 = arith.constant 64 : index
      %swap3A_440 = tpu.vector_load %arg7[%swap3A_438, %swap3A_439] {strides = array<i32>} : memref<125x80xi32, #tpu.memory_space<vmem>>, vector<1x16xi32>,
      %swap3A_441 = vector.shape_cast %swap3A_440 : vector<1x16xi32> to vector<16xi32>
      %swap3A_442 = vector.shape_cast %add3A_437 : vector<16xi32> to vector<1x16xi32>
      tpu.vector_store %arg7[%swap3A_438, %swap3A_439], %swap3A_442 {strides = array<i32>} : memref<125x80xi32, #tpu.memory_space<vmem>>, vector<1x16xi32>,
    }
    %scan3A_4 = arith.constant 125 : i32
    %add3A = arith.constant 0 : i32
    %add3A_5 = arith.addi %arg0, %add3A : i32
    %mul3A_6 = arith.constant 10000 : i32
    %mul3A_7 = arith.muli %add3A_5, %mul3A_6 : i32
    %lt3A = arith.constant 15 : i32
    %lt3A_8 = arith.cmpi slt, %arg1, %lt3A : i32
    %convert_element_type3A = arith.extui %lt3A_8 : i1 to i32
    %cond3A = arith.constant 0 : i32
    %cond3A_9 = arith.cmpi ne, %convert_element_type3A, %cond3A : i32
    scf.if %cond3A_9 {
      %mul3A_385 = arith.constant 640 : i32
      %mul3A_386 = arith.muli %arg1, %mul3A_385 : i32
      %add3A_387 = arith.addi %mul3A_7, %mul3A_386 : i32
      %mul3A_388 = arith.constant 640 : i32
      %mul3A_389 = arith.muli %arg1, %mul3A_388 : i32
      "tpu.region"() ({
        %run_scoped3A = tpu.sem_alloc : memref<!tpu.dma_semaphore, #tpu.memory_space<semaphore_mem>>
        %dma_start3A_390 = arith.constant 0 : i32
        %dma_start3A_391 = tpu.memref_slice %arg6[%mul3A_389, %dma_start3A_390] : memref<10000x128xf32, #tpu.memory_space<vmem_shared>> -> memref<640x128xf32, #tpu.memory_space<vmem_shared>>
        %dma_start3A_392 = arith.constant 0 : i32
        %dma_start3A_393 = tpu.memref_slice %arg2[%add3A_387, %dma_start3A_392] : memref<40000x128xf32, #tpu.memory_space<hbm>> -> memref<640x128xf32, #tpu.memory_space<hbm>>
        tpu.enqueue_dma source(%dma_start3A_393 : memref<640x128xf32, #tpu.memory_space<hbm>>) target(%dma_start3A_391 : memref<640x128xf32, #tpu.memory_space<vmem_shared>>) target_semaphore(%run_scoped3A : memref<!tpu.dma_semaphore, #tpu.memory_space<semaphore_mem>>)
        %dma_wait3A_394 = arith.constant 0 : i32
        %dma_wait3A_395 = tpu.memref_slice %arg6[%mul3A_389, %dma_wait3A_394] : memref<10000x128xf32, #tpu.memory_space<vmem_shared>> -> memref<640x128xf32, #tpu.memory_space<vmem_shared>>
        %dma_wait3A_396 = arith.constant 0 : i32
        %dma_wait3A_397 = tpu.memref_slice %arg2[%add3A_387, %dma_wait3A_396] : memref<40000x128xf32, #tpu.memory_space<hbm>> -> memref<640x128xf32, #tpu.memory_space<hbm>>
        tpu.wait_dma2 semaphore(%run_scoped3A : memref<!tpu.dma_semaphore, #tpu.memory_space<semaphore_mem>>) src(%dma_wait3A_397 : memref<640x128xf32, #tpu.memory_space<hbm>>) dst(%dma_wait3A_395 : memref<640x128xf32, #tpu.memory_space<vmem_shared>>)
        tpu.yield
      }) : () -> ()
    } else {
    }
    %eq3A = arith.constant 15 : i32
    %eq3A_10 = arith.cmpi eq, %arg1, %eq3A : i32
    %convert_element_type3A_11 = arith.extui %eq3A_10 : i1 to i32
    %cond3A_12 = arith.constant 0 : i32
    %cond3A_13 = arith.cmpi ne, %convert_element_type3A_11, %cond3A_12 : i32
    scf.if %cond3A_13 {
      %add3A_385 = arith.constant 9600 : i32
      %add3A_386 = arith.addi %mul3A_7, %add3A_385 : i32
      "tpu.region"() ({
        %run_scoped3A = tpu.sem_alloc : memref<!tpu.dma_semaphore, #tpu.memory_space<semaphore_mem>>
        %dma_start3A_387 = arith.constant 9600 : i32
        %dma_start3A_388 = arith.constant 0 : i32
        %dma_start3A_389 = tpu.memref_slice %arg6[%dma_start3A_387, %dma_start3A_388] : memref<10000x128xf32, #tpu.memory_space<vmem_shared>> -> memref<400x128xf32, #tpu.memory_space<vmem_shared>>
        %dma_start3A_390 = arith.constant 0 : i32
        %dma_start3A_391 = tpu.memref_slice %arg2[%add3A_386, %dma_start3A_390] : memref<40000x128xf32, #tpu.memory_space<hbm>> -> memref<400x128xf32, #tpu.memory_space<hbm>>
        tpu.enqueue_dma source(%dma_start3A_391 : memref<400x128xf32, #tpu.memory_space<hbm>>) target(%dma_start3A_389 : memref<400x128xf32, #tpu.memory_space<vmem_shared>>) target_semaphore(%run_scoped3A : memref<!tpu.dma_semaphore, #tpu.memory_space<semaphore_mem>>)
        %dma_wait3A_392 = arith.constant 9600 : i32
        %dma_wait3A_393 = arith.constant 0 : i32
        %dma_wait3A_394 = tpu.memref_slice %arg6[%dma_wait3A_392, %dma_wait3A_393] : memref<10000x128xf32, #tpu.memory_space<vmem_shared>> -> memref<400x128xf32, #tpu.memory_space<vmem_shared>>
        %dma_wait3A_395 = arith.constant 0 : i32
        %dma_wait3A_396 = tpu.memref_slice %arg2[%add3A_386, %dma_wait3A_395] : memref<40000x128xf32, #tpu.memory_space<hbm>> -> memref<400x128xf32, #tpu.memory_space<hbm>>
        tpu.wait_dma2 semaphore(%run_scoped3A : memref<!tpu.dma_semaphore, #tpu.memory_space<semaphore_mem>>) src(%dma_wait3A_396 : memref<400x128xf32, #tpu.memory_space<hbm>>) dst(%dma_wait3A_394 : memref<400x128xf32, #tpu.memory_space<vmem_shared>>)
        tpu.yield
      }) : () -> ()
    } else {
    }
    %barrier3A = arith.constant 0 : index
    tpu.barrier barrier_id(%barrier3A)
    %dma_start3A = arith.constant 0 : i32
    %dma_start3A_14 = arith.constant 0 : i32
    %dma_start3A_15 = tpu.memref_slice %arg7[%dma_start3A, %dma_start3A_14] : memref<125x80xi32, #tpu.memory_space<vmem>> -> memref<1x80xi32, #tpu.memory_space<vmem>>
    %dma_start3A_16 = tpu.memref_squeeze %dma_start3A_15 : memref<1x80xi32, #tpu.memory_space<vmem>> -> memref<80xi32, #tpu.memory_space<vmem>>
    %dma_start3A_17 = arith.constant 0 : i32
    %dma_start3A_18 = arith.constant 0 : i32
    %dma_start3A_19 = tpu.memref_slice %arg2[%dma_start3A_17, %dma_start3A_18] : memref<40000x128xf32, #tpu.memory_space<hbm>> -> memref<40000x128xf32, #tpu.memory_space<hbm>>
    tpu.enqueue_indirect_dma source(%dma_start3A_19 : memref<40000x128xf32, #tpu.memory_space<hbm>>) target(%arg11 : memref<80x128xf32, #tpu.memory_space<vmem>>) offsets(%dma_start3A_16 : memref<80xi32, #tpu.memory_space<vmem>>) semaphore(%arg14 : memref<!tpu.dma_semaphore, #tpu.memory_space<semaphore_mem>>)
    %mul3A_20 = arith.constant 10000 : i32
    %mul3A_21 = arith.muli %arg1, %mul3A_20 : i32
    %add3A_22 = arith.constant 0 : i32
    %add3A_23 = arith.addi %mul3A_21, %add3A_22 : i32
    %dma_start3A_24 = tpu.memref_slice %arg4[%add3A_23] : memref<160000xi32, #tpu.memory_space<hbm>> -> memref<80xi32, #tpu.memory_space<hbm>>
    %dma_start3A_25 = tpu.memref_slice %arg4[%add3A_23] : memref<160000xi32, #tpu.memory_space<hbm>> -> memref<80xi32, #tpu.memory_space<hbm>>
    tpu.enqueue_dma source(%dma_start3A_25 : memref<80xi32, #tpu.memory_space<hbm>>) target(%arg8 : memref<80xi32, #tpu.memory_space<vmem>>) target_semaphore(%arg14 : memref<!tpu.dma_semaphore, #tpu.memory_space<semaphore_mem>>)
    %dma_start3A_26 = arith.constant 1 : i32
    %dma_start3A_27 = arith.constant 0 : i32
    %dma_start3A_28 = tpu.memref_slice %arg7[%dma_start3A_26, %dma_start3A_27] : memref<125x80xi32, #tpu.memory_space<vmem>> -> memref<1x80xi32, #tpu.memory_space<vmem>>
    %dma_start3A_29 = tpu.memref_squeeze %dma_start3A_28 : memref<1x80xi32, #tpu.memory_space<vmem>> -> memref<80xi32, #tpu.memory_space<vmem>>
    %dma_start3A_30 = arith.constant 0 : i32
    %dma_start3A_31 = arith.constant 0 : i32
    %dma_start3A_32 = tpu.memref_slice %arg2[%dma_start3A_30, %dma_start3A_31] : memref<40000x128xf32, #tpu.memory_space<hbm>> -> memref<40000x128xf32, #tpu.memory_space<hbm>>
    tpu.enqueue_indirect_dma source(%dma_start3A_32 : memref<40000x128xf32, #tpu.memory_space<hbm>>) target(%arg12 : memref<80x128xf32, #tpu.memory_space<vmem>>) offsets(%dma_start3A_29 : memref<80xi32, #tpu.memory_space<vmem>>) semaphore(%arg15 : memref<!tpu.dma_semaphore, #tpu.memory_space<semaphore_mem>>)
    %mul3A_33 = arith.constant 10000 : i32
    %mul3A_34 = arith.muli %arg1, %mul3A_33 : i32
    %add3A_35 = arith.constant 80 : i32
    %add3A_36 = arith.addi %mul3A_34, %add3A_35 : i32
    %dma_start3A_37 = tpu.memref_slice %arg4[%add3A_36] : memref<160000xi32, #tpu.memory_space<hbm>> -> memref<80xi32, #tpu.memory_space<hbm>>
    %dma_start3A_38 = tpu.memref_slice %arg4[%add3A_36] : memref<160000xi32, #tpu.memory_space<hbm>> -> memref<80xi32, #tpu.memory_space<hbm>>
    tpu.enqueue_dma source(%dma_start3A_38 : memref<80xi32, #tpu.memory_space<hbm>>) target(%arg9 : memref<80xi32, #tpu.memory_space<vmem>>) target_semaphore(%arg15 : memref<!tpu.dma_semaphore, #tpu.memory_space<semaphore_mem>>)
    %dma_wait3A = arith.constant 0 : i32
    %dma_wait3A_39 = arith.constant 0 : i32
    %dma_wait3A_40 = tpu.memref_slice %arg7[%dma_wait3A, %dma_wait3A_39] : memref<125x80xi32, #tpu.memory_space<vmem>> -> memref<1x80xi32, #tpu.memory_space<vmem>>
    %dma_wait3A_41 = tpu.memref_squeeze %dma_wait3A_40 : memref<1x80xi32, #tpu.memory_space<vmem>> -> memref<80xi32, #tpu.memory_space<vmem>>
    %dma_wait3A_42 = arith.constant 0 : i32
    %dma_wait3A_43 = arith.constant 0 : i32
    %dma_wait3A_44 = tpu.memref_slice %arg2[%dma_wait3A_42, %dma_wait3A_43] : memref<40000x128xf32, #tpu.memory_space<hbm>> -> memref<40000x128xf32, #tpu.memory_space<hbm>>
    tpu.wait_indirect_dma semaphore(%arg14 : memref<!tpu.dma_semaphore, #tpu.memory_space<semaphore_mem>>) src(%dma_wait3A_44 : memref<40000x128xf32, #tpu.memory_space<hbm>>) dst(%arg11 : memref<80x128xf32, #tpu.memory_space<vmem>>)
    %mul3A_45 = arith.constant 10000 : i32
    %mul3A_46 = arith.muli %arg1, %mul3A_45 : i32
    %add3A_47 = arith.constant 0 : i32
    %add3A_48 = arith.addi %mul3A_46, %add3A_47 : i32
    %dma_wait3A_49 = tpu.memref_slice %arg4[%add3A_48] : memref<160000xi32, #tpu.memory_space<hbm>> -> memref<80xi32, #tpu.memory_space<hbm>>
    %dma_wait3A_50 = tpu.memref_slice %arg4[%add3A_48] : memref<160000xi32, #tpu.memory_space<hbm>> -> memref<80xi32, #tpu.memory_space<hbm>>
    tpu.wait_dma2 semaphore(%arg14 : memref<!tpu.dma_semaphore, #tpu.memory_space<semaphore_mem>>) src(%dma_wait3A_50 : memref<80xi32, #tpu.memory_space<hbm>>) dst(%arg8 : memref<80xi32, #tpu.memory_space<vmem>>)
    %dma_start3A_51 = arith.constant 0 : i32
    %dma_start3A_52 = arith.constant 0 : i32
    %dma_start3A_53 = tpu.memref_slice %arg6[%dma_start3A_51, %dma_start3A_52] : memref<10000x128xf32, #tpu.memory_space<vmem_shared>> -> memref<10000x128xf32, #tpu.memory_space<vmem_shared>>
    tpu.enqueue_indirect_dma source(%arg11 : memref<80x128xf32, #tpu.memory_space<vmem>>) target(%dma_start3A_53 : memref<10000x128xf32, #tpu.memory_space<vmem_shared>>) offsets(%arg8 : memref<80xi32, #tpu.memory_space<vmem>>) semaphore(%arg17 : memref<!tpu.dma_semaphore, #tpu.memory_space<semaphore_mem>>) {add = true}
    %dma_start3A_54 = arith.constant 2 : i32
    %dma_start3A_55 = arith.constant 0 : i32
    %dma_start3A_56 = tpu.memref_slice %arg7[%dma_start3A_54, %dma_start3A_55] : memref<125x80xi32, #tpu.memory_space<vmem>> -> memref<1x80xi32, #tpu.memory_space<vmem>>
    %dma_start3A_57 = tpu.memref_squeeze %dma_start3A_56 : memref<1x80xi32, #tpu.memory_space<vmem>> -> memref<80xi32, #tpu.memory_space<vmem>>
    %dma_start3A_58 = arith.constant 0 : i32
    %dma_start3A_59 = arith.constant 0 : i32
    %dma_start3A_60 = tpu.memref_slice %arg2[%dma_start3A_58, %dma_start3A_59] : memref<40000x128xf32, #tpu.memory_space<hbm>> -> memref<40000x128xf32, #tpu.memory_space<hbm>>
    tpu.enqueue_indirect_dma source(%dma_start3A_60 : memref<40000x128xf32, #tpu.memory_space<hbm>>) target(%arg13 : memref<80x128xf32, #tpu.memory_space<vmem>>) offsets(%dma_start3A_57 : memref<80xi32, #tpu.memory_space<vmem>>) semaphore(%arg16 : memref<!tpu.dma_semaphore, #tpu.memory_space<semaphore_mem>>)
    %mul3A_61 = arith.constant 10000 : i32
    %mul3A_62 = arith.muli %arg1, %mul3A_61 : i32
    %add3A_63 = arith.constant 160 : i32
    %add3A_64 = arith.addi %mul3A_62, %add3A_63 : i32
    %dma_start3A_65 = tpu.memref_slice %arg4[%add3A_64] : memref<160000xi32, #tpu.memory_space<hbm>> -> memref<80xi32, #tpu.memory_space<hbm>>
    %dma_start3A_66 = tpu.memref_slice %arg4[%add3A_64] : memref<160000xi32, #tpu.memory_space<hbm>> -> memref<80xi32, #tpu.memory_space<hbm>>
    tpu.enqueue_dma source(%dma_start3A_66 : memref<80xi32, #tpu.memory_space<hbm>>) target(%arg10 : memref<80xi32, #tpu.memory_space<vmem>>) target_semaphore(%arg16 : memref<!tpu.dma_semaphore, #tpu.memory_space<semaphore_mem>>)
    %dma_wait3A_67 = arith.constant 1 : i32
    %dma_wait3A_68 = arith.constant 0 : i32
    %dma_wait3A_69 = tpu.memref_slice %arg7[%dma_wait3A_67, %dma_wait3A_68] : memref<125x80xi32, #tpu.memory_space<vmem>> -> memref<1x80xi32, #tpu.memory_space<vmem>>
    %dma_wait3A_70 = tpu.memref_squeeze %dma_wait3A_69 : memref<1x80xi32, #tpu.memory_space<vmem>> -> memref<80xi32, #tpu.memory_space<vmem>>
    %dma_wait3A_71 = arith.constant 0 : i32
    %dma_wait3A_72 = arith.constant 0 : i32
    %dma_wait3A_73 = tpu.memref_slice %arg2[%dma_wait3A_71, %dma_wait3A_72] : memref<40000x128xf32, #tpu.memory_space<hbm>> -> memref<40000x128xf32, #tpu.memory_space<hbm>>
    tpu.wait_indirect_dma semaphore(%arg15 : memref<!tpu.dma_semaphore, #tpu.memory_space<semaphore_mem>>) src(%dma_wait3A_73 : memref<40000x128xf32, #tpu.memory_space<hbm>>) dst(%arg12 : memref<80x128xf32, #tpu.memory_space<vmem>>)
    %mul3A_74 = arith.constant 10000 : i32
    %mul3A_75 = arith.muli %arg1, %mul3A_74 : i32
    %add3A_76 = arith.constant 80 : i32
    %add3A_77 = arith.addi %mul3A_75, %add3A_76 : i32
    %dma_wait3A_78 = tpu.memref_slice %arg4[%add3A_77] : memref<160000xi32, #tpu.memory_space<hbm>> -> memref<80xi32, #tpu.memory_space<hbm>>
    %dma_wait3A_79 = tpu.memref_slice %arg4[%add3A_77] : memref<160000xi32, #tpu.memory_space<hbm>> -> memref<80xi32, #tpu.memory_space<hbm>>
    tpu.wait_dma2 semaphore(%arg15 : memref<!tpu.dma_semaphore, #tpu.memory_space<semaphore_mem>>) src(%dma_wait3A_79 : memref<80xi32, #tpu.memory_space<hbm>>) dst(%arg9 : memref<80xi32, #tpu.memory_space<vmem>>)
    %dma_start3A_80 = arith.constant 0 : i32
    %dma_start3A_81 = arith.constant 0 : i32
    %dma_start3A_82 = tpu.memref_slice %arg6[%dma_start3A_80, %dma_start3A_81] : memref<10000x128xf32, #tpu.memory_space<vmem_shared>> -> memref<10000x128xf32, #tpu.memory_space<vmem_shared>>
    tpu.enqueue_indirect_dma source(%arg12 : memref<80x128xf32, #tpu.memory_space<vmem>>) target(%dma_start3A_82 : memref<10000x128xf32, #tpu.memory_space<vmem_shared>>) offsets(%arg9 : memref<80xi32, #tpu.memory_space<vmem>>) semaphore(%arg18 : memref<!tpu.dma_semaphore, #tpu.memory_space<semaphore_mem>>) {add = true}
    %dma_wait3A_83 = arith.constant 0 : i32
    %dma_wait3A_84 = arith.constant 0 : i32
    %dma_wait3A_85 = tpu.memref_slice %arg6[%dma_wait3A_83, %dma_wait3A_84] : memref<10000x128xf32, #tpu.memory_space<vmem_shared>> -> memref<10000x128xf32, #tpu.memory_space<vmem_shared>>
    tpu.wait_indirect_dma semaphore(%arg17 : memref<!tpu.dma_semaphore, #tpu.memory_space<semaphore_mem>>) src(%arg11 : memref<80x128xf32, #tpu.memory_space<vmem>>) dst(%dma_wait3A_85 : memref<10000x128xf32, #tpu.memory_space<vmem_shared>>)
    %dma_start3A_86 = arith.constant 3 : i32
    %dma_start3A_87 = arith.constant 0 : i32
    %dma_start3A_88 = tpu.memref_slice %arg7[%dma_start3A_86, %dma_start3A_87] : memref<125x80xi32, #tpu.memory_space<vmem>> -> memref<1x80xi32, #tpu.memory_space<vmem>>
    %dma_start3A_89 = tpu.memref_squeeze %dma_start3A_88 : memref<1x80xi32, #tpu.memory_space<vmem>> -> memref<80xi32, #tpu.memory_space<vmem>>
    %dma_start3A_90 = arith.constant 0 : i32
    %dma_start3A_91 = arith.constant 0 : i32
    %dma_start3A_92 = tpu.memref_slice %arg2[%dma_start3A_90, %dma_start3A_91] : memref<40000x128xf32, #tpu.memory_space<hbm>> -> memref<40000x128xf32, #tpu.memory_space<hbm>>
    tpu.enqueue_indirect_dma source(%dma_start3A_92 : memref<40000x128xf32, #tpu.memory_space<hbm>>) target(%arg11 : memref<80x128xf32, #tpu.memory_space<vmem>>) offsets(%dma_start3A_89 : memref<80xi32, #tpu.memory_space<vmem>>) semaphore(%arg14 : memref<!tpu.dma_semaphore, #tpu.memory_space<semaphore_mem>>)
    %mul3A_93 = arith.constant 10000 : i32
    %mul3A_94 = arith.muli %arg1, %mul3A_93 : i32
    %add3A_95 = arith.constant 240 : i32
    %add3A_96 = arith.addi %mul3A_94, %add3A_95 : i32
    %dma_start3A_97 = tpu.memref_slice %arg4[%add3A_96] : memref<160000xi32, #tpu.memory_space<hbm>> -> memref<80xi32, #tpu.memory_space<hbm>>
    %dma_start3A_98 = tpu.memref_slice %arg4[%add3A_96] : memref<160000xi32, #tpu.memory_space<hbm>> -> memref<80xi32, #tpu.memory_space<hbm>>
    tpu.enqueue_dma source(%dma_start3A_98 : memref<80xi32, #tpu.memory_space<hbm>>) target(%arg8 : memref<80xi32, #tpu.memory_space<vmem>>) target_semaphore(%arg14 : memref<!tpu.dma_semaphore, #tpu.memory_space<semaphore_mem>>)
    %dma_wait3A_99 = arith.constant 2 : i32
    %dma_wait3A_100 = arith.constant 0 : i32
    %dma_wait3A_101 = tpu.memref_slice %arg7[%dma_wait3A_99, %dma_wait3A_100] : memref<125x80xi32, #tpu.memory_space<vmem>> -> memref<1x80xi32, #tpu.memory_space<vmem>>
    %dma_wait3A_102 = tpu.memref_squeeze %dma_wait3A_101 : memref<1x80xi32, #tpu.memory_space<vmem>> -> memref<80xi32, #tpu.memory_space<vmem>>
    %dma_wait3A_103 = arith.constant 0 : i32
    %dma_wait3A_104 = arith.constant 0 : i32
    %dma_wait3A_105 = tpu.memref_slice %arg2[%dma_wait3A_103, %dma_wait3A_104] : memref<40000x128xf32, #tpu.memory_space<hbm>> -> memref<40000x128xf32, #tpu.memory_space<hbm>>
    tpu.wait_indirect_dma semaphore(%arg16 : memref<!tpu.dma_semaphore, #tpu.memory_space<semaphore_mem>>) src(%dma_wait3A_105 : memref<40000x128xf32, #tpu.memory_space<hbm>>) dst(%arg13 : memref<80x128xf32, #tpu.memory_space<vmem>>)
    %mul3A_106 = arith.constant 10000 : i32
    %mul3A_107 = arith.muli %arg1, %mul3A_106 : i32
    %add3A_108 = arith.constant 160 : i32
    %add3A_109 = arith.addi %mul3A_107, %add3A_108 : i32
    %dma_wait3A_110 = tpu.memref_slice %arg4[%add3A_109] : memref<160000xi32, #tpu.memory_space<hbm>> -> memref<80xi32, #tpu.memory_space<hbm>>
    %dma_wait3A_111 = tpu.memref_slice %arg4[%add3A_109] : memref<160000xi32, #tpu.memory_space<hbm>> -> memref<80xi32, #tpu.memory_space<hbm>>
    tpu.wait_dma2 semaphore(%arg16 : memref<!tpu.dma_semaphore, #tpu.memory_space<semaphore_mem>>) src(%dma_wait3A_111 : memref<80xi32, #tpu.memory_space<hbm>>) dst(%arg10 : memref<80xi32, #tpu.memory_space<vmem>>)
    %dma_start3A_112 = arith.constant 0 : i32
    %dma_start3A_113 = arith.constant 0 : i32
    %dma_start3A_114 = tpu.memref_slice %arg6[%dma_start3A_112, %dma_start3A_113] : memref<10000x128xf32, #tpu.memory_space<vmem_shared>> -> memref<10000x128xf32, #tpu.memory_space<vmem_shared>>
    tpu.enqueue_indirect_dma source(%arg13 : memref<80x128xf32, #tpu.memory_space<vmem>>) target(%dma_start3A_114 : memref<10000x128xf32, #tpu.memory_space<vmem_shared>>) offsets(%arg10 : memref<80xi32, #tpu.memory_space<vmem>>) semaphore(%arg19 : memref<!tpu.dma_semaphore, #tpu.memory_space<semaphore_mem>>) {add = true}
    %dma_wait3A_115 = arith.constant 0 : i32
    %dma_wait3A_116 = arith.constant 0 : i32
    %dma_wait3A_117 = tpu.memref_slice %arg6[%dma_wait3A_115, %dma_wait3A_116] : memref<10000x128xf32, #tpu.memory_space<vmem_shared>> -> memref<10000x128xf32, #tpu.memory_space<vmem_shared>>
    tpu.wait_indirect_dma semaphore(%arg18 : memref<!tpu.dma_semaphore, #tpu.memory_space<semaphore_mem>>) src(%arg12 : memref<80x128xf32, #tpu.memory_space<vmem>>) dst(%dma_wait3A_117 : memref<10000x128xf32, #tpu.memory_space<vmem_shared>>)
    %dma_start3A_118 = arith.constant 4 : i32
    %dma_start3A_119 = arith.constant 0 : i32
    %dma_start3A_120 = tpu.memref_slice %arg7[%dma_start3A_118, %dma_start3A_119] : memref<125x80xi32, #tpu.memory_space<vmem>> -> memref<1x80xi32, #tpu.memory_space<vmem>>
    %dma_start3A_121 = tpu.memref_squeeze %dma_start3A_120 : memref<1x80xi32, #tpu.memory_space<vmem>> -> memref<80xi32, #tpu.memory_space<vmem>>
    %dma_start3A_122 = arith.constant 0 : i32
    %dma_start3A_123 = arith.constant 0 : i32
    %dma_start3A_124 = tpu.memref_slice %arg2[%dma_start3A_122, %dma_start3A_123] : memref<40000x128xf32, #tpu.memory_space<hbm>> -> memref<40000x128xf32, #tpu.memory_space<hbm>>
    tpu.enqueue_indirect_dma source(%dma_start3A_124 : memref<40000x128xf32, #tpu.memory_space<hbm>>) target(%arg12 : memref<80x128xf32, #tpu.memory_space<vmem>>) offsets(%dma_start3A_121 : memref<80xi32, #tpu.memory_space<vmem>>) semaphore(%arg15 : memref<!tpu.dma_semaphore, #tpu.memory_space<semaphore_mem>>)
    %mul3A_125 = arith.constant 10000 : i32
    %mul3A_126 = arith.muli %arg1, %mul3A_125 : i32
    %add3A_127 = arith.constant 320 : i32
    %add3A_128 = arith.addi %mul3A_126, %add3A_127 : i32
    %dma_start3A_129 = tpu.memref_slice %arg4[%add3A_128] : memref<160000xi32, #tpu.memory_space<hbm>> -> memref<80xi32, #tpu.memory_space<hbm>>
    %dma_start3A_130 = tpu.memref_slice %arg4[%add3A_128] : memref<160000xi32, #tpu.memory_space<hbm>> -> memref<80xi32, #tpu.memory_space<hbm>>
    tpu.enqueue_dma source(%dma_start3A_130 : memref<80xi32, #tpu.memory_space<hbm>>) target(%arg9 : memref<80xi32, #tpu.memory_space<vmem>>) target_semaphore(%arg15 : memref<!tpu.dma_semaphore, #tpu.memory_space<semaphore_mem>>)
    %scan3A_131 = arith.constant 0 : i32
    %scan3A_132 = arith.constant 40 : i32
    %scan3A_133 = arith.addi %scan3A_131, %scan3A_132 : i32
    %scan3A_134 = arith.constant 1 : i32
    scf.for %scan3A_385 = %scan3A_131 to %scan3A_133 step %scan3A_134  : i32 {
      %mul3A_386 = arith.constant 1 : i32
      %mul3A_387 = arith.muli %scan3A_385, %mul3A_386 : i32
      %add3A_388 = arith.constant 1 : i32
      %add3A_389 = arith.addi %add3A_388, %mul3A_387 : i32
      %mul3A_390 = arith.constant 3 : i32
      %mul3A_391 = arith.muli %mul3A_390, %add3A_389 : i32
      %dma_wait3A_392 = arith.constant 0 : i32
      %dma_wait3A_393 = tpu.memref_slice %arg7[%mul3A_391, %dma_wait3A_392] : memref<125x80xi32, #tpu.memory_space<vmem>> -> memref<1x80xi32, #tpu.memory_space<vmem>>
      %dma_wait3A_394 = tpu.memref_squeeze %dma_wait3A_393 : memref<1x80xi32, #tpu.memory_space<vmem>> -> memref<80xi32, #tpu.memory_space<vmem>>
      %dma_wait3A_395 = arith.constant 0 : i32
      %dma_wait3A_396 = arith.constant 0 : i32
      %dma_wait3A_397 = tpu.memref_slice %arg2[%dma_wait3A_395, %dma_wait3A_396] : memref<40000x128xf32, #tpu.memory_space<hbm>> -> memref<40000x128xf32, #tpu.memory_space<hbm>>
      tpu.wait_indirect_dma semaphore(%arg14 : memref<!tpu.dma_semaphore, #tpu.memory_space<semaphore_mem>>) src(%dma_wait3A_397 : memref<40000x128xf32, #tpu.memory_space<hbm>>) dst(%arg11 : memref<80x128xf32, #tpu.memory_space<vmem>>)
      %mul3A_398 = arith.constant 10000 : i32
      %mul3A_399 = arith.muli %arg1, %mul3A_398 : i32
      %mul3A_400 = arith.constant 80 : i32
      %mul3A_401 = arith.muli %mul3A_391, %mul3A_400 : i32
      %add3A_402 = arith.addi %mul3A_399, %mul3A_401 : i32
      %dma_wait3A_403 = tpu.memref_slice %arg4[%add3A_402] : memref<160000xi32, #tpu.memory_space<hbm>> -> memref<80xi32, #tpu.memory_space<hbm>>
      %dma_wait3A_404 = tpu.memref_slice %arg4[%add3A_402] : memref<160000xi32, #tpu.memory_space<hbm>> -> memref<80xi32, #tpu.memory_space<hbm>>
      tpu.wait_dma2 semaphore(%arg14 : memref<!tpu.dma_semaphore, #tpu.memory_space<semaphore_mem>>) src(%dma_wait3A_404 : memref<80xi32, #tpu.memory_space<hbm>>) dst(%arg8 : memref<80xi32, #tpu.memory_space<vmem>>)
      %dma_start3A_405 = arith.constant 0 : i32
      %dma_start3A_406 = arith.constant 0 : i32
      %dma_start3A_407 = tpu.memref_slice %arg6[%dma_start3A_405, %dma_start3A_406] : memref<10000x128xf32, #tpu.memory_space<vmem_shared>> -> memref<10000x128xf32, #tpu.memory_space<vmem_shared>>
      tpu.enqueue_indirect_dma source(%arg11 : memref<80x128xf32, #tpu.memory_space<vmem>>) target(%dma_start3A_407 : memref<10000x128xf32, #tpu.memory_space<vmem_shared>>) offsets(%arg8 : memref<80xi32, #tpu.memory_space<vmem>>) semaphore(%arg17 : memref<!tpu.dma_semaphore, #tpu.memory_space<semaphore_mem>>) {add = true}
      %dma_wait3A_408 = arith.constant 0 : i32
      %dma_wait3A_409 = arith.constant 0 : i32
      %dma_wait3A_410 = tpu.memref_slice %arg6[%dma_wait3A_408, %dma_wait3A_409] : memref<10000x128xf32, #tpu.memory_space<vmem_shared>> -> memref<10000x128xf32, #tpu.memory_space<vmem_shared>>
      tpu.wait_indirect_dma semaphore(%arg19 : memref<!tpu.dma_semaphore, #tpu.memory_space<semaphore_mem>>) src(%arg13 : memref<80x128xf32, #tpu.memory_space<vmem>>) dst(%dma_wait3A_410 : memref<10000x128xf32, #tpu.memory_space<vmem_shared>>)
      %add3A_411 = arith.constant 2 : i32
      %add3A_412 = arith.addi %mul3A_391, %add3A_411 : i32
      %dma_start3A_413 = arith.constant 0 : i32
      %dma_start3A_414 = tpu.memref_slice %arg7[%add3A_412, %dma_start3A_413] : memref<125x80xi32, #tpu.memory_space<vmem>> -> memref<1x80xi32, #tpu.memory_space<vmem>>
      %dma_start3A_415 = tpu.memref_squeeze %dma_start3A_414 : memref<1x80xi32, #tpu.memory_space<vmem>> -> memref<80xi32, #tpu.memory_space<vmem>>
      %dma_start3A_416 = arith.constant 0 : i32
      %dma_start3A_417 = arith.constant 0 : i32
      %dma_start3A_418 = tpu.memref_slice %arg2[%dma_start3A_416, %dma_start3A_417] : memref<40000x128xf32, #tpu.memory_space<hbm>> -> memref<40000x128xf32, #tpu.memory_space<hbm>>
      tpu.enqueue_indirect_dma source(%dma_start3A_418 : memref<40000x128xf32, #tpu.memory_space<hbm>>) target(%arg13 : memref<80x128xf32, #tpu.memory_space<vmem>>) offsets(%dma_start3A_415 : memref<80xi32, #tpu.memory_space<vmem>>) semaphore(%arg16 : memref<!tpu.dma_semaphore, #tpu.memory_space<semaphore_mem>>)
      %mul3A_419 = arith.constant 10000 : i32
      %mul3A_420 = arith.muli %arg1, %mul3A_419 : i32
      %mul3A_421 = arith.constant 80 : i32
      %mul3A_422 = arith.muli %add3A_412, %mul3A_421 : i32
      %add3A_423 = arith.addi %mul3A_420, %mul3A_422 : i32
      %dma_start3A_424 = tpu.memref_slice %arg4[%add3A_423] : memref<160000xi32, #tpu.memory_space<hbm>> -> memref<80xi32, #tpu.memory_space<hbm>>
      %dma_start3A_425 = tpu.memref_slice %arg4[%add3A_423] : memref<160000xi32, #tpu.memory_space<hbm>> -> memref<80xi32, #tpu.memory_space<hbm>>
      tpu.enqueue_dma source(%dma_start3A_425 : memref<80xi32, #tpu.memory_space<hbm>>) target(%arg10 : memref<80xi32, #tpu.memory_space<vmem>>) target_semaphore(%arg16 : memref<!tpu.dma_semaphore, #tpu.memory_space<semaphore_mem>>)
      %add3A_426 = arith.constant 1 : i32
      %add3A_427 = arith.addi %mul3A_391, %add3A_426 : i32
      %dma_wait3A_428 = arith.constant 0 : i32
      %dma_wait3A_429 = tpu.memref_slice %arg7[%add3A_427, %dma_wait3A_428] : memref<125x80xi32, #tpu.memory_space<vmem>> -> memref<1x80xi32, #tpu.memory_space<vmem>>
      %dma_wait3A_430 = tpu.memref_squeeze %dma_wait3A_429 : memref<1x80xi32, #tpu.memory_space<vmem>> -> memref<80xi32, #tpu.memory_space<vmem>>
      %dma_wait3A_431 = arith.constant 0 : i32
      %dma_wait3A_432 = arith.constant 0 : i32
      %dma_wait3A_433 = tpu.memref_slice %arg2[%dma_wait3A_431, %dma_wait3A_432] : memref<40000x128xf32, #tpu.memory_space<hbm>> -> memref<40000x128xf32, #tpu.memory_space<hbm>>
      tpu.wait_indirect_dma semaphore(%arg15 : memref<!tpu.dma_semaphore, #tpu.memory_space<semaphore_mem>>) src(%dma_wait3A_433 : memref<40000x128xf32, #tpu.memory_space<hbm>>) dst(%arg12 : memref<80x128xf32, #tpu.memory_space<vmem>>)
      %mul3A_434 = arith.constant 10000 : i32
      %mul3A_435 = arith.muli %arg1, %mul3A_434 : i32
      %mul3A_436 = arith.constant 80 : i32
      %mul3A_437 = arith.muli %add3A_427, %mul3A_436 : i32
      %add3A_438 = arith.addi %mul3A_435, %mul3A_437 : i32
      %dma_wait3A_439 = tpu.memref_slice %arg4[%add3A_438] : memref<160000xi32, #tpu.memory_space<hbm>> -> memref<80xi32, #tpu.memory_space<hbm>>
      %dma_wait3A_440 = tpu.memref_slice %arg4[%add3A_438] : memref<160000xi32, #tpu.memory_space<hbm>> -> memref<80xi32, #tpu.memory_space<hbm>>
      tpu.wait_dma2 semaphore(%arg15 : memref<!tpu.dma_semaphore, #tpu.memory_space<semaphore_mem>>) src(%dma_wait3A_440 : memref<80xi32, #tpu.memory_space<hbm>>) dst(%arg9 : memref<80xi32, #tpu.memory_space<vmem>>)
      %dma_start3A_441 = arith.constant 0 : i32
      %dma_start3A_442 = arith.constant 0 : i32
      %dma_start3A_443 = tpu.memref_slice %arg6[%dma_start3A_441, %dma_start3A_442] : memref<10000x128xf32, #tpu.memory_space<vmem_shared>> -> memref<10000x128xf32, #tpu.memory_space<vmem_shared>>
      tpu.enqueue_indirect_dma source(%arg12 : memref<80x128xf32, #tpu.memory_space<vmem>>) target(%dma_start3A_443 : memref<10000x128xf32, #tpu.memory_space<vmem_shared>>) offsets(%arg9 : memref<80xi32, #tpu.memory_space<vmem>>) semaphore(%arg18 : memref<!tpu.dma_semaphore, #tpu.memory_space<semaphore_mem>>) {add = true}
      %dma_wait3A_444 = arith.constant 0 : i32
      %dma_wait3A_445 = arith.constant 0 : i32
      %dma_wait3A_446 = tpu.memref_slice %arg6[%dma_wait3A_444, %dma_wait3A_445] : memref<10000x128xf32, #tpu.memory_space<vmem_shared>> -> memref<10000x128xf32, #tpu.memory_space<vmem_shared>>
      tpu.wait_indirect_dma semaphore(%arg17 : memref<!tpu.dma_semaphore, #tpu.memory_space<semaphore_mem>>) src(%arg11 : memref<80x128xf32, #tpu.memory_space<vmem>>) dst(%dma_wait3A_446 : memref<10000x128xf32, #tpu.memory_space<vmem_shared>>)
      %add3A_447 = arith.constant 3 : i32
      %add3A_448 = arith.addi %mul3A_391, %add3A_447 : i32
      %dma_start3A_449 = arith.constant 0 : i32
      %dma_start3A_450 = tpu.memref_slice %arg7[%add3A_448, %dma_start3A_449] : memref<125x80xi32, #tpu.memory_space<vmem>> -> memref<1x80xi32, #tpu.memory_space<vmem>>
      %dma_start3A_451 = tpu.memref_squeeze %dma_start3A_450 : memref<1x80xi32, #tpu.memory_space<vmem>> -> memref<80xi32, #tpu.memory_space<vmem>>
      %dma_start3A_452 = arith.constant 0 : i32
      %dma_start3A_453 = arith.constant 0 : i32
      %dma_start3A_454 = tpu.memref_slice %arg2[%dma_start3A_452, %dma_start3A_453] : memref<40000x128xf32, #tpu.memory_space<hbm>> -> memref<40000x128xf32, #tpu.memory_space<hbm>>
      tpu.enqueue_indirect_dma source(%dma_start3A_454 : memref<40000x128xf32, #tpu.memory_space<hbm>>) target(%arg11 : memref<80x128xf32, #tpu.memory_space<vmem>>) offsets(%dma_start3A_451 : memref<80xi32, #tpu.memory_space<vmem>>) semaphore(%arg14 : memref<!tpu.dma_semaphore, #tpu.memory_space<semaphore_mem>>)
      %mul3A_455 = arith.constant 10000 : i32
      %mul3A_456 = arith.muli %arg1, %mul3A_455 : i32
      %mul3A_457 = arith.constant 80 : i32
      %mul3A_458 = arith.muli %add3A_448, %mul3A_457 : i32
      %add3A_459 = arith.addi %mul3A_456, %mul3A_458 : i32
      %dma_start3A_460 = tpu.memref_slice %arg4[%add3A_459] : memref<160000xi32, #tpu.memory_space<hbm>> -> memref<80xi32, #tpu.memory_space<hbm>>
      %dma_start3A_461 = tpu.memref_slice %arg4[%add3A_459] : memref<160000xi32, #tpu.memory_space<hbm>> -> memref<80xi32, #tpu.memory_space<hbm>>
      tpu.enqueue_dma source(%dma_start3A_461 : memref<80xi32, #tpu.memory_space<hbm>>) target(%arg8 : memref<80xi32, #tpu.memory_space<vmem>>) target_semaphore(%arg14 : memref<!tpu.dma_semaphore, #tpu.memory_space<semaphore_mem>>)
      %add3A_462 = arith.constant 2 : i32
      %add3A_463 = arith.addi %mul3A_391, %add3A_462 : i32
      %dma_wait3A_464 = arith.constant 0 : i32
      %dma_wait3A_465 = tpu.memref_slice %arg7[%add3A_463, %dma_wait3A_464] : memref<125x80xi32, #tpu.memory_space<vmem>> -> memref<1x80xi32, #tpu.memory_space<vmem>>
      %dma_wait3A_466 = tpu.memref_squeeze %dma_wait3A_465 : memref<1x80xi32, #tpu.memory_space<vmem>> -> memref<80xi32, #tpu.memory_space<vmem>>
      %dma_wait3A_467 = arith.constant 0 : i32
      %dma_wait3A_468 = arith.constant 0 : i32
      %dma_wait3A_469 = tpu.memref_slice %arg2[%dma_wait3A_467, %dma_wait3A_468] : memref<40000x128xf32, #tpu.memory_space<hbm>> -> memref<40000x128xf32, #tpu.memory_space<hbm>>
      tpu.wait_indirect_dma semaphore(%arg16 : memref<!tpu.dma_semaphore, #tpu.memory_space<semaphore_mem>>) src(%dma_wait3A_469 : memref<40000x128xf32, #tpu.memory_space<hbm>>) dst(%arg13 : memref<80x128xf32, #tpu.memory_space<vmem>>)
      %mul3A_470 = arith.constant 10000 : i32
      %mul3A_471 = arith.muli %arg1, %mul3A_470 : i32
      %mul3A_472 = arith.constant 80 : i32
      %mul3A_473 = arith.muli %add3A_463, %mul3A_472 : i32
      %add3A_474 = arith.addi %mul3A_471, %mul3A_473 : i32
      %dma_wait3A_475 = tpu.memref_slice %arg4[%add3A_474] : memref<160000xi32, #tpu.memory_space<hbm>> -> memref<80xi32, #tpu.memory_space<hbm>>
      %dma_wait3A_476 = tpu.memref_slice %arg4[%add3A_474] : memref<160000xi32, #tpu.memory_space<hbm>> -> memref<80xi32, #tpu.memory_space<hbm>>
      tpu.wait_dma2 semaphore(%arg16 : memref<!tpu.dma_semaphore, #tpu.memory_space<semaphore_mem>>) src(%dma_wait3A_476 : memref<80xi32, #tpu.memory_space<hbm>>) dst(%arg10 : memref<80xi32, #tpu.memory_space<vmem>>)
      %dma_start3A_477 = arith.constant 0 : i32
      %dma_start3A_478 = arith.constant 0 : i32
      %dma_start3A_479 = tpu.memref_slice %arg6[%dma_start3A_477, %dma_start3A_478] : memref<10000x128xf32, #tpu.memory_space<vmem_shared>> -> memref<10000x128xf32, #tpu.memory_space<vmem_shared>>
      tpu.enqueue_indirect_dma source(%arg13 : memref<80x128xf32, #tpu.memory_space<vmem>>) target(%dma_start3A_479 : memref<10000x128xf32, #tpu.memory_space<vmem_shared>>) offsets(%arg10 : memref<80xi32, #tpu.memory_space<vmem>>) semaphore(%arg19 : memref<!tpu.dma_semaphore, #tpu.memory_space<semaphore_mem>>) {add = true}
      %dma_wait3A_480 = arith.constant 0 : i32
      %dma_wait3A_481 = arith.constant 0 : i32
      %dma_wait3A_482 = tpu.memref_slice %arg6[%dma_wait3A_480, %dma_wait3A_481] : memref<10000x128xf32, #tpu.memory_space<vmem_shared>> -> memref<10000x128xf32, #tpu.memory_space<vmem_shared>>
      tpu.wait_indirect_dma semaphore(%arg18 : memref<!tpu.dma_semaphore, #tpu.memory_space<semaphore_mem>>) src(%arg12 : memref<80x128xf32, #tpu.memory_space<vmem>>) dst(%dma_wait3A_482 : memref<10000x128xf32, #tpu.memory_space<vmem_shared>>)
      %add3A_483 = arith.constant 4 : i32
      %add3A_484 = arith.addi %mul3A_391, %add3A_483 : i32
      %dma_start3A_485 = arith.constant 0 : i32
      %dma_start3A_486 = tpu.memref_slice %arg7[%add3A_484, %dma_start3A_485] : memref<125x80xi32, #tpu.memory_space<vmem>> -> memref<1x80xi32, #tpu.memory_space<vmem>>
      %dma_start3A_487 = tpu.memref_squeeze %dma_start3A_486 : memref<1x80xi32, #tpu.memory_space<vmem>> -> memref<80xi32, #tpu.memory_space<vmem>>
      %dma_start3A_488 = arith.constant 0 : i32
      %dma_start3A_489 = arith.constant 0 : i32
      %dma_start3A_490 = tpu.memref_slice %arg2[%dma_start3A_488, %dma_start3A_489] : memref<40000x128xf32, #tpu.memory_space<hbm>> -> memref<40000x128xf32, #tpu.memory_space<hbm>>
      tpu.enqueue_indirect_dma source(%dma_start3A_490 : memref<40000x128xf32, #tpu.memory_space<hbm>>) target(%arg12 : memref<80x128xf32, #tpu.memory_space<vmem>>) offsets(%dma_start3A_487 : memref<80xi32, #tpu.memory_space<vmem>>) semaphore(%arg15 : memref<!tpu.dma_semaphore, #tpu.memory_space<semaphore_mem>>)
      %mul3A_491 = arith.constant 10000 : i32
      %mul3A_492 = arith.muli %arg1, %mul3A_491 : i32
      %mul3A_493 = arith.constant 80 : i32
      %mul3A_494 = arith.muli %add3A_484, %mul3A_493 : i32
      %add3A_495 = arith.addi %mul3A_492, %mul3A_494 : i32
      %dma_start3A_496 = tpu.memref_slice %arg4[%add3A_495] : memref<160000xi32, #tpu.memory_space<hbm>> -> memref<80xi32, #tpu.memory_space<hbm>>
      %dma_start3A_497 = tpu.memref_slice %arg4[%add3A_495] : memref<160000xi32, #tpu.memory_space<hbm>> -> memref<80xi32, #tpu.memory_space<hbm>>
      tpu.enqueue_dma source(%dma_start3A_497 : memref<80xi32, #tpu.memory_space<hbm>>) target(%arg9 : memref<80xi32, #tpu.memory_space<vmem>>) target_semaphore(%arg15 : memref<!tpu.dma_semaphore, #tpu.memory_space<semaphore_mem>>)
    }
    %scan3A_135 = arith.constant 40 : i32
    %dma_wait3A_136 = arith.constant 123 : i32
    %dma_wait3A_137 = arith.constant 0 : i32
    %dma_wait3A_138 = tpu.memref_slice %arg7[%dma_wait3A_136, %dma_wait3A_137] : memref<125x80xi32, #tpu.memory_space<vmem>> -> memref<1x80xi32, #tpu.memory_space<vmem>>
    %dma_wait3A_139 = tpu.memref_squeeze %dma_wait3A_138 : memref<1x80xi32, #tpu.memory_space<vmem>> -> memref<80xi32, #tpu.memory_space<vmem>>
    %dma_wait3A_140 = arith.constant 0 : i32
    %dma_wait3A_141 = arith.constant 0 : i32
    %dma_wait3A_142 = tpu.memref_slice %arg2[%dma_wait3A_140, %dma_wait3A_141] : memref<40000x128xf32, #tpu.memory_space<hbm>> -> memref<40000x128xf32, #tpu.memory_space<hbm>>
    tpu.wait_indirect_dma semaphore(%arg14 : memref<!tpu.dma_semaphore, #tpu.memory_space<semaphore_mem>>) src(%dma_wait3A_142 : memref<40000x128xf32, #tpu.memory_space<hbm>>) dst(%arg11 : memref<80x128xf32, #tpu.memory_space<vmem>>)
    %mul3A_143 = arith.constant 10000 : i32
    %mul3A_144 = arith.muli %arg1, %mul3A_143 : i32
    %add3A_145 = arith.constant 9840 : i32
    %add3A_146 = arith.addi %mul3A_144, %add3A_145 : i32
    %dma_wait3A_147 = tpu.memref_slice %arg4[%add3A_146] : memref<160000xi32, #tpu.memory_space<hbm>> -> memref<80xi32, #tpu.memory_space<hbm>>
    %dma_wait3A_148 = tpu.memref_slice %arg4[%add3A_146] : memref<160000xi32, #tpu.memory_space<hbm>> -> memref<80xi32, #tpu.memory_space<hbm>>
    tpu.wait_dma2 semaphore(%arg14 : memref<!tpu.dma_semaphore, #tpu.memory_space<semaphore_mem>>) src(%dma_wait3A_148 : memref<80xi32, #tpu.memory_space<hbm>>) dst(%arg8 : memref<80xi32, #tpu.memory_space<vmem>>)
    %dma_start3A_149 = arith.constant 0 : i32
    %dma_start3A_150 = arith.constant 0 : i32
    %dma_start3A_151 = tpu.memref_slice %arg6[%dma_start3A_149, %dma_start3A_150] : memref<10000x128xf32, #tpu.memory_space<vmem_shared>> -> memref<10000x128xf32, #tpu.memory_space<vmem_shared>>
    tpu.enqueue_indirect_dma source(%arg11 : memref<80x128xf32, #tpu.memory_space<vmem>>) target(%dma_start3A_151 : memref<10000x128xf32, #tpu.memory_space<vmem_shared>>) offsets(%arg8 : memref<80xi32, #tpu.memory_space<vmem>>) semaphore(%arg17 : memref<!tpu.dma_semaphore, #tpu.memory_space<semaphore_mem>>) {add = true}
    %dma_wait3A_152 = arith.constant 0 : i32
    %dma_wait3A_153 = arith.constant 0 : i32
    %dma_wait3A_154 = tpu.memref_slice %arg6[%dma_wait3A_152, %dma_wait3A_153] : memref<10000x128xf32, #tpu.memory_space<vmem_shared>> -> memref<10000x128xf32, #tpu.memory_space<vmem_shared>>
    tpu.wait_indirect_dma semaphore(%arg19 : memref<!tpu.dma_semaphore, #tpu.memory_space<semaphore_mem>>) src(%arg13 : memref<80x128xf32, #tpu.memory_space<vmem>>) dst(%dma_wait3A_154 : memref<10000x128xf32, #tpu.memory_space<vmem_shared>>)
    %dma_wait3A_155 = arith.constant 124 : i32
    %dma_wait3A_156 = arith.constant 0 : i32
    %dma_wait3A_157 = tpu.memref_slice %arg7[%dma_wait3A_155, %dma_wait3A_156] : memref<125x80xi32, #tpu.memory_space<vmem>> -> memref<1x80xi32, #tpu.memory_space<vmem>>
    %dma_wait3A_158 = tpu.memref_squeeze %dma_wait3A_157 : memref<1x80xi32, #tpu.memory_space<vmem>> -> memref<80xi32, #tpu.memory_space<vmem>>
    %dma_wait3A_159 = arith.constant 0 : i32
    %dma_wait3A_160 = arith.constant 0 : i32
    %dma_wait3A_161 = tpu.memref_slice %arg2[%dma_wait3A_159, %dma_wait3A_160] : memref<40000x128xf32, #tpu.memory_space<hbm>> -> memref<40000x128xf32, #tpu.memory_space<hbm>>
    tpu.wait_indirect_dma semaphore(%arg15 : memref<!tpu.dma_semaphore, #tpu.memory_space<semaphore_mem>>) src(%dma_wait3A_161 : memref<40000x128xf32, #tpu.memory_space<hbm>>) dst(%arg12 : memref<80x128xf32, #tpu.memory_space<vmem>>)
    %mul3A_162 = arith.constant 10000 : i32
    %mul3A_163 = arith.muli %arg1, %mul3A_162 : i32
    %add3A_164 = arith.constant 9920 : i32
    %add3A_165 = arith.addi %mul3A_163, %add3A_164 : i32
    %dma_wait3A_166 = tpu.memref_slice %arg4[%add3A_165] : memref<160000xi32, #tpu.memory_space<hbm>> -> memref<80xi32, #tpu.memory_space<hbm>>
    %dma_wait3A_167 = tpu.memref_slice %arg4[%add3A_165] : memref<160000xi32, #tpu.memory_space<hbm>> -> memref<80xi32, #tpu.memory_space<hbm>>
    tpu.wait_dma2 semaphore(%arg15 : memref<!tpu.dma_semaphore, #tpu.memory_space<semaphore_mem>>) src(%dma_wait3A_167 : memref<80xi32, #tpu.memory_space<hbm>>) dst(%arg9 : memref<80xi32, #tpu.memory_space<vmem>>)
    %dma_start3A_168 = arith.constant 0 : i32
    %dma_start3A_169 = arith.constant 0 : i32
    %dma_start3A_170 = tpu.memref_slice %arg6[%dma_start3A_168, %dma_start3A_169] : memref<10000x128xf32, #tpu.memory_space<vmem_shared>> -> memref<10000x128xf32, #tpu.memory_space<vmem_shared>>
    tpu.enqueue_indirect_dma source(%arg12 : memref<80x128xf32, #tpu.memory_space<vmem>>) target(%dma_start3A_170 : memref<10000x128xf32, #tpu.memory_space<vmem_shared>>) offsets(%arg9 : memref<80xi32, #tpu.memory_space<vmem>>) semaphore(%arg18 : memref<!tpu.dma_semaphore, #tpu.memory_space<semaphore_mem>>) {add = true}
    %dma_wait3A_171 = arith.constant 0 : i32
    %dma_wait3A_172 = arith.constant 0 : i32
    %dma_wait3A_173 = tpu.memref_slice %arg6[%dma_wait3A_171, %dma_wait3A_172] : memref<10000x128xf32, #tpu.memory_space<vmem_shared>> -> memref<10000x128xf32, #tpu.memory_space<vmem_shared>>
    tpu.wait_indirect_dma semaphore(%arg17 : memref<!tpu.dma_semaphore, #tpu.memory_space<semaphore_mem>>) src(%arg11 : memref<80x128xf32, #tpu.memory_space<vmem>>) dst(%dma_wait3A_173 : memref<10000x128xf32, #tpu.memory_space<vmem_shared>>)
    %dma_wait3A_174 = arith.constant 0 : i32
    %dma_wait3A_175 = arith.constant 0 : i32
    %dma_wait3A_176 = tpu.memref_slice %arg6[%dma_wait3A_174, %dma_wait3A_175] : memref<10000x128xf32, #tpu.memory_space<vmem_shared>> -> memref<10000x128xf32, #tpu.memory_space<vmem_shared>>
    tpu.wait_indirect_dma semaphore(%arg18 : memref<!tpu.dma_semaphore, #tpu.memory_space<semaphore_mem>>) src(%arg12 : memref<80x128xf32, #tpu.memory_space<vmem>>) dst(%dma_wait3A_176 : memref<10000x128xf32, #tpu.memory_space<vmem_shared>>)
    %barrier3A_177 = arith.constant 0 : index
    tpu.barrier barrier_id(%barrier3A_177)
    %lt3A_178 = arith.constant 15 : i32
    %lt3A_179 = arith.cmpi slt, %arg1, %lt3A_178 : i32
    %convert_element_type3A_180 = arith.extui %lt3A_179 : i1 to i32
    %cond3A_181 = arith.constant 0 : i32
    %cond3A_182 = arith.cmpi ne, %convert_element_type3A_180, %cond3A_181 : i32
    scf.if %cond3A_182 {
      %mul3A_385 = arith.constant 640 : i32
      %mul3A_386 = arith.muli %arg1, %mul3A_385 : i32
      %mul3A_387 = arith.constant 640 : i32
      %mul3A_388 = arith.muli %arg1, %mul3A_387 : i32
      %add3A_389 = arith.addi %mul3A_7, %mul3A_388 : i32
      "tpu.region"() ({
        %run_scoped3A = tpu.sem_alloc : memref<!tpu.dma_semaphore, #tpu.memory_space<semaphore_mem>>
        %dma_start3A_390 = arith.constant 0 : i32
        %dma_start3A_391 = tpu.memref_slice %arg5[%add3A_389, %dma_start3A_390] : memref<40000x128xf32, #tpu.memory_space<hbm>> -> memref<640x128xf32, #tpu.memory_space<hbm>>
        %dma_start3A_392 = arith.constant 0 : i32
        %dma_start3A_393 = tpu.memref_slice %arg6[%mul3A_386, %dma_start3A_392] : memref<10000x128xf32, #tpu.memory_space<vmem_shared>> -> memref<640x128xf32, #tpu.memory_space<vmem_shared>>
        tpu.enqueue_dma source(%dma_start3A_393 : memref<640x128xf32, #tpu.memory_space<vmem_shared>>) target(%dma_start3A_391 : memref<640x128xf32, #tpu.memory_space<hbm>>) target_semaphore(%run_scoped3A : memref<!tpu.dma_semaphore, #tpu.memory_space<semaphore_mem>>)
        %dma_wait3A_394 = arith.constant 0 : i32
        %dma_wait3A_395 = tpu.memref_slice %arg5[%add3A_389, %dma_wait3A_394] : memref<40000x128xf32, #tpu.memory_space<hbm>> -> memref<640x128xf32, #tpu.memory_space<hbm>>
        %dma_wait3A_396 = arith.constant 0 : i32
        %dma_wait3A_397 = tpu.memref_slice %arg6[%mul3A_386, %dma_wait3A_396] : memref<10000x128xf32, #tpu.memory_space<vmem_shared>> -> memref<640x128xf32, #tpu.memory_space<vmem_shared>>
        tpu.wait_dma2 semaphore(%run_scoped3A : memref<!tpu.dma_semaphore, #tpu.memory_space<semaphore_mem>>) src(%dma_wait3A_397 : memref<640x128xf32, #tpu.memory_space<vmem_shared>>) dst(%dma_wait3A_395 : memref<640x128xf32, #tpu.memory_space<hbm>>)
        tpu.yield
      }) : () -> ()
    } else {
    }
    %eq3A_183 = arith.constant 15 : i32
    %eq3A_184 = arith.cmpi eq, %arg1, %eq3A_183 : i32
    %convert_element_type3A_185 = arith.extui %eq3A_184 : i1 to i32
    %cond3A_186 = arith.constant 0 : i32
    %cond3A_187 = arith.cmpi ne, %convert_element_type3A_185, %cond3A_186 : i32
    scf.if %cond3A_187 {
      %add3A_385 = arith.constant 9600 : i32
      %add3A_386 = arith.addi %mul3A_7, %add3A_385 : i32
      "tpu.region"() ({
        %run_scoped3A = tpu.sem_alloc : memref<!tpu.dma_semaphore, #tpu.memory_space<semaphore_mem>>
        %dma_start3A_387 = arith.constant 0 : i32
        %dma_start3A_388 = tpu.memref_slice %arg5[%add3A_386, %dma_start3A_387] : memref<40000x128xf32, #tpu.memory_space<hbm>> -> memref<400x128xf32, #tpu.memory_space<hbm>>
        %dma_start3A_389 = arith.constant 9600 : i32
        %dma_start3A_390 = arith.constant 0 : i32
        %dma_start3A_391 = tpu.memref_slice %arg6[%dma_start3A_389, %dma_start3A_390] : memref<10000x128xf32, #tpu.memory_space<vmem_shared>> -> memref<400x128xf32, #tpu.memory_space<vmem_shared>>
        tpu.enqueue_dma source(%dma_start3A_391 : memref<400x128xf32, #tpu.memory_space<vmem_shared>>) target(%dma_start3A_388 : memref<400x128xf32, #tpu.memory_space<hbm>>) target_semaphore(%run_scoped3A : memref<!tpu.dma_semaphore, #tpu.memory_space<semaphore_mem>>)
        %dma_wait3A_392 = arith.constant 0 : i32
        %dma_wait3A_393 = tpu.memref_slice %arg5[%add3A_386, %dma_wait3A_392] : memref<40000x128xf32, #tpu.memory_space<hbm>> -> memref<400x128xf32, #tpu.memory_space<hbm>>
        %dma_wait3A_394 = arith.constant 9600 : i32
        %dma_wait3A_395 = arith.constant 0 : i32
        %dma_wait3A_396 = tpu.memref_slice %arg6[%dma_wait3A_394, %dma_wait3A_395] : memref<10000x128xf32, #tpu.memory_space<vmem_shared>> -> memref<400x128xf32, #tpu.memory_space<vmem_shared>>
        tpu.wait_dma2 semaphore(%run_scoped3A : memref<!tpu.dma_semaphore, #tpu.memory_space<semaphore_mem>>) src(%dma_wait3A_396 : memref<400x128xf32, #tpu.memory_space<vmem_shared>>) dst(%dma_wait3A_393 : memref<400x128xf32, #tpu.memory_space<hbm>>)
        tpu.yield
      }) : () -> ()
    } else {
    }
    %barrier3A_188 = arith.constant 0 : index
    tpu.barrier barrier_id(%barrier3A_188)
    %add3A_189 = arith.constant 2 : i32
    %add3A_190 = arith.addi %arg0, %add3A_189 : i32
    %mul3A_191 = arith.constant 10000 : i32
    %mul3A_192 = arith.muli %add3A_190, %mul3A_191 : i32
    %scan3A_193 = arith.constant 0 : i32
    %scan3A_194 = arith.constant 125 : i32
    %scan3A_195 = arith.addi %scan3A_193, %scan3A_194 : i32
    %scan3A_196 = arith.constant 1 : i32
    scf.for %scan3A_385 = %scan3A_193 to %scan3A_195 step %scan3A_196  : i32 {
      %mul3A_386 = arith.constant 1 : i32
      %mul3A_387 = arith.muli %scan3A_385, %mul3A_386 : i32
      %add3A_388 = arith.constant 0 : i32
      %add3A_389 = arith.addi %add3A_388, %mul3A_387 : i32
      %get3A = arith.index_cast %add3A_389 : i32 to index
      %get3A_390 = arith.constant 0 : index
      %get3A_391 = tpu.vector_load %arg7[%get3A, %get3A_390] {strides = array<i32>} : memref<125x80xi32, #tpu.memory_space<vmem>>, vector<1x16xi32>,
      %get3A_392 = vector.shape_cast %get3A_391 : vector<1x16xi32> to vector<16xi32>
      %add3A_393 = arith.constant 20000 : i32
      %add3A_394 = vector.broadcast %add3A_393 : i32 to vector<16xi32>
      %add3A_395 = arith.addi %get3A_392, %add3A_394 : vector<16xi32>
      %swap3A = arith.index_cast %add3A_389 : i32 to index
      %swap3A_396 = arith.constant 0 : index
      %swap3A_397 = tpu.vector_load %arg7[%swap3A, %swap3A_396] {strides = array<i32>} : memref<125x80xi32, #tpu.memory_space<vmem>>, vector<1x16xi32>,
      %swap3A_398 = vector.shape_cast %swap3A_397 : vector<1x16xi32> to vector<16xi32>
      %swap3A_399 = vector.shape_cast %add3A_395 : vector<16xi32> to vector<1x16xi32>
      tpu.vector_store %arg7[%swap3A, %swap3A_396], %swap3A_399 {strides = array<i32>} : memref<125x80xi32, #tpu.memory_space<vmem>>, vector<1x16xi32>,
      %get3A_400 = arith.index_cast %add3A_389 : i32 to index
      %get3A_401 = arith.constant 16 : index
      %get3A_402 = tpu.vector_load %arg7[%get3A_400, %get3A_401] {strides = array<i32>} : memref<125x80xi32, #tpu.memory_space<vmem>>, vector<1x16xi32>,
      %get3A_403 = vector.shape_cast %get3A_402 : vector<1x16xi32> to vector<16xi32>
      %add3A_404 = arith.constant 20000 : i32
      %add3A_405 = vector.broadcast %add3A_404 : i32 to vector<16xi32>
      %add3A_406 = arith.addi %get3A_403, %add3A_405 : vector<16xi32>
      %swap3A_407 = arith.index_cast %add3A_389 : i32 to index
      %swap3A_408 = arith.constant 16 : index
      %swap3A_409 = tpu.vector_load %arg7[%swap3A_407, %swap3A_408] {strides = array<i32>} : memref<125x80xi32, #tpu.memory_space<vmem>>, vector<1x16xi32>,
      %swap3A_410 = vector.shape_cast %swap3A_409 : vector<1x16xi32> to vector<16xi32>
      %swap3A_411 = vector.shape_cast %add3A_406 : vector<16xi32> to vector<1x16xi32>
      tpu.vector_store %arg7[%swap3A_407, %swap3A_408], %swap3A_411 {strides = array<i32>} : memref<125x80xi32, #tpu.memory_space<vmem>>, vector<1x16xi32>,
      %get3A_412 = arith.index_cast %add3A_389 : i32 to index
      %get3A_413 = arith.constant 32 : index
      %get3A_414 = tpu.vector_load %arg7[%get3A_412, %get3A_413] {strides = array<i32>} : memref<125x80xi32, #tpu.memory_space<vmem>>, vector<1x16xi32>,
      %get3A_415 = vector.shape_cast %get3A_414 : vector<1x16xi32> to vector<16xi32>
      %add3A_416 = arith.constant 20000 : i32
      %add3A_417 = vector.broadcast %add3A_416 : i32 to vector<16xi32>
      %add3A_418 = arith.addi %get3A_415, %add3A_417 : vector<16xi32>
      %swap3A_419 = arith.index_cast %add3A_389 : i32 to index
      %swap3A_420 = arith.constant 32 : index
      %swap3A_421 = tpu.vector_load %arg7[%swap3A_419, %swap3A_420] {strides = array<i32>} : memref<125x80xi32, #tpu.memory_space<vmem>>, vector<1x16xi32>,
      %swap3A_422 = vector.shape_cast %swap3A_421 : vector<1x16xi32> to vector<16xi32>
      %swap3A_423 = vector.shape_cast %add3A_418 : vector<16xi32> to vector<1x16xi32>
      tpu.vector_store %arg7[%swap3A_419, %swap3A_420], %swap3A_423 {strides = array<i32>} : memref<125x80xi32, #tpu.memory_space<vmem>>, vector<1x16xi32>,
      %get3A_424 = arith.index_cast %add3A_389 : i32 to index
      %get3A_425 = arith.constant 48 : index
      %get3A_426 = tpu.vector_load %arg7[%get3A_424, %get3A_425] {strides = array<i32>} : memref<125x80xi32, #tpu.memory_space<vmem>>, vector<1x16xi32>,
      %get3A_427 = vector.shape_cast %get3A_426 : vector<1x16xi32> to vector<16xi32>
      %add3A_428 = arith.constant 20000 : i32
      %add3A_429 = vector.broadcast %add3A_428 : i32 to vector<16xi32>
      %add3A_430 = arith.addi %get3A_427, %add3A_429 : vector<16xi32>
      %swap3A_431 = arith.index_cast %add3A_389 : i32 to index
      %swap3A_432 = arith.constant 48 : index
      %swap3A_433 = tpu.vector_load %arg7[%swap3A_431, %swap3A_432] {strides = array<i32>} : memref<125x80xi32, #tpu.memory_space<vmem>>, vector<1x16xi32>,
      %swap3A_434 = vector.shape_cast %swap3A_433 : vector<1x16xi32> to vector<16xi32>
      %swap3A_435 = vector.shape_cast %add3A_430 : vector<16xi32> to vector<1x16xi32>
      tpu.vector_store %arg7[%swap3A_431, %swap3A_432], %swap3A_435 {strides = array<i32>} : memref<125x80xi32, #tpu.memory_space<vmem>>, vector<1x16xi32>,
      %get3A_436 = arith.index_cast %add3A_389 : i32 to index
      %get3A_437 = arith.constant 64 : index
      %get3A_438 = tpu.vector_load %arg7[%get3A_436, %get3A_437] {strides = array<i32>} : memref<125x80xi32, #tpu.memory_space<vmem>>, vector<1x16xi32>,
      %get3A_439 = vector.shape_cast %get3A_438 : vector<1x16xi32> to vector<16xi32>
      %add3A_440 = arith.constant 20000 : i32
      %add3A_441 = vector.broadcast %add3A_440 : i32 to vector<16xi32>
      %add3A_442 = arith.addi %get3A_439, %add3A_441 : vector<16xi32>
      %swap3A_443 = arith.index_cast %add3A_389 : i32 to index
      %swap3A_444 = arith.constant 64 : index
      %swap3A_445 = tpu.vector_load %arg7[%swap3A_443, %swap3A_444] {strides = array<i32>} : memref<125x80xi32, #tpu.memory_space<vmem>>, vector<1x16xi32>,
      %swap3A_446 = vector.shape_cast %swap3A_445 : vector<1x16xi32> to vector<16xi32>
      %swap3A_447 = vector.shape_cast %add3A_442 : vector<16xi32> to vector<1x16xi32>
      tpu.vector_store %arg7[%swap3A_443, %swap3A_444], %swap3A_447 {strides = array<i32>} : memref<125x80xi32, #tpu.memory_space<vmem>>, vector<1x16xi32>,
    }
    %scan3A_197 = arith.constant 125 : i32
    %lt3A_198 = arith.constant 15 : i32
    %lt3A_199 = arith.cmpi slt, %arg1, %lt3A_198 : i32
    %convert_element_type3A_200 = arith.extui %lt3A_199 : i1 to i32
    %cond3A_201 = arith.constant 0 : i32
    %cond3A_202 = arith.cmpi ne, %convert_element_type3A_200, %cond3A_201 : i32
    scf.if %cond3A_202 {
      %mul3A_385 = arith.constant 640 : i32
      %mul3A_386 = arith.muli %arg1, %mul3A_385 : i32
      %add3A_387 = arith.addi %mul3A_192, %mul3A_386 : i32
      %mul3A_388 = arith.constant 640 : i32
      %mul3A_389 = arith.muli %arg1, %mul3A_388 : i32
      "tpu.region"() ({
        %run_scoped3A = tpu.sem_alloc : memref<!tpu.dma_semaphore, #tpu.memory_space<semaphore_mem>>
        %dma_start3A_390 = arith.constant 0 : i32
        %dma_start3A_391 = tpu.memref_slice %arg6[%mul3A_389, %dma_start3A_390] : memref<10000x128xf32, #tpu.memory_space<vmem_shared>> -> memref<640x128xf32, #tpu.memory_space<vmem_shared>>
        %dma_start3A_392 = arith.constant 0 : i32
        %dma_start3A_393 = tpu.memref_slice %arg2[%add3A_387, %dma_start3A_392] : memref<40000x128xf32, #tpu.memory_space<hbm>> -> memref<640x128xf32, #tpu.memory_space<hbm>>
        tpu.enqueue_dma source(%dma_start3A_393 : memref<640x128xf32, #tpu.memory_space<hbm>>) target(%dma_start3A_391 : memref<640x128xf32, #tpu.memory_space<vmem_shared>>) target_semaphore(%run_scoped3A : memref<!tpu.dma_semaphore, #tpu.memory_space<semaphore_mem>>)
        %dma_wait3A_394 = arith.constant 0 : i32
        %dma_wait3A_395 = tpu.memref_slice %arg6[%mul3A_389, %dma_wait3A_394] : memref<10000x128xf32, #tpu.memory_space<vmem_shared>> -> memref<640x128xf32, #tpu.memory_space<vmem_shared>>
        %dma_wait3A_396 = arith.constant 0 : i32
        %dma_wait3A_397 = tpu.memref_slice %arg2[%add3A_387, %dma_wait3A_396] : memref<40000x128xf32, #tpu.memory_space<hbm>> -> memref<640x128xf32, #tpu.memory_space<hbm>>
        tpu.wait_dma2 semaphore(%run_scoped3A : memref<!tpu.dma_semaphore, #tpu.memory_space<semaphore_mem>>) src(%dma_wait3A_397 : memref<640x128xf32, #tpu.memory_space<hbm>>) dst(%dma_wait3A_395 : memref<640x128xf32, #tpu.memory_space<vmem_shared>>)
        tpu.yield
      }) : () -> ()
    } else {
    }
    %eq3A_203 = arith.constant 15 : i32
    %eq3A_204 = arith.cmpi eq, %arg1, %eq3A_203 : i32
    %convert_element_type3A_205 = arith.extui %eq3A_204 : i1 to i32
    %cond3A_206 = arith.constant 0 : i32
    %cond3A_207 = arith.cmpi ne, %convert_element_type3A_205, %cond3A_206 : i32
    scf.if %cond3A_207 {
      %add3A_385 = arith.constant 9600 : i32
      %add3A_386 = arith.addi %mul3A_192, %add3A_385 : i32
      "tpu.region"() ({
        %run_scoped3A = tpu.sem_alloc : memref<!tpu.dma_semaphore, #tpu.memory_space<semaphore_mem>>
        %dma_start3A_387 = arith.constant 9600 : i32
        %dma_start3A_388 = arith.constant 0 : i32
        %dma_start3A_389 = tpu.memref_slice %arg6[%dma_start3A_387, %dma_start3A_388] : memref<10000x128xf32, #tpu.memory_space<vmem_shared>> -> memref<400x128xf32, #tpu.memory_space<vmem_shared>>
        %dma_start3A_390 = arith.constant 0 : i32
        %dma_start3A_391 = tpu.memref_slice %arg2[%add3A_386, %dma_start3A_390] : memref<40000x128xf32, #tpu.memory_space<hbm>> -> memref<400x128xf32, #tpu.memory_space<hbm>>
        tpu.enqueue_dma source(%dma_start3A_391 : memref<400x128xf32, #tpu.memory_space<hbm>>) target(%dma_start3A_389 : memref<400x128xf32, #tpu.memory_space<vmem_shared>>) target_semaphore(%run_scoped3A : memref<!tpu.dma_semaphore, #tpu.memory_space<semaphore_mem>>)
        %dma_wait3A_392 = arith.constant 9600 : i32
        %dma_wait3A_393 = arith.constant 0 : i32
        %dma_wait3A_394 = tpu.memref_slice %arg6[%dma_wait3A_392, %dma_wait3A_393] : memref<10000x128xf32, #tpu.memory_space<vmem_shared>> -> memref<400x128xf32, #tpu.memory_space<vmem_shared>>
        %dma_wait3A_395 = arith.constant 0 : i32
        %dma_wait3A_396 = tpu.memref_slice %arg2[%add3A_386, %dma_wait3A_395] : memref<40000x128xf32, #tpu.memory_space<hbm>> -> memref<400x128xf32, #tpu.memory_space<hbm>>
        tpu.wait_dma2 semaphore(%run_scoped3A : memref<!tpu.dma_semaphore, #tpu.memory_space<semaphore_mem>>) src(%dma_wait3A_396 : memref<400x128xf32, #tpu.memory_space<hbm>>) dst(%dma_wait3A_394 : memref<400x128xf32, #tpu.memory_space<vmem_shared>>)
        tpu.yield
      }) : () -> ()
    } else {
    }
    %barrier3A_208 = arith.constant 0 : index
    tpu.barrier barrier_id(%barrier3A_208)
    %dma_start3A_209 = arith.constant 0 : i32
    %dma_start3A_210 = arith.constant 0 : i32
    %dma_start3A_211 = tpu.memref_slice %arg7[%dma_start3A_209, %dma_start3A_210] : memref<125x80xi32, #tpu.memory_space<vmem>> -> memref<1x80xi32, #tpu.memory_space<vmem>>
    %dma_start3A_212 = tpu.memref_squeeze %dma_start3A_211 : memref<1x80xi32, #tpu.memory_space<vmem>> -> memref<80xi32, #tpu.memory_space<vmem>>
    %dma_start3A_213 = arith.constant 0 : i32
    %dma_start3A_214 = arith.constant 0 : i32
    %dma_start3A_215 = tpu.memref_slice %arg2[%dma_start3A_213, %dma_start3A_214] : memref<40000x128xf32, #tpu.memory_space<hbm>> -> memref<40000x128xf32, #tpu.memory_space<hbm>>
    tpu.enqueue_indirect_dma source(%dma_start3A_215 : memref<40000x128xf32, #tpu.memory_space<hbm>>) target(%arg11 : memref<80x128xf32, #tpu.memory_space<vmem>>) offsets(%dma_start3A_212 : memref<80xi32, #tpu.memory_space<vmem>>) semaphore(%arg14 : memref<!tpu.dma_semaphore, #tpu.memory_space<semaphore_mem>>)
    %mul3A_216 = arith.constant 10000 : i32
    %mul3A_217 = arith.muli %arg1, %mul3A_216 : i32
    %add3A_218 = arith.constant 0 : i32
    %add3A_219 = arith.addi %mul3A_217, %add3A_218 : i32
    %dma_start3A_220 = tpu.memref_slice %arg4[%add3A_219] : memref<160000xi32, #tpu.memory_space<hbm>> -> memref<80xi32, #tpu.memory_space<hbm>>
    %dma_start3A_221 = tpu.memref_slice %arg4[%add3A_219] : memref<160000xi32, #tpu.memory_space<hbm>> -> memref<80xi32, #tpu.memory_space<hbm>>
    tpu.enqueue_dma source(%dma_start3A_221 : memref<80xi32, #tpu.memory_space<hbm>>) target(%arg8 : memref<80xi32, #tpu.memory_space<vmem>>) target_semaphore(%arg14 : memref<!tpu.dma_semaphore, #tpu.memory_space<semaphore_mem>>)
    %dma_start3A_222 = arith.constant 1 : i32
    %dma_start3A_223 = arith.constant 0 : i32
    %dma_start3A_224 = tpu.memref_slice %arg7[%dma_start3A_222, %dma_start3A_223] : memref<125x80xi32, #tpu.memory_space<vmem>> -> memref<1x80xi32, #tpu.memory_space<vmem>>
    %dma_start3A_225 = tpu.memref_squeeze %dma_start3A_224 : memref<1x80xi32, #tpu.memory_space<vmem>> -> memref<80xi32, #tpu.memory_space<vmem>>
    %dma_start3A_226 = arith.constant 0 : i32
    %dma_start3A_227 = arith.constant 0 : i32
    %dma_start3A_228 = tpu.memref_slice %arg2[%dma_start3A_226, %dma_start3A_227] : memref<40000x128xf32, #tpu.memory_space<hbm>> -> memref<40000x128xf32, #tpu.memory_space<hbm>>
    tpu.enqueue_indirect_dma source(%dma_start3A_228 : memref<40000x128xf32, #tpu.memory_space<hbm>>) target(%arg12 : memref<80x128xf32, #tpu.memory_space<vmem>>) offsets(%dma_start3A_225 : memref<80xi32, #tpu.memory_space<vmem>>) semaphore(%arg15 : memref<!tpu.dma_semaphore, #tpu.memory_space<semaphore_mem>>)
    %mul3A_229 = arith.constant 10000 : i32
    %mul3A_230 = arith.muli %arg1, %mul3A_229 : i32
    %add3A_231 = arith.constant 80 : i32
    %add3A_232 = arith.addi %mul3A_230, %add3A_231 : i32
    %dma_start3A_233 = tpu.memref_slice %arg4[%add3A_232] : memref<160000xi32, #tpu.memory_space<hbm>> -> memref<80xi32, #tpu.memory_space<hbm>>
    %dma_start3A_234 = tpu.memref_slice %arg4[%add3A_232] : memref<160000xi32, #tpu.memory_space<hbm>> -> memref<80xi32, #tpu.memory_space<hbm>>
    tpu.enqueue_dma source(%dma_start3A_234 : memref<80xi32, #tpu.memory_space<hbm>>) target(%arg9 : memref<80xi32, #tpu.memory_space<vmem>>) target_semaphore(%arg15 : memref<!tpu.dma_semaphore, #tpu.memory_space<semaphore_mem>>)
    %dma_wait3A_235 = arith.constant 0 : i32
    %dma_wait3A_236 = arith.constant 0 : i32
    %dma_wait3A_237 = tpu.memref_slice %arg7[%dma_wait3A_235, %dma_wait3A_236] : memref<125x80xi32, #tpu.memory_space<vmem>> -> memref<1x80xi32, #tpu.memory_space<vmem>>
    %dma_wait3A_238 = tpu.memref_squeeze %dma_wait3A_237 : memref<1x80xi32, #tpu.memory_space<vmem>> -> memref<80xi32, #tpu.memory_space<vmem>>
    %dma_wait3A_239 = arith.constant 0 : i32
    %dma_wait3A_240 = arith.constant 0 : i32
    %dma_wait3A_241 = tpu.memref_slice %arg2[%dma_wait3A_239, %dma_wait3A_240] : memref<40000x128xf32, #tpu.memory_space<hbm>> -> memref<40000x128xf32, #tpu.memory_space<hbm>>
    tpu.wait_indirect_dma semaphore(%arg14 : memref<!tpu.dma_semaphore, #tpu.memory_space<semaphore_mem>>) src(%dma_wait3A_241 : memref<40000x128xf32, #tpu.memory_space<hbm>>) dst(%arg11 : memref<80x128xf32, #tpu.memory_space<vmem>>)
    %mul3A_242 = arith.constant 10000 : i32
    %mul3A_243 = arith.muli %arg1, %mul3A_242 : i32
    %add3A_244 = arith.constant 0 : i32
    %add3A_245 = arith.addi %mul3A_243, %add3A_244 : i32
    %dma_wait3A_246 = tpu.memref_slice %arg4[%add3A_245] : memref<160000xi32, #tpu.memory_space<hbm>> -> memref<80xi32, #tpu.memory_space<hbm>>
    %dma_wait3A_247 = tpu.memref_slice %arg4[%add3A_245] : memref<160000xi32, #tpu.memory_space<hbm>> -> memref<80xi32, #tpu.memory_space<hbm>>
    tpu.wait_dma2 semaphore(%arg14 : memref<!tpu.dma_semaphore, #tpu.memory_space<semaphore_mem>>) src(%dma_wait3A_247 : memref<80xi32, #tpu.memory_space<hbm>>) dst(%arg8 : memref<80xi32, #tpu.memory_space<vmem>>)
    %dma_start3A_248 = arith.constant 0 : i32
    %dma_start3A_249 = arith.constant 0 : i32
    %dma_start3A_250 = tpu.memref_slice %arg6[%dma_start3A_248, %dma_start3A_249] : memref<10000x128xf32, #tpu.memory_space<vmem_shared>> -> memref<10000x128xf32, #tpu.memory_space<vmem_shared>>
    tpu.enqueue_indirect_dma source(%arg11 : memref<80x128xf32, #tpu.memory_space<vmem>>) target(%dma_start3A_250 : memref<10000x128xf32, #tpu.memory_space<vmem_shared>>) offsets(%arg8 : memref<80xi32, #tpu.memory_space<vmem>>) semaphore(%arg17 : memref<!tpu.dma_semaphore, #tpu.memory_space<semaphore_mem>>) {add = true}
    %dma_start3A_251 = arith.constant 2 : i32
    %dma_start3A_252 = arith.constant 0 : i32
    %dma_start3A_253 = tpu.memref_slice %arg7[%dma_start3A_251, %dma_start3A_252] : memref<125x80xi32, #tpu.memory_space<vmem>> -> memref<1x80xi32, #tpu.memory_space<vmem>>
    %dma_start3A_254 = tpu.memref_squeeze %dma_start3A_253 : memref<1x80xi32, #tpu.memory_space<vmem>> -> memref<80xi32, #tpu.memory_space<vmem>>
    %dma_start3A_255 = arith.constant 0 : i32
    %dma_start3A_256 = arith.constant 0 : i32
    %dma_start3A_257 = tpu.memref_slice %arg2[%dma_start3A_255, %dma_start3A_256] : memref<40000x128xf32, #tpu.memory_space<hbm>> -> memref<40000x128xf32, #tpu.memory_space<hbm>>
    tpu.enqueue_indirect_dma source(%dma_start3A_257 : memref<40000x128xf32, #tpu.memory_space<hbm>>) target(%arg13 : memref<80x128xf32, #tpu.memory_space<vmem>>) offsets(%dma_start3A_254 : memref<80xi32, #tpu.memory_space<vmem>>) semaphore(%arg16 : memref<!tpu.dma_semaphore, #tpu.memory_space<semaphore_mem>>)
    %mul3A_258 = arith.constant 10000 : i32
    %mul3A_259 = arith.muli %arg1, %mul3A_258 : i32
    %add3A_260 = arith.constant 160 : i32
    %add3A_261 = arith.addi %mul3A_259, %add3A_260 : i32
    %dma_start3A_262 = tpu.memref_slice %arg4[%add3A_261] : memref<160000xi32, #tpu.memory_space<hbm>> -> memref<80xi32, #tpu.memory_space<hbm>>
    %dma_start3A_263 = tpu.memref_slice %arg4[%add3A_261] : memref<160000xi32, #tpu.memory_space<hbm>> -> memref<80xi32, #tpu.memory_space<hbm>>
    tpu.enqueue_dma source(%dma_start3A_263 : memref<80xi32, #tpu.memory_space<hbm>>) target(%arg10 : memref<80xi32, #tpu.memory_space<vmem>>) target_semaphore(%arg16 : memref<!tpu.dma_semaphore, #tpu.memory_space<semaphore_mem>>)
    %dma_wait3A_264 = arith.constant 1 : i32
    %dma_wait3A_265 = arith.constant 0 : i32
    %dma_wait3A_266 = tpu.memref_slice %arg7[%dma_wait3A_264, %dma_wait3A_265] : memref<125x80xi32, #tpu.memory_space<vmem>> -> memref<1x80xi32, #tpu.memory_space<vmem>>
    %dma_wait3A_267 = tpu.memref_squeeze %dma_wait3A_266 : memref<1x80xi32, #tpu.memory_space<vmem>> -> memref<80xi32, #tpu.memory_space<vmem>>
    %dma_wait3A_268 = arith.constant 0 : i32
    %dma_wait3A_269 = arith.constant 0 : i32
    %dma_wait3A_270 = tpu.memref_slice %arg2[%dma_wait3A_268, %dma_wait3A_269] : memref<40000x128xf32, #tpu.memory_space<hbm>> -> memref<40000x128xf32, #tpu.memory_space<hbm>>
    tpu.wait_indirect_dma semaphore(%arg15 : memref<!tpu.dma_semaphore, #tpu.memory_space<semaphore_mem>>) src(%dma_wait3A_270 : memref<40000x128xf32, #tpu.memory_space<hbm>>) dst(%arg12 : memref<80x128xf32, #tpu.memory_space<vmem>>)
    %mul3A_271 = arith.constant 10000 : i32
    %mul3A_272 = arith.muli %arg1, %mul3A_271 : i32
    %add3A_273 = arith.constant 80 : i32
    %add3A_274 = arith.addi %mul3A_272, %add3A_273 : i32
    %dma_wait3A_275 = tpu.memref_slice %arg4[%add3A_274] : memref<160000xi32, #tpu.memory_space<hbm>> -> memref<80xi32, #tpu.memory_space<hbm>>
    %dma_wait3A_276 = tpu.memref_slice %arg4[%add3A_274] : memref<160000xi32, #tpu.memory_space<hbm>> -> memref<80xi32, #tpu.memory_space<hbm>>
    tpu.wait_dma2 semaphore(%arg15 : memref<!tpu.dma_semaphore, #tpu.memory_space<semaphore_mem>>) src(%dma_wait3A_276 : memref<80xi32, #tpu.memory_space<hbm>>) dst(%arg9 : memref<80xi32, #tpu.memory_space<vmem>>)
    %dma_start3A_277 = arith.constant 0 : i32
    %dma_start3A_278 = arith.constant 0 : i32
    %dma_start3A_279 = tpu.memref_slice %arg6[%dma_start3A_277, %dma_start3A_278] : memref<10000x128xf32, #tpu.memory_space<vmem_shared>> -> memref<10000x128xf32, #tpu.memory_space<vmem_shared>>
    tpu.enqueue_indirect_dma source(%arg12 : memref<80x128xf32, #tpu.memory_space<vmem>>) target(%dma_start3A_279 : memref<10000x128xf32, #tpu.memory_space<vmem_shared>>) offsets(%arg9 : memref<80xi32, #tpu.memory_space<vmem>>) semaphore(%arg18 : memref<!tpu.dma_semaphore, #tpu.memory_space<semaphore_mem>>) {add = true}
    %dma_wait3A_280 = arith.constant 0 : i32
    %dma_wait3A_281 = arith.constant 0 : i32
    %dma_wait3A_282 = tpu.memref_slice %arg6[%dma_wait3A_280, %dma_wait3A_281] : memref<10000x128xf32, #tpu.memory_space<vmem_shared>> -> memref<10000x128xf32, #tpu.memory_space<vmem_shared>>
    tpu.wait_indirect_dma semaphore(%arg17 : memref<!tpu.dma_semaphore, #tpu.memory_space<semaphore_mem>>) src(%arg11 : memref<80x128xf32, #tpu.memory_space<vmem>>) dst(%dma_wait3A_282 : memref<10000x128xf32, #tpu.memory_space<vmem_shared>>)
    %dma_start3A_283 = arith.constant 3 : i32
    %dma_start3A_284 = arith.constant 0 : i32
    %dma_start3A_285 = tpu.memref_slice %arg7[%dma_start3A_283, %dma_start3A_284] : memref<125x80xi32, #tpu.memory_space<vmem>> -> memref<1x80xi32, #tpu.memory_space<vmem>>
    %dma_start3A_286 = tpu.memref_squeeze %dma_start3A_285 : memref<1x80xi32, #tpu.memory_space<vmem>> -> memref<80xi32, #tpu.memory_space<vmem>>
    %dma_start3A_287 = arith.constant 0 : i32
    %dma_start3A_288 = arith.constant 0 : i32
    %dma_start3A_289 = tpu.memref_slice %arg2[%dma_start3A_287, %dma_start3A_288] : memref<40000x128xf32, #tpu.memory_space<hbm>> -> memref<40000x128xf32, #tpu.memory_space<hbm>>
    tpu.enqueue_indirect_dma source(%dma_start3A_289 : memref<40000x128xf32, #tpu.memory_space<hbm>>) target(%arg11 : memref<80x128xf32, #tpu.memory_space<vmem>>) offsets(%dma_start3A_286 : memref<80xi32, #tpu.memory_space<vmem>>) semaphore(%arg14 : memref<!tpu.dma_semaphore, #tpu.memory_space<semaphore_mem>>)
    %mul3A_290 = arith.constant 10000 : i32
    %mul3A_291 = arith.muli %arg1, %mul3A_290 : i32
    %add3A_292 = arith.constant 240 : i32
    %add3A_293 = arith.addi %mul3A_291, %add3A_292 : i32
    %dma_start3A_294 = tpu.memref_slice %arg4[%add3A_293] : memref<160000xi32, #tpu.memory_space<hbm>> -> memref<80xi32, #tpu.memory_space<hbm>>
    %dma_start3A_295 = tpu.memref_slice %arg4[%add3A_293] : memref<160000xi32, #tpu.memory_space<hbm>> -> memref<80xi32, #tpu.memory_space<hbm>>
    tpu.enqueue_dma source(%dma_start3A_295 : memref<80xi32, #tpu.memory_space<hbm>>) target(%arg8 : memref<80xi32, #tpu.memory_space<vmem>>) target_semaphore(%arg14 : memref<!tpu.dma_semaphore, #tpu.memory_space<semaphore_mem>>)
    %dma_wait3A_296 = arith.constant 2 : i32
    %dma_wait3A_297 = arith.constant 0 : i32
    %dma_wait3A_298 = tpu.memref_slice %arg7[%dma_wait3A_296, %dma_wait3A_297] : memref<125x80xi32, #tpu.memory_space<vmem>> -> memref<1x80xi32, #tpu.memory_space<vmem>>
    %dma_wait3A_299 = tpu.memref_squeeze %dma_wait3A_298 : memref<1x80xi32, #tpu.memory_space<vmem>> -> memref<80xi32, #tpu.memory_space<vmem>>
    %dma_wait3A_300 = arith.constant 0 : i32
    %dma_wait3A_301 = arith.constant 0 : i32
    %dma_wait3A_302 = tpu.memref_slice %arg2[%dma_wait3A_300, %dma_wait3A_301] : memref<40000x128xf32, #tpu.memory_space<hbm>> -> memref<40000x128xf32, #tpu.memory_space<hbm>>
    tpu.wait_indirect_dma semaphore(%arg16 : memref<!tpu.dma_semaphore, #tpu.memory_space<semaphore_mem>>) src(%dma_wait3A_302 : memref<40000x128xf32, #tpu.memory_space<hbm>>) dst(%arg13 : memref<80x128xf32, #tpu.memory_space<vmem>>)
    %mul3A_303 = arith.constant 10000 : i32
    %mul3A_304 = arith.muli %arg1, %mul3A_303 : i32
    %add3A_305 = arith.constant 160 : i32
    %add3A_306 = arith.addi %mul3A_304, %add3A_305 : i32
    %dma_wait3A_307 = tpu.memref_slice %arg4[%add3A_306] : memref<160000xi32, #tpu.memory_space<hbm>> -> memref<80xi32, #tpu.memory_space<hbm>>
    %dma_wait3A_308 = tpu.memref_slice %arg4[%add3A_306] : memref<160000xi32, #tpu.memory_space<hbm>> -> memref<80xi32, #tpu.memory_space<hbm>>
    tpu.wait_dma2 semaphore(%arg16 : memref<!tpu.dma_semaphore, #tpu.memory_space<semaphore_mem>>) src(%dma_wait3A_308 : memref<80xi32, #tpu.memory_space<hbm>>) dst(%arg10 : memref<80xi32, #tpu.memory_space<vmem>>)
    %dma_start3A_309 = arith.constant 0 : i32
    %dma_start3A_310 = arith.constant 0 : i32
    %dma_start3A_311 = tpu.memref_slice %arg6[%dma_start3A_309, %dma_start3A_310] : memref<10000x128xf32, #tpu.memory_space<vmem_shared>> -> memref<10000x128xf32, #tpu.memory_space<vmem_shared>>
    tpu.enqueue_indirect_dma source(%arg13 : memref<80x128xf32, #tpu.memory_space<vmem>>) target(%dma_start3A_311 : memref<10000x128xf32, #tpu.memory_space<vmem_shared>>) offsets(%arg10 : memref<80xi32, #tpu.memory_space<vmem>>) semaphore(%arg19 : memref<!tpu.dma_semaphore, #tpu.memory_space<semaphore_mem>>) {add = true}
    %dma_wait3A_312 = arith.constant 0 : i32
    %dma_wait3A_313 = arith.constant 0 : i32
    %dma_wait3A_314 = tpu.memref_slice %arg6[%dma_wait3A_312, %dma_wait3A_313] : memref<10000x128xf32, #tpu.memory_space<vmem_shared>> -> memref<10000x128xf32, #tpu.memory_space<vmem_shared>>
    tpu.wait_indirect_dma semaphore(%arg18 : memref<!tpu.dma_semaphore, #tpu.memory_space<semaphore_mem>>) src(%arg12 : memref<80x128xf32, #tpu.memory_space<vmem>>) dst(%dma_wait3A_314 : memref<10000x128xf32, #tpu.memory_space<vmem_shared>>)
    %dma_start3A_315 = arith.constant 4 : i32
    %dma_start3A_316 = arith.constant 0 : i32
    %dma_start3A_317 = tpu.memref_slice %arg7[%dma_start3A_315, %dma_start3A_316] : memref<125x80xi32, #tpu.memory_space<vmem>> -> memref<1x80xi32, #tpu.memory_space<vmem>>
    %dma_start3A_318 = tpu.memref_squeeze %dma_start3A_317 : memref<1x80xi32, #tpu.memory_space<vmem>> -> memref<80xi32, #tpu.memory_space<vmem>>
    %dma_start3A_319 = arith.constant 0 : i32
    %dma_start3A_320 = arith.constant 0 : i32
    %dma_start3A_321 = tpu.memref_slice %arg2[%dma_start3A_319, %dma_start3A_320] : memref<40000x128xf32, #tpu.memory_space<hbm>> -> memref<40000x128xf32, #tpu.memory_space<hbm>>
    tpu.enqueue_indirect_dma source(%dma_start3A_321 : memref<40000x128xf32, #tpu.memory_space<hbm>>) target(%arg12 : memref<80x128xf32, #tpu.memory_space<vmem>>) offsets(%dma_start3A_318 : memref<80xi32, #tpu.memory_space<vmem>>) semaphore(%arg15 : memref<!tpu.dma_semaphore, #tpu.memory_space<semaphore_mem>>)
    %mul3A_322 = arith.constant 10000 : i32
    %mul3A_323 = arith.muli %arg1, %mul3A_322 : i32
    %add3A_324 = arith.constant 320 : i32
    %add3A_325 = arith.addi %mul3A_323, %add3A_324 : i32
    %dma_start3A_326 = tpu.memref_slice %arg4[%add3A_325] : memref<160000xi32, #tpu.memory_space<hbm>> -> memref<80xi32, #tpu.memory_space<hbm>>
    %dma_start3A_327 = tpu.memref_slice %arg4[%add3A_325] : memref<160000xi32, #tpu.memory_space<hbm>> -> memref<80xi32, #tpu.memory_space<hbm>>
    tpu.enqueue_dma source(%dma_start3A_327 : memref<80xi32, #tpu.memory_space<hbm>>) target(%arg9 : memref<80xi32, #tpu.memory_space<vmem>>) target_semaphore(%arg15 : memref<!tpu.dma_semaphore, #tpu.memory_space<semaphore_mem>>)
    %scan3A_328 = arith.constant 0 : i32
    %scan3A_329 = arith.constant 40 : i32
    %scan3A_330 = arith.addi %scan3A_328, %scan3A_329 : i32
    %scan3A_331 = arith.constant 1 : i32
    scf.for %scan3A_385 = %scan3A_328 to %scan3A_330 step %scan3A_331  : i32 {
      %mul3A_386 = arith.constant 1 : i32
      %mul3A_387 = arith.muli %scan3A_385, %mul3A_386 : i32
      %add3A_388 = arith.constant 1 : i32
      %add3A_389 = arith.addi %add3A_388, %mul3A_387 : i32
      %mul3A_390 = arith.constant 3 : i32
      %mul3A_391 = arith.muli %mul3A_390, %add3A_389 : i32
      %dma_wait3A_392 = arith.constant 0 : i32
      %dma_wait3A_393 = tpu.memref_slice %arg7[%mul3A_391, %dma_wait3A_392] : memref<125x80xi32, #tpu.memory_space<vmem>> -> memref<1x80xi32, #tpu.memory_space<vmem>>
      %dma_wait3A_394 = tpu.memref_squeeze %dma_wait3A_393 : memref<1x80xi32, #tpu.memory_space<vmem>> -> memref<80xi32, #tpu.memory_space<vmem>>
      %dma_wait3A_395 = arith.constant 0 : i32
      %dma_wait3A_396 = arith.constant 0 : i32
      %dma_wait3A_397 = tpu.memref_slice %arg2[%dma_wait3A_395, %dma_wait3A_396] : memref<40000x128xf32, #tpu.memory_space<hbm>> -> memref<40000x128xf32, #tpu.memory_space<hbm>>
      tpu.wait_indirect_dma semaphore(%arg14 : memref<!tpu.dma_semaphore, #tpu.memory_space<semaphore_mem>>) src(%dma_wait3A_397 : memref<40000x128xf32, #tpu.memory_space<hbm>>) dst(%arg11 : memref<80x128xf32, #tpu.memory_space<vmem>>)
      %mul3A_398 = arith.constant 10000 : i32
      %mul3A_399 = arith.muli %arg1, %mul3A_398 : i32
      %mul3A_400 = arith.constant 80 : i32
      %mul3A_401 = arith.muli %mul3A_391, %mul3A_400 : i32
      %add3A_402 = arith.addi %mul3A_399, %mul3A_401 : i32
      %dma_wait3A_403 = tpu.memref_slice %arg4[%add3A_402] : memref<160000xi32, #tpu.memory_space<hbm>> -> memref<80xi32, #tpu.memory_space<hbm>>
      %dma_wait3A_404 = tpu.memref_slice %arg4[%add3A_402] : memref<160000xi32, #tpu.memory_space<hbm>> -> memref<80xi32, #tpu.memory_space<hbm>>
      tpu.wait_dma2 semaphore(%arg14 : memref<!tpu.dma_semaphore, #tpu.memory_space<semaphore_mem>>) src(%dma_wait3A_404 : memref<80xi32, #tpu.memory_space<hbm>>) dst(%arg8 : memref<80xi32, #tpu.memory_space<vmem>>)
      %dma_start3A_405 = arith.constant 0 : i32
      %dma_start3A_406 = arith.constant 0 : i32
      %dma_start3A_407 = tpu.memref_slice %arg6[%dma_start3A_405, %dma_start3A_406] : memref<10000x128xf32, #tpu.memory_space<vmem_shared>> -> memref<10000x128xf32, #tpu.memory_space<vmem_shared>>
      tpu.enqueue_indirect_dma source(%arg11 : memref<80x128xf32, #tpu.memory_space<vmem>>) target(%dma_start3A_407 : memref<10000x128xf32, #tpu.memory_space<vmem_shared>>) offsets(%arg8 : memref<80xi32, #tpu.memory_space<vmem>>) semaphore(%arg17 : memref<!tpu.dma_semaphore, #tpu.memory_space<semaphore_mem>>) {add = true}
      %dma_wait3A_408 = arith.constant 0 : i32
      %dma_wait3A_409 = arith.constant 0 : i32
      %dma_wait3A_410 = tpu.memref_slice %arg6[%dma_wait3A_408, %dma_wait3A_409] : memref<10000x128xf32, #tpu.memory_space<vmem_shared>> -> memref<10000x128xf32, #tpu.memory_space<vmem_shared>>
      tpu.wait_indirect_dma semaphore(%arg19 : memref<!tpu.dma_semaphore, #tpu.memory_space<semaphore_mem>>) src(%arg13 : memref<80x128xf32, #tpu.memory_space<vmem>>) dst(%dma_wait3A_410 : memref<10000x128xf32, #tpu.memory_space<vmem_shared>>)
      %add3A_411 = arith.constant 2 : i32
      %add3A_412 = arith.addi %mul3A_391, %add3A_411 : i32
      %dma_start3A_413 = arith.constant 0 : i32
      %dma_start3A_414 = tpu.memref_slice %arg7[%add3A_412, %dma_start3A_413] : memref<125x80xi32, #tpu.memory_space<vmem>> -> memref<1x80xi32, #tpu.memory_space<vmem>>
      %dma_start3A_415 = tpu.memref_squeeze %dma_start3A_414 : memref<1x80xi32, #tpu.memory_space<vmem>> -> memref<80xi32, #tpu.memory_space<vmem>>
      %dma_start3A_416 = arith.constant 0 : i32
      %dma_start3A_417 = arith.constant 0 : i32
      %dma_start3A_418 = tpu.memref_slice %arg2[%dma_start3A_416, %dma_start3A_417] : memref<40000x128xf32, #tpu.memory_space<hbm>> -> memref<40000x128xf32, #tpu.memory_space<hbm>>
      tpu.enqueue_indirect_dma source(%dma_start3A_418 : memref<40000x128xf32, #tpu.memory_space<hbm>>) target(%arg13 : memref<80x128xf32, #tpu.memory_space<vmem>>) offsets(%dma_start3A_415 : memref<80xi32, #tpu.memory_space<vmem>>) semaphore(%arg16 : memref<!tpu.dma_semaphore, #tpu.memory_space<semaphore_mem>>)
      %mul3A_419 = arith.constant 10000 : i32
      %mul3A_420 = arith.muli %arg1, %mul3A_419 : i32
      %mul3A_421 = arith.constant 80 : i32
      %mul3A_422 = arith.muli %add3A_412, %mul3A_421 : i32
      %add3A_423 = arith.addi %mul3A_420, %mul3A_422 : i32
      %dma_start3A_424 = tpu.memref_slice %arg4[%add3A_423] : memref<160000xi32, #tpu.memory_space<hbm>> -> memref<80xi32, #tpu.memory_space<hbm>>
      %dma_start3A_425 = tpu.memref_slice %arg4[%add3A_423] : memref<160000xi32, #tpu.memory_space<hbm>> -> memref<80xi32, #tpu.memory_space<hbm>>
      tpu.enqueue_dma source(%dma_start3A_425 : memref<80xi32, #tpu.memory_space<hbm>>) target(%arg10 : memref<80xi32, #tpu.memory_space<vmem>>) target_semaphore(%arg16 : memref<!tpu.dma_semaphore, #tpu.memory_space<semaphore_mem>>)
      %add3A_426 = arith.constant 1 : i32
      %add3A_427 = arith.addi %mul3A_391, %add3A_426 : i32
      %dma_wait3A_428 = arith.constant 0 : i32
      %dma_wait3A_429 = tpu.memref_slice %arg7[%add3A_427, %dma_wait3A_428] : memref<125x80xi32, #tpu.memory_space<vmem>> -> memref<1x80xi32, #tpu.memory_space<vmem>>
      %dma_wait3A_430 = tpu.memref_squeeze %dma_wait3A_429 : memref<1x80xi32, #tpu.memory_space<vmem>> -> memref<80xi32, #tpu.memory_space<vmem>>
      %dma_wait3A_431 = arith.constant 0 : i32
      %dma_wait3A_432 = arith.constant 0 : i32
      %dma_wait3A_433 = tpu.memref_slice %arg2[%dma_wait3A_431, %dma_wait3A_432] : memref<40000x128xf32, #tpu.memory_space<hbm>> -> memref<40000x128xf32, #tpu.memory_space<hbm>>
      tpu.wait_indirect_dma semaphore(%arg15 : memref<!tpu.dma_semaphore, #tpu.memory_space<semaphore_mem>>) src(%dma_wait3A_433 : memref<40000x128xf32, #tpu.memory_space<hbm>>) dst(%arg12 : memref<80x128xf32, #tpu.memory_space<vmem>>)
      %mul3A_434 = arith.constant 10000 : i32
      %mul3A_435 = arith.muli %arg1, %mul3A_434 : i32
      %mul3A_436 = arith.constant 80 : i32
      %mul3A_437 = arith.muli %add3A_427, %mul3A_436 : i32
      %add3A_438 = arith.addi %mul3A_435, %mul3A_437 : i32
      %dma_wait3A_439 = tpu.memref_slice %arg4[%add3A_438] : memref<160000xi32, #tpu.memory_space<hbm>> -> memref<80xi32, #tpu.memory_space<hbm>>
      %dma_wait3A_440 = tpu.memref_slice %arg4[%add3A_438] : memref<160000xi32, #tpu.memory_space<hbm>> -> memref<80xi32, #tpu.memory_space<hbm>>
      tpu.wait_dma2 semaphore(%arg15 : memref<!tpu.dma_semaphore, #tpu.memory_space<semaphore_mem>>) src(%dma_wait3A_440 : memref<80xi32, #tpu.memory_space<hbm>>) dst(%arg9 : memref<80xi32, #tpu.memory_space<vmem>>)
      %dma_start3A_441 = arith.constant 0 : i32
      %dma_start3A_442 = arith.constant 0 : i32
      %dma_start3A_443 = tpu.memref_slice %arg6[%dma_start3A_441, %dma_start3A_442] : memref<10000x128xf32, #tpu.memory_space<vmem_shared>> -> memref<10000x128xf32, #tpu.memory_space<vmem_shared>>
      tpu.enqueue_indirect_dma source(%arg12 : memref<80x128xf32, #tpu.memory_space<vmem>>) target(%dma_start3A_443 : memref<10000x128xf32, #tpu.memory_space<vmem_shared>>) offsets(%arg9 : memref<80xi32, #tpu.memory_space<vmem>>) semaphore(%arg18 : memref<!tpu.dma_semaphore, #tpu.memory_space<semaphore_mem>>) {add = true}
      %dma_wait3A_444 = arith.constant 0 : i32
      %dma_wait3A_445 = arith.constant 0 : i32
      %dma_wait3A_446 = tpu.memref_slice %arg6[%dma_wait3A_444, %dma_wait3A_445] : memref<10000x128xf32, #tpu.memory_space<vmem_shared>> -> memref<10000x128xf32, #tpu.memory_space<vmem_shared>>
      tpu.wait_indirect_dma semaphore(%arg17 : memref<!tpu.dma_semaphore, #tpu.memory_space<semaphore_mem>>) src(%arg11 : memref<80x128xf32, #tpu.memory_space<vmem>>) dst(%dma_wait3A_446 : memref<10000x128xf32, #tpu.memory_space<vmem_shared>>)
      %add3A_447 = arith.constant 3 : i32
      %add3A_448 = arith.addi %mul3A_391, %add3A_447 : i32
      %dma_start3A_449 = arith.constant 0 : i32
      %dma_start3A_450 = tpu.memref_slice %arg7[%add3A_448, %dma_start3A_449] : memref<125x80xi32, #tpu.memory_space<vmem>> -> memref<1x80xi32, #tpu.memory_space<vmem>>
      %dma_start3A_451 = tpu.memref_squeeze %dma_start3A_450 : memref<1x80xi32, #tpu.memory_space<vmem>> -> memref<80xi32, #tpu.memory_space<vmem>>
      %dma_start3A_452 = arith.constant 0 : i32
      %dma_start3A_453 = arith.constant 0 : i32
      %dma_start3A_454 = tpu.memref_slice %arg2[%dma_start3A_452, %dma_start3A_453] : memref<40000x128xf32, #tpu.memory_space<hbm>> -> memref<40000x128xf32, #tpu.memory_space<hbm>>
      tpu.enqueue_indirect_dma source(%dma_start3A_454 : memref<40000x128xf32, #tpu.memory_space<hbm>>) target(%arg11 : memref<80x128xf32, #tpu.memory_space<vmem>>) offsets(%dma_start3A_451 : memref<80xi32, #tpu.memory_space<vmem>>) semaphore(%arg14 : memref<!tpu.dma_semaphore, #tpu.memory_space<semaphore_mem>>)
      %mul3A_455 = arith.constant 10000 : i32
      %mul3A_456 = arith.muli %arg1, %mul3A_455 : i32
      %mul3A_457 = arith.constant 80 : i32
      %mul3A_458 = arith.muli %add3A_448, %mul3A_457 : i32
      %add3A_459 = arith.addi %mul3A_456, %mul3A_458 : i32
      %dma_start3A_460 = tpu.memref_slice %arg4[%add3A_459] : memref<160000xi32, #tpu.memory_space<hbm>> -> memref<80xi32, #tpu.memory_space<hbm>>
      %dma_start3A_461 = tpu.memref_slice %arg4[%add3A_459] : memref<160000xi32, #tpu.memory_space<hbm>> -> memref<80xi32, #tpu.memory_space<hbm>>
      tpu.enqueue_dma source(%dma_start3A_461 : memref<80xi32, #tpu.memory_space<hbm>>) target(%arg8 : memref<80xi32, #tpu.memory_space<vmem>>) target_semaphore(%arg14 : memref<!tpu.dma_semaphore, #tpu.memory_space<semaphore_mem>>)
      %add3A_462 = arith.constant 2 : i32
      %add3A_463 = arith.addi %mul3A_391, %add3A_462 : i32
      %dma_wait3A_464 = arith.constant 0 : i32
      %dma_wait3A_465 = tpu.memref_slice %arg7[%add3A_463, %dma_wait3A_464] : memref<125x80xi32, #tpu.memory_space<vmem>> -> memref<1x80xi32, #tpu.memory_space<vmem>>
      %dma_wait3A_466 = tpu.memref_squeeze %dma_wait3A_465 : memref<1x80xi32, #tpu.memory_space<vmem>> -> memref<80xi32, #tpu.memory_space<vmem>>
      %dma_wait3A_467 = arith.constant 0 : i32
      %dma_wait3A_468 = arith.constant 0 : i32
      %dma_wait3A_469 = tpu.memref_slice %arg2[%dma_wait3A_467, %dma_wait3A_468] : memref<40000x128xf32, #tpu.memory_space<hbm>> -> memref<40000x128xf32, #tpu.memory_space<hbm>>
      tpu.wait_indirect_dma semaphore(%arg16 : memref<!tpu.dma_semaphore, #tpu.memory_space<semaphore_mem>>) src(%dma_wait3A_469 : memref<40000x128xf32, #tpu.memory_space<hbm>>) dst(%arg13 : memref<80x128xf32, #tpu.memory_space<vmem>>)
      %mul3A_470 = arith.constant 10000 : i32
      %mul3A_471 = arith.muli %arg1, %mul3A_470 : i32
      %mul3A_472 = arith.constant 80 : i32
      %mul3A_473 = arith.muli %add3A_463, %mul3A_472 : i32
      %add3A_474 = arith.addi %mul3A_471, %mul3A_473 : i32
      %dma_wait3A_475 = tpu.memref_slice %arg4[%add3A_474] : memref<160000xi32, #tpu.memory_space<hbm>> -> memref<80xi32, #tpu.memory_space<hbm>>
      %dma_wait3A_476 = tpu.memref_slice %arg4[%add3A_474] : memref<160000xi32, #tpu.memory_space<hbm>> -> memref<80xi32, #tpu.memory_space<hbm>>
      tpu.wait_dma2 semaphore(%arg16 : memref<!tpu.dma_semaphore, #tpu.memory_space<semaphore_mem>>) src(%dma_wait3A_476 : memref<80xi32, #tpu.memory_space<hbm>>) dst(%arg10 : memref<80xi32, #tpu.memory_space<vmem>>)
      %dma_start3A_477 = arith.constant 0 : i32
      %dma_start3A_478 = arith.constant 0 : i32
      %dma_start3A_479 = tpu.memref_slice %arg6[%dma_start3A_477, %dma_start3A_478] : memref<10000x128xf32, #tpu.memory_space<vmem_shared>> -> memref<10000x128xf32, #tpu.memory_space<vmem_shared>>
      tpu.enqueue_indirect_dma source(%arg13 : memref<80x128xf32, #tpu.memory_space<vmem>>) target(%dma_start3A_479 : memref<10000x128xf32, #tpu.memory_space<vmem_shared>>) offsets(%arg10 : memref<80xi32, #tpu.memory_space<vmem>>) semaphore(%arg19 : memref<!tpu.dma_semaphore, #tpu.memory_space<semaphore_mem>>) {add = true}
      %dma_wait3A_480 = arith.constant 0 : i32
      %dma_wait3A_481 = arith.constant 0 : i32
      %dma_wait3A_482 = tpu.memref_slice %arg6[%dma_wait3A_480, %dma_wait3A_481] : memref<10000x128xf32, #tpu.memory_space<vmem_shared>> -> memref<10000x128xf32, #tpu.memory_space<vmem_shared>>
      tpu.wait_indirect_dma semaphore(%arg18 : memref<!tpu.dma_semaphore, #tpu.memory_space<semaphore_mem>>) src(%arg12 : memref<80x128xf32, #tpu.memory_space<vmem>>) dst(%dma_wait3A_482 : memref<10000x128xf32, #tpu.memory_space<vmem_shared>>)
      %add3A_483 = arith.constant 4 : i32
      %add3A_484 = arith.addi %mul3A_391, %add3A_483 : i32
      %dma_start3A_485 = arith.constant 0 : i32
      %dma_start3A_486 = tpu.memref_slice %arg7[%add3A_484, %dma_start3A_485] : memref<125x80xi32, #tpu.memory_space<vmem>> -> memref<1x80xi32, #tpu.memory_space<vmem>>
      %dma_start3A_487 = tpu.memref_squeeze %dma_start3A_486 : memref<1x80xi32, #tpu.memory_space<vmem>> -> memref<80xi32, #tpu.memory_space<vmem>>
      %dma_start3A_488 = arith.constant 0 : i32
      %dma_start3A_489 = arith.constant 0 : i32
      %dma_start3A_490 = tpu.memref_slice %arg2[%dma_start3A_488, %dma_start3A_489] : memref<40000x128xf32, #tpu.memory_space<hbm>> -> memref<40000x128xf32, #tpu.memory_space<hbm>>
      tpu.enqueue_indirect_dma source(%dma_start3A_490 : memref<40000x128xf32, #tpu.memory_space<hbm>>) target(%arg12 : memref<80x128xf32, #tpu.memory_space<vmem>>) offsets(%dma_start3A_487 : memref<80xi32, #tpu.memory_space<vmem>>) semaphore(%arg15 : memref<!tpu.dma_semaphore, #tpu.memory_space<semaphore_mem>>)
      %mul3A_491 = arith.constant 10000 : i32
      %mul3A_492 = arith.muli %arg1, %mul3A_491 : i32
      %mul3A_493 = arith.constant 80 : i32
      %mul3A_494 = arith.muli %add3A_484, %mul3A_493 : i32
      %add3A_495 = arith.addi %mul3A_492, %mul3A_494 : i32
      %dma_start3A_496 = tpu.memref_slice %arg4[%add3A_495] : memref<160000xi32, #tpu.memory_space<hbm>> -> memref<80xi32, #tpu.memory_space<hbm>>
      %dma_start3A_497 = tpu.memref_slice %arg4[%add3A_495] : memref<160000xi32, #tpu.memory_space<hbm>> -> memref<80xi32, #tpu.memory_space<hbm>>
      tpu.enqueue_dma source(%dma_start3A_497 : memref<80xi32, #tpu.memory_space<hbm>>) target(%arg9 : memref<80xi32, #tpu.memory_space<vmem>>) target_semaphore(%arg15 : memref<!tpu.dma_semaphore, #tpu.memory_space<semaphore_mem>>)
    }
    %scan3A_332 = arith.constant 40 : i32
    %dma_wait3A_333 = arith.constant 123 : i32
    %dma_wait3A_334 = arith.constant 0 : i32
    %dma_wait3A_335 = tpu.memref_slice %arg7[%dma_wait3A_333, %dma_wait3A_334] : memref<125x80xi32, #tpu.memory_space<vmem>> -> memref<1x80xi32, #tpu.memory_space<vmem>>
    %dma_wait3A_336 = tpu.memref_squeeze %dma_wait3A_335 : memref<1x80xi32, #tpu.memory_space<vmem>> -> memref<80xi32, #tpu.memory_space<vmem>>
    %dma_wait3A_337 = arith.constant 0 : i32
    %dma_wait3A_338 = arith.constant 0 : i32
    %dma_wait3A_339 = tpu.memref_slice %arg2[%dma_wait3A_337, %dma_wait3A_338] : memref<40000x128xf32, #tpu.memory_space<hbm>> -> memref<40000x128xf32, #tpu.memory_space<hbm>>
    tpu.wait_indirect_dma semaphore(%arg14 : memref<!tpu.dma_semaphore, #tpu.memory_space<semaphore_mem>>) src(%dma_wait3A_339 : memref<40000x128xf32, #tpu.memory_space<hbm>>) dst(%arg11 : memref<80x128xf32, #tpu.memory_space<vmem>>)
    %mul3A_340 = arith.constant 10000 : i32
    %mul3A_341 = arith.muli %arg1, %mul3A_340 : i32
    %add3A_342 = arith.constant 9840 : i32
    %add3A_343 = arith.addi %mul3A_341, %add3A_342 : i32
    %dma_wait3A_344 = tpu.memref_slice %arg4[%add3A_343] : memref<160000xi32, #tpu.memory_space<hbm>> -> memref<80xi32, #tpu.memory_space<hbm>>
    %dma_wait3A_345 = tpu.memref_slice %arg4[%add3A_343] : memref<160000xi32, #tpu.memory_space<hbm>> -> memref<80xi32, #tpu.memory_space<hbm>>
    tpu.wait_dma2 semaphore(%arg14 : memref<!tpu.dma_semaphore, #tpu.memory_space<semaphore_mem>>) src(%dma_wait3A_345 : memref<80xi32, #tpu.memory_space<hbm>>) dst(%arg8 : memref<80xi32, #tpu.memory_space<vmem>>)
    %dma_start3A_346 = arith.constant 0 : i32
    %dma_start3A_347 = arith.constant 0 : i32
    %dma_start3A_348 = tpu.memref_slice %arg6[%dma_start3A_346, %dma_start3A_347] : memref<10000x128xf32, #tpu.memory_space<vmem_shared>> -> memref<10000x128xf32, #tpu.memory_space<vmem_shared>>
    tpu.enqueue_indirect_dma source(%arg11 : memref<80x128xf32, #tpu.memory_space<vmem>>) target(%dma_start3A_348 : memref<10000x128xf32, #tpu.memory_space<vmem_shared>>) offsets(%arg8 : memref<80xi32, #tpu.memory_space<vmem>>) semaphore(%arg17 : memref<!tpu.dma_semaphore, #tpu.memory_space<semaphore_mem>>) {add = true}
    %dma_wait3A_349 = arith.constant 0 : i32
    %dma_wait3A_350 = arith.constant 0 : i32
    %dma_wait3A_351 = tpu.memref_slice %arg6[%dma_wait3A_349, %dma_wait3A_350] : memref<10000x128xf32, #tpu.memory_space<vmem_shared>> -> memref<10000x128xf32, #tpu.memory_space<vmem_shared>>
    tpu.wait_indirect_dma semaphore(%arg19 : memref<!tpu.dma_semaphore, #tpu.memory_space<semaphore_mem>>) src(%arg13 : memref<80x128xf32, #tpu.memory_space<vmem>>) dst(%dma_wait3A_351 : memref<10000x128xf32, #tpu.memory_space<vmem_shared>>)
    %dma_wait3A_352 = arith.constant 124 : i32
    %dma_wait3A_353 = arith.constant 0 : i32
    %dma_wait3A_354 = tpu.memref_slice %arg7[%dma_wait3A_352, %dma_wait3A_353] : memref<125x80xi32, #tpu.memory_space<vmem>> -> memref<1x80xi32, #tpu.memory_space<vmem>>
    %dma_wait3A_355 = tpu.memref_squeeze %dma_wait3A_354 : memref<1x80xi32, #tpu.memory_space<vmem>> -> memref<80xi32, #tpu.memory_space<vmem>>
    %dma_wait3A_356 = arith.constant 0 : i32
    %dma_wait3A_357 = arith.constant 0 : i32
    %dma_wait3A_358 = tpu.memref_slice %arg2[%dma_wait3A_356, %dma_wait3A_357] : memref<40000x128xf32, #tpu.memory_space<hbm>> -> memref<40000x128xf32, #tpu.memory_space<hbm>>
    tpu.wait_indirect_dma semaphore(%arg15 : memref<!tpu.dma_semaphore, #tpu.memory_space<semaphore_mem>>) src(%dma_wait3A_358 : memref<40000x128xf32, #tpu.memory_space<hbm>>) dst(%arg12 : memref<80x128xf32, #tpu.memory_space<vmem>>)
    %mul3A_359 = arith.constant 10000 : i32
    %mul3A_360 = arith.muli %arg1, %mul3A_359 : i32
    %add3A_361 = arith.constant 9920 : i32
    %add3A_362 = arith.addi %mul3A_360, %add3A_361 : i32
    %dma_wait3A_363 = tpu.memref_slice %arg4[%add3A_362] : memref<160000xi32, #tpu.memory_space<hbm>> -> memref<80xi32, #tpu.memory_space<hbm>>
    %dma_wait3A_364 = tpu.memref_slice %arg4[%add3A_362] : memref<160000xi32, #tpu.memory_space<hbm>> -> memref<80xi32, #tpu.memory_space<hbm>>
    tpu.wait_dma2 semaphore(%arg15 : memref<!tpu.dma_semaphore, #tpu.memory_space<semaphore_mem>>) src(%dma_wait3A_364 : memref<80xi32, #tpu.memory_space<hbm>>) dst(%arg9 : memref<80xi32, #tpu.memory_space<vmem>>)
    %dma_start3A_365 = arith.constant 0 : i32
    %dma_start3A_366 = arith.constant 0 : i32
    %dma_start3A_367 = tpu.memref_slice %arg6[%dma_start3A_365, %dma_start3A_366] : memref<10000x128xf32, #tpu.memory_space<vmem_shared>> -> memref<10000x128xf32, #tpu.memory_space<vmem_shared>>
    tpu.enqueue_indirect_dma source(%arg12 : memref<80x128xf32, #tpu.memory_space<vmem>>) target(%dma_start3A_367 : memref<10000x128xf32, #tpu.memory_space<vmem_shared>>) offsets(%arg9 : memref<80xi32, #tpu.memory_space<vmem>>) semaphore(%arg18 : memref<!tpu.dma_semaphore, #tpu.memory_space<semaphore_mem>>) {add = true}
    %dma_wait3A_368 = arith.constant 0 : i32
    %dma_wait3A_369 = arith.constant 0 : i32
    %dma_wait3A_370 = tpu.memref_slice %arg6[%dma_wait3A_368, %dma_wait3A_369] : memref<10000x128xf32, #tpu.memory_space<vmem_shared>> -> memref<10000x128xf32, #tpu.memory_space<vmem_shared>>
    tpu.wait_indirect_dma semaphore(%arg17 : memref<!tpu.dma_semaphore, #tpu.memory_space<semaphore_mem>>) src(%arg11 : memref<80x128xf32, #tpu.memory_space<vmem>>) dst(%dma_wait3A_370 : memref<10000x128xf32, #tpu.memory_space<vmem_shared>>)
    %dma_wait3A_371 = arith.constant 0 : i32
    %dma_wait3A_372 = arith.constant 0 : i32
    %dma_wait3A_373 = tpu.memref_slice %arg6[%dma_wait3A_371, %dma_wait3A_372] : memref<10000x128xf32, #tpu.memory_space<vmem_shared>> -> memref<10000x128xf32, #tpu.memory_space<vmem_shared>>
    tpu.wait_indirect_dma semaphore(%arg18 : memref<!tpu.dma_semaphore, #tpu.memory_space<semaphore_mem>>) src(%arg12 : memref<80x128xf32, #tpu.memory_space<vmem>>) dst(%dma_wait3A_373 : memref<10000x128xf32, #tpu.memory_space<vmem_shared>>)
    %barrier3A_374 = arith.constant 0 : index
    tpu.barrier barrier_id(%barrier3A_374)
    %lt3A_375 = arith.constant 15 : i32
    %lt3A_376 = arith.cmpi slt, %arg1, %lt3A_375 : i32
    %convert_element_type3A_377 = arith.extui %lt3A_376 : i1 to i32
    %cond3A_378 = arith.constant 0 : i32
    %cond3A_379 = arith.cmpi ne, %convert_element_type3A_377, %cond3A_378 : i32
    scf.if %cond3A_379 {
      %mul3A_385 = arith.constant 640 : i32
      %mul3A_386 = arith.muli %arg1, %mul3A_385 : i32
      %mul3A_387 = arith.constant 640 : i32
      %mul3A_388 = arith.muli %arg1, %mul3A_387 : i32
      %add3A_389 = arith.addi %mul3A_192, %mul3A_388 : i32
      "tpu.region"() ({
        %run_scoped3A = tpu.sem_alloc : memref<!tpu.dma_semaphore, #tpu.memory_space<semaphore_mem>>
        %dma_start3A_390 = arith.constant 0 : i32
        %dma_start3A_391 = tpu.memref_slice %arg5[%add3A_389, %dma_start3A_390] : memref<40000x128xf32, #tpu.memory_space<hbm>> -> memref<640x128xf32, #tpu.memory_space<hbm>>
        %dma_start3A_392 = arith.constant 0 : i32
        %dma_start3A_393 = tpu.memref_slice %arg6[%mul3A_386, %dma_start3A_392] : memref<10000x128xf32, #tpu.memory_space<vmem_shared>> -> memref<640x128xf32, #tpu.memory_space<vmem_shared>>
        tpu.enqueue_dma source(%dma_start3A_393 : memref<640x128xf32, #tpu.memory_space<vmem_shared>>) target(%dma_start3A_391 : memref<640x128xf32, #tpu.memory_space<hbm>>) target_semaphore(%run_scoped3A : memref<!tpu.dma_semaphore, #tpu.memory_space<semaphore_mem>>)
        %dma_wait3A_394 = arith.constant 0 : i32
        %dma_wait3A_395 = tpu.memref_slice %arg5[%add3A_389, %dma_wait3A_394] : memref<40000x128xf32, #tpu.memory_space<hbm>> -> memref<640x128xf32, #tpu.memory_space<hbm>>
        %dma_wait3A_396 = arith.constant 0 : i32
        %dma_wait3A_397 = tpu.memref_slice %arg6[%mul3A_386, %dma_wait3A_396] : memref<10000x128xf32, #tpu.memory_space<vmem_shared>> -> memref<640x128xf32, #tpu.memory_space<vmem_shared>>
        tpu.wait_dma2 semaphore(%run_scoped3A : memref<!tpu.dma_semaphore, #tpu.memory_space<semaphore_mem>>) src(%dma_wait3A_397 : memref<640x128xf32, #tpu.memory_space<vmem_shared>>) dst(%dma_wait3A_395 : memref<640x128xf32, #tpu.memory_space<hbm>>)
        tpu.yield
      }) : () -> ()
    } else {
    }
    %eq3A_380 = arith.constant 15 : i32
    %eq3A_381 = arith.cmpi eq, %arg1, %eq3A_380 : i32
    %convert_element_type3A_382 = arith.extui %eq3A_381 : i1 to i32
    %cond3A_383 = arith.constant 0 : i32
    %cond3A_384 = arith.cmpi ne, %convert_element_type3A_382, %cond3A_383 : i32
    scf.if %cond3A_384 {
      %add3A_385 = arith.constant 9600 : i32
      %add3A_386 = arith.addi %mul3A_192, %add3A_385 : i32
      "tpu.region"() ({
        %run_scoped3A = tpu.sem_alloc : memref<!tpu.dma_semaphore, #tpu.memory_space<semaphore_mem>>
        %dma_start3A_387 = arith.constant 0 : i32
        %dma_start3A_388 = tpu.memref_slice %arg5[%add3A_386, %dma_start3A_387] : memref<40000x128xf32, #tpu.memory_space<hbm>> -> memref<400x128xf32, #tpu.memory_space<hbm>>
        %dma_start3A_389 = arith.constant 9600 : i32
        %dma_start3A_390 = arith.constant 0 : i32
        %dma_start3A_391 = tpu.memref_slice %arg6[%dma_start3A_389, %dma_start3A_390] : memref<10000x128xf32, #tpu.memory_space<vmem_shared>> -> memref<400x128xf32, #tpu.memory_space<vmem_shared>>
        tpu.enqueue_dma source(%dma_start3A_391 : memref<400x128xf32, #tpu.memory_space<vmem_shared>>) target(%dma_start3A_388 : memref<400x128xf32, #tpu.memory_space<hbm>>) target_semaphore(%run_scoped3A : memref<!tpu.dma_semaphore, #tpu.memory_space<semaphore_mem>>)
        %dma_wait3A_392 = arith.constant 0 : i32
        %dma_wait3A_393 = tpu.memref_slice %arg5[%add3A_386, %dma_wait3A_392] : memref<40000x128xf32, #tpu.memory_space<hbm>> -> memref<400x128xf32, #tpu.memory_space<hbm>>
        %dma_wait3A_394 = arith.constant 9600 : i32
        %dma_wait3A_395 = arith.constant 0 : i32
        %dma_wait3A_396 = tpu.memref_slice %arg6[%dma_wait3A_394, %dma_wait3A_395] : memref<10000x128xf32, #tpu.memory_space<vmem_shared>> -> memref<400x128xf32, #tpu.memory_space<vmem_shared>>
        tpu.wait_dma2 semaphore(%run_scoped3A : memref<!tpu.dma_semaphore, #tpu.memory_space<semaphore_mem>>) src(%dma_wait3A_396 : memref<400x128xf32, #tpu.memory_space<vmem_shared>>) dst(%dma_wait3A_393 : memref<400x128xf32, #tpu.memory_space<hbm>>)
        tpu.yield
      }) : () -> ()
    } else {
    }
    return
  }
}

module attributes {stable_mosaic.version = 14 : i64} {
  func.func @body(%arg0: memref<20000x128xf32, #tpu.memory_space<vmem>>, %arg1: memref<10000x128xf32, #tpu.memory_space<vmem>>) attributes {dimension_semantics = [], scalar_prefetch = 0 : i64, scratch_operands = 0 : i64, tpu.core_type = #tpu.core_type<tc>} {
    %get3A = arith.constant 0 : index
    %get3A_0 = arith.constant 0 : index
    %get3A_1 = vector.load %arg0[%get3A, %get3A_0] : memref<20000x128xf32, #tpu.memory_space<vmem>>, vector<10000x128xf32>
    %get3A_2 = arith.constant 10000 : index
    %get3A_3 = arith.constant 0 : index
    %get3A_4 = vector.load %arg0[%get3A_2, %get3A_3] : memref<20000x128xf32, #tpu.memory_space<vmem>>, vector<10000x128xf32>
    %add3A = arith.addf %get3A_1, %get3A_4 : vector<10000x128xf32>
    %add3A_5 = arith.constant 1.000000e+00 : f32
    %add3A_6 = vector.broadcast %add3A_5 : f32 to vector<10000x128xf32>
    %add3A_7 = arith.addf %add3A, %add3A_6 : vector<10000x128xf32>
    %rsqrt3A = math.rsqrt %add3A_7 : vector<10000x128xf32>
    %swap3A = arith.constant 0 : index
    %swap3A_8 = arith.constant 0 : index
    %swap3A_9 = vector.load %arg1[%swap3A, %swap3A_8] : memref<10000x128xf32, #tpu.memory_space<vmem>>, vector<10000x128xf32>
    tpu.vector_store %arg1[%swap3A, %swap3A_8], %rsqrt3A {strides = array<i32>} : memref<10000x128xf32, #tpu.memory_space<vmem>>, vector<10000x128xf32>,
    return
  }
}

module attributes {stable_mosaic.version = 14 : i64} {
  func.func @body(%arg0: i32, %arg1: i32, %arg2: memref<1000x256xf32, #tpu.memory_space<vmem>>, %arg3: memref<256x128xf32, #tpu.memory_space<vmem>>, %arg4: memref<1000x128xf32, #tpu.memory_space<vmem>>, %arg5: memref<1000x128xf32, #tpu.memory_space<vmem>>) attributes {dimension_semantics = [#tpu.dimension_semantics<arbitrary>, #tpu.dimension_semantics<arbitrary>], iteration_bounds = array<i64: 10, 4>, scalar_prefetch = 0 : i64, scratch_operands = 0 : i64, tpu.core_type = #tpu.core_type<tc>, window_params = [{transform_indices = @transform_0, window_bounds = array<i64: 1000, 256>}, {transform_indices = @transform_1, window_bounds = array<i64: 256, 128>}, {transform_indices = @transform_2, window_bounds = array<i64: 1000, 128>}, {transform_indices = @transform_3, window_bounds = array<i64: 1000, 128>}]} {
    %get3A = arith.constant 0 : index
    %get3A_0 = arith.constant 0 : index
    %get3A_1 = vector.load %arg2[%get3A, %get3A_0] : memref<1000x256xf32, #tpu.memory_space<vmem>>, vector<1000x256xf32>
    %get3A_2 = arith.constant 0 : index
    %get3A_3 = arith.constant 0 : index
    %get3A_4 = vector.load %arg3[%get3A_2, %get3A_3] : memref<256x128xf32, #tpu.memory_space<vmem>>, vector<256x128xf32>
    %dot_general3A = arith.constant dense<0.000000e+00> : vector<1000x128xf32>
    %dot_general3A_5 = tpu.matmul %get3A_1, %get3A_4, %dot_general3A {dimension_numbers = #tpu.dot_dimension_numbers<[1], [0], [0], [1], [0, 0, 1, 1], [], []>, transpose_lhs_hint = false} : vector<1000x256xf32>, vector<256x128xf32>, vector<1000x128xf32> -> vector<1000x128xf32>
    %get3A_6 = arith.constant 0 : index
    %get3A_7 = arith.constant 0 : index
    %get3A_8 = vector.load %arg4[%get3A_6, %get3A_7] : memref<1000x128xf32, #tpu.memory_space<vmem>>, vector<1000x128xf32>
    %mul3A = arith.mulf %dot_general3A_5, %get3A_8 : vector<1000x128xf32>
    %swap3A = arith.constant 0 : index
    %swap3A_9 = arith.constant 0 : index
    %swap3A_10 = vector.load %arg5[%swap3A, %swap3A_9] : memref<1000x128xf32, #tpu.memory_space<vmem>>, vector<1000x128xf32>
    tpu.vector_store %arg5[%swap3A, %swap3A_9], %mul3A {strides = array<i32>} : memref<1000x128xf32, #tpu.memory_space<vmem>>, vector<1000x128xf32>,
    return
  }
  func.func @transform_0(%arg0: i32, %arg1: i32) -> (i32, i32) {
    %c0_i32 = arith.constant 0 : i32
    %c0_i32_0 = arith.constant 0 : i32
    return %arg0, %c0_i32 : i32, i32
  }
  func.func @transform_1(%arg0: i32, %arg1: i32) -> (i32, i32) {
    %c0_i32 = arith.constant 0 : i32
    %c0_i32_0 = arith.constant 0 : i32
    return %c0_i32, %arg1 : i32, i32
  }
  func.func @transform_2(%arg0: i32, %arg1: i32) -> (i32, i32) {
    %c0_i32 = arith.constant 0 : i32
    %c0_i32_0 = arith.constant 0 : i32
    return %arg0, %c0_i32 : i32, i32
  }
  func.func @transform_3(%arg0: i32, %arg1: i32) -> (i32, i32) {
    %mul3A = arith.constant 10 : i32
    %mul3A_0 = arith.muli %arg1, %mul3A : i32
    %add3A = arith.addi %mul3A_0, %arg0 : i32
    %c0_i32 = arith.constant 0 : i32
    %c0_i32_1 = arith.constant 0 : i32
    return %add3A, %c0_i32 : i32, i32
  }
}

module attributes {stable_mosaic.version = 14 : i64} {
  func.func @body(%arg0: i32, %arg1: i32, %arg2: memref<4x1000x128xf32, #tpu.memory_space<vmem>>, %arg3: memref<1000x128xf32, #tpu.memory_space<vmem>>, %arg4: memref<4x1x128xf32, #tpu.memory_space<vmem>>, %arg5: memref<512x128xf32, #tpu.memory_space<vmem>>, %arg6: memref<1000x512xf32, #tpu.memory_space<vmem>>, %arg7: memref<1000x128xf32, #tpu.memory_space<vmem>>) attributes {dimension_semantics = [#tpu.dimension_semantics<arbitrary>, #tpu.dimension_semantics<arbitrary>], iteration_bounds = array<i64: 10, 2>, scalar_prefetch = 0 : i64, scratch_operands = 0 : i64, tpu.core_type = #tpu.core_type<tc>, window_params = [{transform_indices = @transform_0, window_bounds = array<i64: 4, 1000, 128>}, {transform_indices = @transform_1, window_bounds = array<i64: 1000, 128>}, {pipeline_mode = #tpu.pipeline_mode<synchronous>, transform_indices = @transform_2, window_bounds = array<i64: 4, 1, 128>}, {transform_indices = @transform_3, window_bounds = array<i64: 512, 128>}, {transform_indices = @transform_4, window_bounds = array<i64: 1000, 512>}, {transform_indices = @transform_5, window_bounds = array<i64: 1000, 128>}]} {
    %get3A = arith.constant 0 : index
    %get3A_0 = arith.constant 0 : index
    %get3A_1 = vector.load %arg3[%get3A, %get3A_0] : memref<1000x128xf32, #tpu.memory_space<vmem>>, vector<1000x128xf32>
    %get3A_2 = arith.constant 0 : index
    %get3A_3 = arith.constant 0 : index
    %get3A_4 = arith.constant 0 : index
    %get3A_5 = vector.load %arg2[%get3A_2, %get3A_3, %get3A_4] : memref<4x1000x128xf32, #tpu.memory_space<vmem>>, vector<1x1000x128xf32>
    %get3A_6 = vector.shape_cast %get3A_5 : vector<1x1000x128xf32> to vector<1000x128xf32>
    %mul3A = arith.mulf %get3A_6, %get3A_1 : vector<1000x128xf32>
    %get3A_7 = arith.constant 0 : index
    %get3A_8 = arith.constant 0 : index
    %get3A_9 = arith.constant 0 : index
    %get3A_10 = vector.load %arg4[%get3A_7, %get3A_8, %get3A_9] : memref<4x1x128xf32, #tpu.memory_space<vmem>>, vector<1x1x128xf32>
    %get3A_11 = vector.shape_cast %get3A_10 : vector<1x1x128xf32> to vector<1x128xf32>
    %add3A = vector.broadcast %get3A_11 : vector<1x128xf32> to vector<1000x128xf32>
    %add3A_12 = arith.addf %mul3A, %add3A : vector<1000x128xf32>
    %max3A = arith.constant 0.000000e+00 : f32
    %max3A_13 = vector.broadcast %max3A : f32 to vector<1000x128xf32>
    %max3A_14 = arith.maximumf %add3A_12, %max3A_13 : vector<1000x128xf32>
    %get3A_15 = arith.constant 1 : index
    %get3A_16 = arith.constant 0 : index
    %get3A_17 = arith.constant 0 : index
    %get3A_18 = vector.load %arg2[%get3A_15, %get3A_16, %get3A_17] : memref<4x1000x128xf32, #tpu.memory_space<vmem>>, vector<1x1000x128xf32>
    %get3A_19 = vector.shape_cast %get3A_18 : vector<1x1000x128xf32> to vector<1000x128xf32>
    %mul3A_20 = arith.mulf %get3A_19, %get3A_1 : vector<1000x128xf32>
    %get3A_21 = arith.constant 1 : index
    %get3A_22 = arith.constant 0 : index
    %get3A_23 = arith.constant 0 : index
    %get3A_24 = vector.load %arg4[%get3A_21, %get3A_22, %get3A_23] : memref<4x1x128xf32, #tpu.memory_space<vmem>>, vector<1x1x128xf32>
    %get3A_25 = vector.shape_cast %get3A_24 : vector<1x1x128xf32> to vector<1x128xf32>
    %add3A_26 = vector.broadcast %get3A_25 : vector<1x128xf32> to vector<1000x128xf32>
    %add3A_27 = arith.addf %mul3A_20, %add3A_26 : vector<1000x128xf32>
    %max3A_28 = arith.constant 0.000000e+00 : f32
    %max3A_29 = vector.broadcast %max3A_28 : f32 to vector<1000x128xf32>
    %max3A_30 = arith.maximumf %add3A_27, %max3A_29 : vector<1000x128xf32>
    %get3A_31 = arith.constant 2 : index
    %get3A_32 = arith.constant 0 : index
    %get3A_33 = arith.constant 0 : index
    %get3A_34 = vector.load %arg2[%get3A_31, %get3A_32, %get3A_33] : memref<4x1000x128xf32, #tpu.memory_space<vmem>>, vector<1x1000x128xf32>
    %get3A_35 = vector.shape_cast %get3A_34 : vector<1x1000x128xf32> to vector<1000x128xf32>
    %mul3A_36 = arith.mulf %get3A_35, %get3A_1 : vector<1000x128xf32>
    %get3A_37 = arith.constant 2 : index
    %get3A_38 = arith.constant 0 : index
    %get3A_39 = arith.constant 0 : index
    %get3A_40 = vector.load %arg4[%get3A_37, %get3A_38, %get3A_39] : memref<4x1x128xf32, #tpu.memory_space<vmem>>, vector<1x1x128xf32>
    %get3A_41 = vector.shape_cast %get3A_40 : vector<1x1x128xf32> to vector<1x128xf32>
    %add3A_42 = vector.broadcast %get3A_41 : vector<1x128xf32> to vector<1000x128xf32>
    %add3A_43 = arith.addf %mul3A_36, %add3A_42 : vector<1000x128xf32>
    %max3A_44 = arith.constant 0.000000e+00 : f32
    %max3A_45 = vector.broadcast %max3A_44 : f32 to vector<1000x128xf32>
    %max3A_46 = arith.maximumf %add3A_43, %max3A_45 : vector<1000x128xf32>
    %get3A_47 = arith.constant 3 : index
    %get3A_48 = arith.constant 0 : index
    %get3A_49 = arith.constant 0 : index
    %get3A_50 = vector.load %arg2[%get3A_47, %get3A_48, %get3A_49] : memref<4x1000x128xf32, #tpu.memory_space<vmem>>, vector<1x1000x128xf32>
    %get3A_51 = vector.shape_cast %get3A_50 : vector<1x1000x128xf32> to vector<1000x128xf32>
    %mul3A_52 = arith.mulf %get3A_51, %get3A_1 : vector<1000x128xf32>
    %get3A_53 = arith.constant 3 : index
    %get3A_54 = arith.constant 0 : index
    %get3A_55 = arith.constant 0 : index
    %get3A_56 = vector.load %arg4[%get3A_53, %get3A_54, %get3A_55] : memref<4x1x128xf32, #tpu.memory_space<vmem>>, vector<1x1x128xf32>
    %get3A_57 = vector.shape_cast %get3A_56 : vector<1x1x128xf32> to vector<1x128xf32>
    %add3A_58 = vector.broadcast %get3A_57 : vector<1x128xf32> to vector<1000x128xf32>
    %add3A_59 = arith.addf %mul3A_52, %add3A_58 : vector<1000x128xf32>
    %max3A_60 = arith.constant 0.000000e+00 : f32
    %max3A_61 = vector.broadcast %max3A_60 : f32 to vector<1000x128xf32>
    %max3A_62 = arith.maximumf %add3A_59, %max3A_61 : vector<1000x128xf32>
    %concatenate3A = tpu.concatenate %max3A_14, %max3A_30, %max3A_46, %max3A_62 in 1 : vector<1000x128xf32>, vector<1000x128xf32>, vector<1000x128xf32>, vector<1000x128xf32> -> vector<1000x512xf32>
    %swap3A = arith.constant 0 : index
    %swap3A_63 = arith.constant 0 : index
    %swap3A_64 = vector.load %arg6[%swap3A, %swap3A_63] : memref<1000x512xf32, #tpu.memory_space<vmem>>, vector<1000x512xf32>
    tpu.vector_store %arg6[%swap3A, %swap3A_63], %concatenate3A {strides = array<i32>} : memref<1000x512xf32, #tpu.memory_space<vmem>>, vector<1000x512xf32>,
    %get3A_65 = arith.constant 0 : index
    %get3A_66 = arith.constant 0 : index
    %get3A_67 = vector.load %arg5[%get3A_65, %get3A_66] : memref<512x128xf32, #tpu.memory_space<vmem>>, vector<512x128xf32>
    %dot_general3A = arith.constant dense<0.000000e+00> : vector<1000x128xf32>
    %dot_general3A_68 = tpu.matmul %concatenate3A, %get3A_67, %dot_general3A {dimension_numbers = #tpu.dot_dimension_numbers<[1], [0], [0], [1], [0, 0, 1, 1], [], []>, transpose_lhs_hint = false} : vector<1000x512xf32>, vector<512x128xf32>, vector<1000x128xf32> -> vector<1000x128xf32>
    %mul3A_69 = arith.mulf %dot_general3A_68, %get3A_1 : vector<1000x128xf32>
    %swap3A_70 = arith.constant 0 : index
    %swap3A_71 = arith.constant 0 : index
    %swap3A_72 = vector.load %arg7[%swap3A_70, %swap3A_71] : memref<1000x128xf32, #tpu.memory_space<vmem>>, vector<1000x128xf32>
    tpu.vector_store %arg7[%swap3A_70, %swap3A_71], %mul3A_69 {strides = array<i32>} : memref<1000x128xf32, #tpu.memory_space<vmem>>, vector<1000x128xf32>,
    return
  }
  func.func @transform_0(%arg0: i32, %arg1: i32) -> (i32, i32, i32) {
    %c0_i32 = arith.constant 0 : i32
    %c0_i32_0 = arith.constant 0 : i32
    %c0_i32_1 = arith.constant 0 : i32
    return %c0_i32, %arg0, %c0_i32_0 : i32, i32, i32
  }
  func.func @transform_1(%arg0: i32, %arg1: i32) -> (i32, i32) {
    %c0_i32 = arith.constant 0 : i32
    %c0_i32_0 = arith.constant 0 : i32
    return %arg0, %c0_i32 : i32, i32
  }
  func.func @transform_2(%arg0: i32, %arg1: i32) -> (i32, i32, i32) {
    %c0_i32 = arith.constant 0 : i32
    %c0_i32_0 = arith.constant 0 : i32
    %c0_i32_1 = arith.constant 0 : i32
    %c0_i32_2 = arith.constant 0 : i32
    return %c0_i32, %c0_i32_0, %c0_i32_1 : i32, i32, i32
  }
  func.func @transform_3(%arg0: i32, %arg1: i32) -> (i32, i32) {
    %c0_i32 = arith.constant 0 : i32
    %c0_i32_0 = arith.constant 0 : i32
    return %c0_i32, %arg1 : i32, i32
  }
  func.func @transform_4(%arg0: i32, %arg1: i32) -> (i32, i32) {
    %c0_i32 = arith.constant 0 : i32
    %c0_i32_0 = arith.constant 0 : i32
    return %arg0, %c0_i32 : i32, i32
  }
  func.func @transform_5(%arg0: i32, %arg1: i32) -> (i32, i32) {
    %mul3A = arith.constant 10 : i32
    %mul3A_0 = arith.muli %arg1, %mul3A : i32
    %add3A = arith.addi %mul3A_0, %arg0 : i32
    %c0_i32 = arith.constant 0 : i32
    %c0_i32_1 = arith.constant 0 : i32
    return %add3A, %c0_i32 : i32, i32
  }
}

module attributes {stable_mosaic.version = 14 : i64} {
  func.func @body(%arg0: i32, %arg1: i32, %arg2: memref<1000x128xf32, #tpu.memory_space<vmem>>, %arg3: memref<1000x128xf32, #tpu.memory_space<vmem>>, %arg4: memref<1x1x128xf32, #tpu.memory_space<vmem>>, %arg5: memref<1000x128xf32, #tpu.memory_space<vmem>>) attributes {dimension_semantics = [#tpu.dimension_semantics<arbitrary>, #tpu.dimension_semantics<arbitrary>], iteration_bounds = array<i64: 10, 4>, scalar_prefetch = 0 : i64, scratch_operands = 0 : i64, tpu.core_type = #tpu.core_type<tc>, window_params = [{transform_indices = @transform_0, window_bounds = array<i64: 1000, 128>}, {transform_indices = @transform_1, window_bounds = array<i64: 1000, 128>}, {transform_indices = @transform_2, window_bounds = array<i64: 1, 1, 128>}, {transform_indices = @transform_3, window_bounds = array<i64: 1000, 128>}]} {
    %get3A = arith.constant 0 : index
    %get3A_0 = arith.constant 0 : index
    %get3A_1 = vector.load %arg2[%get3A, %get3A_0] : memref<1000x128xf32, #tpu.memory_space<vmem>>, vector<1000x128xf32>
    %get3A_2 = arith.constant 0 : index
    %get3A_3 = arith.constant 0 : index
    %get3A_4 = vector.load %arg3[%get3A_2, %get3A_3] : memref<1000x128xf32, #tpu.memory_space<vmem>>, vector<1000x128xf32>
    %mul3A = arith.mulf %get3A_1, %get3A_4 : vector<1000x128xf32>
    %get3A_5 = arith.constant 0 : index
    %get3A_6 = arith.constant 0 : index
    %get3A_7 = arith.constant 0 : index
    %get3A_8 = vector.load %arg4[%get3A_5, %get3A_6, %get3A_7] : memref<1x1x128xf32, #tpu.memory_space<vmem>>, vector<1x1x128xf32>
    %get3A_9 = vector.shape_cast %get3A_8 : vector<1x1x128xf32> to vector<1x128xf32>
    %add3A = vector.broadcast %get3A_9 : vector<1x128xf32> to vector<1000x128xf32>
    %add3A_10 = arith.addf %mul3A, %add3A : vector<1000x128xf32>
    %max3A = arith.constant 0.000000e+00 : f32
    %max3A_11 = vector.broadcast %max3A : f32 to vector<1000x128xf32>
    %max3A_12 = arith.maximumf %add3A_10, %max3A_11 : vector<1000x128xf32>
    %swap3A = arith.constant 0 : index
    %swap3A_13 = arith.constant 0 : index
    %swap3A_14 = vector.load %arg5[%swap3A, %swap3A_13] : memref<1000x128xf32, #tpu.memory_space<vmem>>, vector<1000x128xf32>
    tpu.vector_store %arg5[%swap3A, %swap3A_13], %max3A_12 {strides = array<i32>} : memref<1000x128xf32, #tpu.memory_space<vmem>>, vector<1000x128xf32>,
    return
  }
  func.func @transform_0(%arg0: i32, %arg1: i32) -> (i32, i32) {
    %mul3A = arith.constant 10 : i32
    %mul3A_0 = arith.muli %arg1, %mul3A : i32
    %add3A = arith.addi %mul3A_0, %arg0 : i32
    %c0_i32 = arith.constant 0 : i32
    %c0_i32_1 = arith.constant 0 : i32
    return %add3A, %c0_i32 : i32, i32
  }
  func.func @transform_1(%arg0: i32, %arg1: i32) -> (i32, i32) {
    %c0_i32 = arith.constant 0 : i32
    %c0_i32_0 = arith.constant 0 : i32
    return %arg0, %c0_i32 : i32, i32
  }
  func.func @transform_2(%arg0: i32, %arg1: i32) -> (i32, i32, i32) {
    %c0_i32 = arith.constant 0 : i32
    %c0_i32_0 = arith.constant 0 : i32
    %c0_i32_1 = arith.constant 0 : i32
    return %arg1, %c0_i32, %c0_i32_0 : i32, i32, i32
  }
  func.func @transform_3(%arg0: i32, %arg1: i32) -> (i32, i32) {
    %c0_i32 = arith.constant 0 : i32
    return %arg0, %arg1 : i32, i32
  }
}

module attributes {stable_mosaic.version = 14 : i64} {
  func.func @body(%arg0: i32, %arg1: i32, %arg2: memref<1000x128xf32, #tpu.memory_space<vmem>>, %arg3: memref<1000x128xf32, #tpu.memory_space<vmem>>, %arg4: memref<1x1x128xf32, #tpu.memory_space<vmem>>, %arg5: memref<1000x128xf32, #tpu.memory_space<vmem>>) attributes {dimension_semantics = [#tpu.dimension_semantics<arbitrary>, #tpu.dimension_semantics<arbitrary>], iteration_bounds = array<i64: 10, 2>, scalar_prefetch = 0 : i64, scratch_operands = 0 : i64, tpu.core_type = #tpu.core_type<tc>, window_params = [{transform_indices = @transform_0, window_bounds = array<i64: 1000, 128>}, {transform_indices = @transform_1, window_bounds = array<i64: 1000, 128>}, {transform_indices = @transform_2, window_bounds = array<i64: 1, 1, 128>}, {transform_indices = @transform_3, window_bounds = array<i64: 1000, 128>}]} {
    %get3A = arith.constant 0 : index
    %get3A_0 = arith.constant 0 : index
    %get3A_1 = vector.load %arg2[%get3A, %get3A_0] : memref<1000x128xf32, #tpu.memory_space<vmem>>, vector<1000x128xf32>
    %get3A_2 = arith.constant 0 : index
    %get3A_3 = arith.constant 0 : index
    %get3A_4 = vector.load %arg3[%get3A_2, %get3A_3] : memref<1000x128xf32, #tpu.memory_space<vmem>>, vector<1000x128xf32>
    %mul3A = arith.mulf %get3A_1, %get3A_4 : vector<1000x128xf32>
    %get3A_5 = arith.constant 0 : index
    %get3A_6 = arith.constant 0 : index
    %get3A_7 = arith.constant 0 : index
    %get3A_8 = vector.load %arg4[%get3A_5, %get3A_6, %get3A_7] : memref<1x1x128xf32, #tpu.memory_space<vmem>>, vector<1x1x128xf32>
    %get3A_9 = vector.shape_cast %get3A_8 : vector<1x1x128xf32> to vector<1x128xf32>
    %add3A = vector.broadcast %get3A_9 : vector<1x128xf32> to vector<1000x128xf32>
    %add3A_10 = arith.addf %mul3A, %add3A : vector<1000x128xf32>
    %swap3A = arith.constant 0 : index
    %swap3A_11 = arith.constant 0 : index
    %swap3A_12 = vector.load %arg5[%swap3A, %swap3A_11] : memref<1000x128xf32, #tpu.memory_space<vmem>>, vector<1000x128xf32>
    tpu.vector_store %arg5[%swap3A, %swap3A_11], %add3A_10 {strides = array<i32>} : memref<1000x128xf32, #tpu.memory_space<vmem>>, vector<1000x128xf32>,
    return
  }
  func.func @transform_0(%arg0: i32, %arg1: i32) -> (i32, i32) {
    %mul3A = arith.constant 10 : i32
    %mul3A_0 = arith.muli %arg1, %mul3A : i32
    %add3A = arith.addi %mul3A_0, %arg0 : i32
    %c0_i32 = arith.constant 0 : i32
    %c0_i32_1 = arith.constant 0 : i32
    return %add3A, %c0_i32 : i32, i32
  }
  func.func @transform_1(%arg0: i32, %arg1: i32) -> (i32, i32) {
    %c0_i32 = arith.constant 0 : i32
    %c0_i32_0 = arith.constant 0 : i32
    return %arg0, %c0_i32 : i32, i32
  }
  func.func @transform_2(%arg0: i32, %arg1: i32) -> (i32, i32, i32) {
    %c0_i32 = arith.constant 0 : i32
    %c0_i32_0 = arith.constant 0 : i32
    %c0_i32_1 = arith.constant 0 : i32
    return %arg1, %c0_i32, %c0_i32_0 : i32, i32, i32
  }
  func.func @transform_3(%arg0: i32, %arg1: i32) -> (i32, i32) {
    %c0_i32 = arith.constant 0 : i32
    return %arg0, %arg1 : i32, i32
  }
}

</mosaic_0001>

<sc_bundles>
// kernel: kernel.10.cloned.1.call-start
scs
__scs_entry_jumppad:
0x0: {  	(pc) =	sbr.rel $0x88, $3  }
0x1: {  	(tag) =	ssettag $0x0;
	lr =	simm.s32 $0x1  }
0x2: {  	[smem:$0x3F9B] =	sst lr;
	_ =	strace $0xD0000000  }
0x3: {  	_ = 	snop  }
0x4: {  	_ = 	snop  }
0x5: {  	_ = 	snop  }
0x6: {  	_ = 	snop  }
0x7: {  	_ = 	snop  }
__scs_overlays_trampoline_lowered:
0x8: {  	[smem:$0x3FAA] =	sst s0  }
0x9: {  	[smem:$0x3FAB] =	sst s1  }
0xa: {  	[smem:$0x3FAC] =	sst s2  }
0xb: {  	[smem:$0x3FAD] =	sst s3  }
0xc: {  	[smem:$0x3FAE] =	sst s4  }
0xd: {  	[smem:$0x3FAF] =	sst s5  }
0xe: {  	[smem:$0x3FB0] =	sst s6  }
0xf: {  	[smem:$0x3FB1] =	sst s7  }
0x10: {  	[smem:$0x3FB2] =	sst s8  }
0x11: {  	[smem:$0x3FB3] =	sst s9;
	s0 =	simm.s32 @!p0 $0x0  }
0x12: {  	s1 =	sld [smem:$0x3F99];
	s0 =	simm.s32 @p0 $0x1  }
0x13: {  	[smem:$0x3FB4] =	sst s0;
	s0 =	simm.s32 @!p1 $0x0  }
0x14: {  	s2 =	sld [smem:$0x3F98];
	s0 =	simm.s32 @p1 $0x1  }
0x15: {  	[smem:$0x3FB5] =	sst s0;
	s0 =	simm.s32 @!p2 $0x0  }
0x16: {  	s3 =	sld [smem:$0x3FDB];
	s0 =	simm.s32 @p2 $0x1  }
0x17: {  	s4 =	simm.s32 $0x1BF5;
	[smem:$0x3FB7] =	sst s0  }
0x18: {  	s0 =	sld [smem:$0x3F9A];
	_ =	swait.ge [sflag:s4], $0x0  }
0x19: {  	s7 =	sld [smem:$0x3F9B]  }
0x1a: {  	s8 =	sadd.s32 $0xFFFFE003, lr  }
0x1b: {  	s9 =	sadd.s32 $0xFFFFFEF7, lr;
	s5 =	simm.s32 $0xFFFFFFFF;
	p2 =	slt.u32 s8, $0xFFFFF086  }
0x1c: {  	p1 =	slt.u32 s9, $0xF7A;
	s5 =	simm.s32 @!p2 $0x0  }
0x1d: {  	s5 =	simm.s32 @p1 $0x1;
	p0 =	seq.s32 s7, s2  }
0x1e: {  	s7 =	smul.u32 @!p0 $0xF7A, s2;
	p2 =	seq.s32 @!p0 s5, $0x0  }
0x1f: {  	s9 =	smul.u32 $0xF7A, s1;
	s8 =	simm.s32 @!p0 $0x1BF5;
	p2 =	por !p2, p0  }
0x20: {  	[sflag:s8] =	ssyncset.s32 @!p0 $0xFFFFF086;
	s6 =	sadd.s32 @!p0 s3, s7;
	s7 =	simm.s32 @!p0 $0x108  }
0x21: {  	s3 =	sadd.s32 s3, s9;
	s6 =	sadd.s32 @!p0 $0x88, s6;
	s7 =	simm.s32 @p2 $0x1082  }
0x22: {  	[simem:s7], [sflag:s8] =	dma.local @!p0 [hbm:s6], $0xF7A  }
0x23: {  	s9 =	sor.u32 $0xD0000000, s2;
	s6 =	simm.s32 $0x108;
	_ =	swait.ge @!p0 [sflag:s8], $0x0  }
0x24: {  	s3 =	sadd.s32 $0x88, s3;
	s6 =	simm.s32 @!p1 $0x1082;
	[sflag:s4] =	ssyncset.s32 $0xFFFFF086  }
0x25: {  	[simem:s6], [sflag:s4] =	dma.local [hbm:s3], $0xF7A  }
0x26: {  	[smem:$0x3F9B] =	sst s1;
	(tag) =	ssettag s2;
	_ =	strace s9  }
0x27: {  	s1 =	sld [smem:$0x3FAB]  }
0x28: {  	s2 =	sld [smem:$0x3FAC]  }
0x29: {  	s4 =	sld [smem:$0x3FAE]  }
0x2a: {  	p0 =	seq.s32 s5, $0x0;
	s5 =	sld [smem:$0x3FAF]  }
0x2b: {  	s6 =	sld [smem:$0x3FB0]  }
0x2c: {  	s7 =	sld [smem:$0x3FB1]  }
0x2d: {  	s3 =	simm.s32 $0x108;
	s8 =	sld [smem:$0x3FB2]  }
0x2e: {  	s3 =	simm.s32 @!p0 $0x1082;
	s9 =	sld [smem:$0x3FB3]  }
0x2f: {  	lr =	sadd.s32 s0, s3;
	s0 =	sld [smem:$0x3FAA]  }
0x30: {  	s3 =	sld [smem:$0x3FAD]  }
0x31: {  	[smem:$0x3FB6] =	sst s10  }
0x32: {  	s10 =	sld [smem:$0x3FB4];
	_ =	sdelay $0x3  }
0x33: {  	p0 =	seq.s32 s10, $0x1;
	s10 =	sld [smem:$0x3FB6];
	_ =	sdelay $0x3  }
0x34: {  	[smem:$0x3FB6] =	sst s10  }
0x35: {  	s10 =	sld [smem:$0x3FB5];
	_ =	sdelay $0x3  }
0x36: {  	p1 =	seq.s32 s10, $0x1;
	s10 =	sld [smem:$0x3FB6];
	_ =	sdelay $0x3  }
0x37: {  	[smem:$0x3FB6] =	sst s10  }
0x38: {  	s10 =	sld [smem:$0x3FB7]  }
0x39: {  	_ = 	snop;
	(pc) =	sbr.ind lr, $3  }
0x3a: {  	_ = 	snop  }
0x3b: {  	_ = 	snop  }
0x3c: {  	p2 =	seq.s32 s10, $0x1;
	s10 =	sld [smem:$0x3FB6]  }
0x3d: {  	_ =	shalt  }
0x3e: {  	_ =	shalt  }
0x3f: {  	_ =	shalt  }
0x40: {  	_ =	shalt  }
0x41: {  	_ =	shalt  }
0x42: {  	_ =	shalt  }
0x43: {  	_ =	shalt  }
0x44: {  	_ =	shalt  }
0x45: {  	_ =	shalt  }
0x46: {  	_ =	shalt  }
0x47: {  	_ =	shalt  }
0x48: {  	_ =	shalt  }
0x49: {  	_ =	shalt  }
0x4a: {  	_ =	shalt  }
0x4b: {  	_ =	shalt  }
0x4c: {  	_ =	shalt  }
0x4d: {  	_ =	shalt  }
0x4e: {  	_ =	shalt  }
0x4f: {  	_ =	shalt  }
0x50: {  	_ =	shalt  }
0x51: {  	_ =	shalt  }
0x52: {  	_ =	shalt  }
0x53: {  	_ =	shalt  }
0x54: {  	_ =	shalt  }
0x55: {  	_ =	shalt  }
0x56: {  	_ =	shalt  }
0x57: {  	_ =	shalt  }
0x58: {  	_ =	shalt  }
0x59: {  	_ =	shalt  }
0x5a: {  	_ =	shalt  }
0x5b: {  	_ =	shalt  }
0x5c: {  	_ =	shalt  }
0x5d: {  	_ =	shalt  }
0x5e: {  	_ =	shalt  }
0x5f: {  	_ =	shalt  }
0x60: {  	_ =	shalt  }
0x61: {  	_ =	shalt  }
0x62: {  	_ =	shalt  }
0x63: {  	_ =	shalt  }
0x64: {  	_ =	shalt  }
0x65: {  	_ =	shalt  }
0x66: {  	_ =	shalt  }
0x67: {  	_ =	shalt  }
0x68: {  	_ =	shalt  }
0x69: {  	_ =	shalt  }
0x6a: {  	_ =	shalt  }
0x6b: {  	_ =	shalt  }
0x6c: {  	_ =	shalt  }
0x6d: {  	_ =	shalt  }
0x6e: {  	_ =	shalt  }
0x6f: {  	_ =	shalt  }
0x70: {  	_ =	shalt  }
0x71: {  	_ =	shalt  }
0x72: {  	_ =	shalt  }
0x73: {  	_ =	shalt  }
0x74: {  	_ =	shalt  }
0x75: {  	_ =	shalt  }
0x76: {  	_ =	shalt  }
0x77: {  	_ =	shalt  }
0x78: {  	_ =	shalt  }
0x79: {  	_ =	shalt  }
0x7a: {  	_ =	shalt  }
0x7b: {  	_ =	shalt  }
0x7c: {  	_ =	shalt  }
0x7d: {  	_ =	shalt  }
0x7e: {  	_ =	shalt  }
0x7f: {  	_ =	shalt  }
0x80: {  	_ =	shalt  }
0x81: {  	_ =	shalt  }
0x82: {  	_ =	shalt  }
0x83: {  	_ =	shalt  }
0x84: {  	_ =	shalt  }
0x85: {  	_ =	shalt  }
0x86: {  	_ =	shalt  }
0x87: {  	_ =	shalt  }
.Lfunc_end0:
.L_simem_size_0:
called_computation_lowered:
.L_overlay_start_0:
0x88: {  	s2 =	sld [smem:$0x3FD9]  }
0x89: {  	s3 =	sld [smem:$0x3FFE];
	_ =	sdelay $0x1  }
0x8a: {  	s1 =	srdreg.scid  }
0x8b: {  	s0 =	sand.u32 $0x1, s1  }
0x8c: {  	s14 =	sshll.u32 s0, $0xA;
	s2 =	sadd.s32 s3, s2  }
0x8d: {  	s2 =	sadd.s32 s2, s14  }
0x8e: {  	[smem:$0x3FC2] =	sst s2  }
0x8f: {  	_ = 	snop  }
0x90: {  	s2 =	sld [smem:$0x3FD0];
	_ =	sdelay $0x2  }
0x91: {  	s15 =	simm.s32 $0xA;
	s4 =	simm.s32 $0x10  }
0x92: {  	[smem:s4], [sflag:s15] =	dma.local [hbm:s2], $0x1  }
0x93: {  	_ =	swait.eq [sflag:s15], $0x1  }
0x94: {  	[sflag:s15] =	ssyncset.done $0x0  }
0x95: {  	s16 =	sld [smem:$0x11];
	[sflag:s15] =	ssyncadd.s32 $0xFFFFFFFF  }
0x96: {  	s17 =	sld [smem:$0x13];
	(tm) =	ssettm $0x1  }
0x97: {  	s18 =	sld [smem:$0x3FFB];
	_ =	sdelay $0x3  }
0x98: {  	_ =	strace s18  }
0x99: {  	s4 =	sld [smem:$0x3FFC];
	_ =	sdelay $0x3  }
0x9a: {  	_ =	strace s4  }
0x9b: {  	s4 =	sld [smem:$0x3FFD];
	_ =	sdelay $0x3  }
0x9c: {  	_ =	strace s4  }
0x9d: {  	_ =	strace $0x8FFFFFFF  }
0x9e: {  	s19 =	sld [smem:$0x3FDB];
	_ =	sdelay $0x1  }
0x9f: {  	s5 =	simm.s32 $_scs_section_size  }
0xa0: {  	s6 =	simm.s32 $_size__tile_overlayer_lowered;
	s7 =	simm.s32 $_tile_overlayer_lowered  }
0xa1: {  	s22 =	simm.s32 $0x1BFF;
	s21 =	sshll.u32 s7, $0x1;
	s4 =	sadd.s32 s5, s19  }
0xa2: {  	s8 =	simm.s32 $0x0;
	s20 =	sshll.u32 s6, $0x1;
	s6 =	sadd.s32 s21, s4  }
0xa3: {  	[timem:s8], [sflag:s22] =	dma.local [hbm:s6], s20  }
0xa4: {  	_ =	swait.ge [sflag:s22], s20  }
0xa5: {  	s5 =	ssub.s32 $0x0, s20;
	[sflag:s22] =	ssyncset.done $0x0  }
0xa6: {  	[sflag:s22] =	ssyncadd.s32 s5;
	_ =	sdelay $0x1  }
0xa7: {  	s23 =	simm.s32 $0x1B8B  }
0xa8: {  	_ =	swait.ge [sflag:s23], $0x1  }
0xa9: {  	[sflag:s23] =	ssyncset.done $0x0  }
0xaa: {  	s25 =	simm.s32 $0x1B8E;
	s24 =	sld [smem:$0x3FFE];
	[sflag:s23] =	ssyncadd.s32 $0xFFFFFFFF  }
0xab: {  	s26 =	simm.s32 $execute0_lowered;
	[smem:$0x3FD2] =	sst s25  }
0xac: {  	s6 =	sshll.u32 s26, $0x1;
	_ =	strace $0x80000046;
	[dreg:$0x1] =	wrdreg $0xFFFFFFFF  }
0xad: {  	s28 =	simm.s32 $_size_execute0_lowered;
	s4 =	sadd.s32 s4, s6;
	[dreg:$0x0] =	wrdreg $0x0  }
0xae: {  	s6 =	sshll.u32 s28, $0x1;
	[dreg:$0x2] =	wrdreg s4  }
0xaf: {  	[dreg:$0x3] =	wrdreg s6  }
0xb0: {  	[dreg:$0x4] =	wrdreg $0xC0  }
0xb1: {  	_ =	task [dreg:s8], $0x5FFFF  }
0xb2: {  	[dreg:$0x1] =	wrdreg $0xFFFFFFFF  }
0xb3: {  	[dreg:$0x0] =	wrdreg $0x60  }
0xb4: {  	[dreg:$0x2] =	wrdreg s24  }
0xb5: {  	[dreg:$0x3] =	wrdreg s16  }
0xb6: {  	[dreg:$0x4] =	wrdreg s17  }
0xb7: {  	[dreg:$0x5] =	wrdreg $0x0  }
0xb8: {  	[dreg:$0x6] =	wrdreg $0x9  }
0xb9: {  	_ =	task.clear_ibuf [dreg:s8], $0x7FFFF;
	_ =	strace $0x90000046  }
0xba: {  	s29 =	simm.s32 $0x9;
	_ =	strace $0x80000048  }
0xbb: {  	_ =	swait.ge [sflag:s29], $0x1  }
0xbc: {  	[sflag:s29] =	ssyncadd.s32 $0xFFFFFFFF  }
0xbd: {  	_ =	strace $0x90000048  }
0xbe: {  	_ =	sfence  }
0xbf: {  	s30 =	sld [smem:$0x0];
	_ =	sdelay $0x2  }
0xc0: {  	s31 =	sshll.u32 s1, $0xD;
	s1 =	sshrl.u32 s1, $0x2  }
0xc1: {  	s3 =	sand.u32 $0x4000, s31;
	s1 =	sadd.s32 s1, s30  }
0xc2: {  	s0 =	sor.u32 s3, s0;
	s1 =	sshll.u32 s1, $0x11  }
0xc3: {  	s0 =	sor.u32 s1, s0  }
0xc4: {  	s0 =	sadd.s32 $0x8F2B, s0  }
0xc5: {  	[sflag:s0] =	ssyncadd.remote.s32 $0x1  }
0xc6: {  	_ =	sfence.sel $0xFFFF  }
0xc7: {  	[dreg:$0x0] =	wrdreg $0xFFFFFFFF;
	(pc) =	sbr.abs _section_cstart, $3  }
0xc8: {  	[dreg:$0x1] =	wrdreg $0xFFFFFFFF  }
0xc9: {  	_ =	task.clear_ibuf [dreg:s8], $0x2FFFF;
	_ =	strace $0x9FFFFFFF  }
0xca: {  	(tm) =	ssettm $0x7FFFFFFF  }
0xcb: {  	_ =	shalt  }
tec
execute0_lowered:
.L_overlay_start_1:
0x0: {  	(tag) =	ssettag $0x1  }
0x1: {  	s3 =	rddreg [dreg:$0x0]  }
0x2: {  	s5 =	rddreg [dreg:$0x1]  }
0x3: {  	s7 =	rddreg [dreg:$0x2]  }
0x4: {  	s1 =	rddreg [dreg:$0x3]  }
0x5: {  	s0 =	rddreg [dreg:$0x4]  }
0x6: {  	s2 =	simm.s32 $0x0;
	s10 =	sadd.s32 $0x2200, s3;
	s3 =	stileid.u32  }
0x7: {  	s4 =	srdreg.scid;
	s18 =	simm.s32 $0x13900;
	s26 =	smul.u32 $0x50000, s3  }
0x8: {  	s19 =	simm.s32 $0x28;
	s6 =	sand.u32 $0x1, s4;
	s11 =	smul.u32 $0x2800, s3  }
0x9: {  	[smem:$0x7FF] =	sst s2;
	s14 =	sadd.s32 $0x12C000, s1;
	s28 =	smul.u32 $0x27100, s6  }
0xa: {  	s20 =	simm.s32 $0x0;
	_ =	strace $0x80000047;
	s15 =	smul.u32 $0x138800, s6  }
0xb: {  	s8 =	sshll.u32 s3, $0x1;
	s9 =	ssub.s32 $0x2, s6;
	s16 =	smul.u32 $0x2710, s3  }
0xc: {  	s17 =	smul.u32 $0x1388, s6;
	p0 =	seq.s32 s3, $0xF;
	s8 =	sor.u32 s6, s8  }
0xd: {  	s12 =	sshrl.u32 s9, $0x1;
	s4 =	sshrl.u32 s26, $0x2;
	s8 =	smul.u32 $0x1388, s8  }
0xe: {  	s9 =	ssub.s32 s9, s12;
	s15 =	sshrl.u32 s15, $0x3;
	s29 =	sadd.s32 s11, s28  }
0xf: {  	s31 =	sadd.s32 s17, s16;
	s12 =	sshll.u32 @!p0 s3, $0x6;
	s16 =	simm.s32 $0x50  }
0x10: {  	s17 =	simm.s32 $0x13980;
	s13 =	sadd.s32 s4, s1;
	s4 =	sadd.s32 s5, s11  }
0x11: {  	s5 =	sadd.s32 $0x25800, s5;
	s30 =	sadd.s32 s7, s15;
	s7 =	sadd.s32 s7, s29  }
0x12: {  	s9 =	smax.u32 s9, $0x1;
	s11 =	sshrl.u32 s31, $0x3;
	s12 =	sor.u32 @!p0 $0x1C01, s12  }
0x13: {  	s15 =	simm.s32 $0x1;
	s8 =	sshrl.u32 s8, $0x3;
	s13 =	sshrl.u32 @!p0 s13, $0x3  }
0x14: {  	s8 =	sadd.s32 s10, s8;
	s10 =	sadd.s32 s11, s10;
	s11 =	sshrl.u32 @p0 s14, $0x3  }
0x15: {  	v0 =	vimm.f32 $1.000000000e+00;
	s14 =	simm.s32 $0x13880;
	s6 =	sadd.s32 $0x26C, s8;
	s8 =	sadd.s32 $0x25800, s30  }
.LBB2_1:
0x16: {  	s21 =	simm.s32 $0x0;
	s22 =	simm.s32 $0x200  }
.LBB2_2:
0x17: {  	p1 =	sne.s32 s22, $0x9E00;
	[tilespmem:s21+$0x139F0] =	vst v0  }
0x18: {  	[tilespmem:s21+$0x13980] =	vst v0  }
0x19: {  	[tilespmem:s21+$0x13990] =	vst v0  }
.Ltmp0:
0x1a: {  	[tilespmem:s21+$0x139A0] =	vst v0;
	(pc) =	sbr.rel @p1 .LBB2_2-.Ltmp0, $4  }
0x1b: {  	[tilespmem:s21+$0x139B0] =	vst v0  }
0x1c: {  	[tilespmem:s21+$0x139C0] =	vst v0  }
0x1d: {  	[tilespmem:s21+$0x139D0] =	vst v0  }
0x1e: {  	[tilespmem:s21+$0x139E0] =	vst v0;
	s21 =	sshra.s32 s22, $0x2;
	s22 =	sadd.s32 $0x200, s22  }
0x1f: {  	[tilespmem:s21+$0x139F0] =	vst v0  }
0x20: {  	[tilespmem:s21+$0x13980] =	vst v0  }
0x21: {  	[tilespmem:s21+$0x13990] =	vst v0  }
0x22: {  	[tilespmem:s21+$0x139A0] =	vst v0  }
0x23: {  	[tilespmem:s21+$0x139B0] =	vst v0  }
0x24: {  	[tilespmem:s21+$0x139C0] =	vst v0  }
0x25: {  	[tilespmem:s21+$0x139D0] =	vst v0  }
0x26: {  	[tilespmem:s21+$0x139E0] =	vst v0;
	s21 =	simm.s32 @p0 $0x1FC1  }
0x27: {  	[spmem:s11], [sflag:s21] =	dma.local @p0 [hbm:s5], $0x1900  }
0x28: {  	s21 =	simm.s32 @p0 $0x1  }
0x29: {  	_ =	swait.ge @p0 [sflag:s21], $0x1900  }
0x2a: {  	[sflag:s21] =	ssyncset.done @p0 $0x0  }
0x2b: {  	[sflag:s21] =	ssyncadd.s32 @p0 $0xFFFFE700;
	s21 =	simm.s32 @!p0 $0x1  }
0x2c: {  	[spmem:s13], [sflag:s12] =	dma.local @!p0 [hbm:s4], $0x2800  }
0x2d: {  	_ =	swait.ge @!p0 [sflag:s21], $0x2800  }
0x2e: {  	[sflag:s21] =	ssyncset.done @!p0 $0x0  }
0x2f: {  	[sflag:s21] =	ssyncadd.s32 @!p0 $0xFFFFD800  }
0x30: {  	s31 =	sadd.s32 $0x0, s10;
	[bflag:$0x0] =	sbarrier.arrive $0xFFFF  }
0x31: {  	[tilespmem:s14], [sflag:$0x1] =	stream.linear.gather [hbm4b:s31+s2], $0x50, $0x38;
	[tilespmem:$0x16180] =	vst v63  }
0x32: {  	_ =	swait.ge [sflag:s15], $0x50  }
0x33: {  	[sflag:s15] =	ssyncset.done $0x0  }
0x34: {  	[sflag:s15] =	ssyncadd.s32 $0xFFFFFFB0  }
0x35: {  	[spmem:s1] =	stream.indirect.scatter.add.f32 [tilespmem:s17], [sflag:$0x1], $0x80, s14, s16, $0xb8;
	[tilespmem:$0x16180] =	vst v63  }
0x36: {  	_ =	swait.ge [sflag:s15], $0x2800  }
0x37: {  	s22 =	simm.s32 $0x14;
	s21 =	simm.s32 $0xA;
	[sflag:s15] =	ssyncset.done $0x0  }
.LBB2_4:
0x38: {  	s23 =	sadd.s32 s21, s10  }
0x39: {  	[sflag:s15] =	ssyncadd.s32 $0xFFFFD800;
	s21 =	smov.u32 s22;
	s24 =	sadd.s32 $0xA, s22  }
0x3a: {  	[tilespmem:s14], [sflag:$0x1] =	stream.linear.gather [hbm4b:s23+s2], $0x50, $0x38;
	[tilespmem:$0x16180] =	vst v63  }
0x3b: {  	p1 =	sne.s32 s22, $0x262;
	_ =	swait.ge [sflag:s15], $0x50  }
.Ltmp1:
0x3c: {  	[sflag:s15] =	ssyncset.done $0x0;
	(pc) =	sbr.rel @p1 .LBB2_4-.Ltmp1, $4  }
0x3d: {  	[sflag:s15] =	ssyncadd.s32 $0xFFFFFFB0  }
0x3e: {  	[spmem:s1] =	stream.indirect.scatter.add.f32 [tilespmem:s17], [sflag:$0x1], $0x80, s14, s16, $0xb8;
	[tilespmem:$0x16180] =	vst v63  }
0x3f: {  	_ =	swait.ge [sflag:s15], $0x2800  }
0x40: {  	s22 =	smov.u32 s24;
	[sflag:s15] =	ssyncset.done $0x0  }
0x41: {  	s21 =	sadd.s32 s21, s10;
	[sflag:s15] =	ssyncadd.s32 $0xFFFFD800  }
0x42: {  	[tilespmem:s14], [sflag:$0x1] =	stream.linear.gather [hbm4b:s21+s2], $0x50, $0x38;
	[tilespmem:$0x16180] =	vst v63  }
0x43: {  	_ =	swait.ge [sflag:s15], $0x50  }
0x44: {  	[sflag:s15] =	ssyncset.done $0x0  }
0x45: {  	[sflag:s15] =	ssyncadd.s32 $0xFFFFFFB0  }
0x46: {  	[spmem:s1] =	stream.indirect.scatter.add.f32 [tilespmem:s17], [sflag:$0x1], $0x80, s14, s16, $0xb8;
	[tilespmem:$0x16180] =	vst v63  }
0x47: {  	_ =	swait.ge [sflag:s15], $0x2800  }
0x48: {  	[sflag:s15] =	ssyncset.done $0x0  }
0x49: {  	[sflag:s15] =	ssyncadd.s32 $0xFFFFD800  }
0x4a: {  	[tilespmem:s18], [sflag:$0x1] =	stream.linear.gather [hbm4b:s6+s2], $0x28, $0x38;
	[tilespmem:$0x16180] =	vst v63  }
0x4b: {  	_ =	swait.ge [sflag:s15], $0x28  }
0x4c: {  	[sflag:s15] =	ssyncset.done $0x0  }
0x4d: {  	[sflag:s15] =	ssyncadd.s32 $0xFFFFFFD8  }
0x4e: {  	[spmem:s1] =	stream.indirect.scatter.add.f32 [tilespmem:s17], [sflag:$0x1], $0x80, s18, s19, $0xb8;
	[tilespmem:$0x16180] =	vst v63  }
0x4f: {  	_ =	swait.ge [sflag:s15], $0x1400  }
0x50: {  	[sflag:s15] =	ssyncset.done $0x0  }
0x51: {  	[sflag:s15] =	ssyncadd.s32 $0xFFFFEC00  }
0x52: {  	s21 =	simm.s32 @p0 $0x1FC1;
	[bflag:$0x0] =	sbarrier.arrive $0xFFFF  }
0x53: {  	[hbm:s8], [sflag:s21] =	dma.local @p0 [spmem:s11], $0x1900  }
0x54: {  	s21 =	simm.s32 @p0 $0x1  }
0x55: {  	s20 =	sadd.s32 $0x1, s20;
	_ =	swait.ge @p0 [sflag:s21], $0x1900  }
0x56: {  	p1 =	sne.s32 s20, s9;
	[sflag:s21] =	ssyncset.done @p0 $0x0  }
.Ltmp2:
0x57: {  	[sflag:s21] =	ssyncadd.s32 @p0 $0xFFFFE700;
	s21 =	simm.s32 @!p0 $0x1;
	(pc) =	sbr.rel @p1 .LBB2_1-.Ltmp2, $4  }
0x58: {  	[hbm:s7], [sflag:s12] =	dma.local @!p0 [spmem:s13], $0x2800  }
0x59: {  	_ =	swait.ge @!p0 [sflag:s21], $0x2800  }
0x5a: {  	[sflag:s21] =	ssyncset.done @!p0 $0x0  }
0x5b: {  	[sflag:s21] =	ssyncadd.s32 @!p0 $0xFFFFD800  }
0x5c: {  	_ =	sfence.sel $0x180000  }
0x5d: {  	[bflag:$0x0] =	sbarrier.arrive $0xFFFF  }
0x5e: {  	p0 =	sne.s32 s3, $0x0;
	_ =	strace $0x90000047  }
0x5f: {  	s0 =	sadd.s32 @!p0 $0x100000, s0;
	[bflag:$0x2] =	sbarrier.arrive $0xFFFF  }
0x60: {  	[sflag:s0] =	ssyncadd.tile.s32 @!p0 $0x1;
	_ =	shalt  }
.Lfunc_end2:
_tile_overlayer_lowered:
.L_overlay_start_2:
0x61: {  	(tag) =	ssettag $0x2  }
0x62: {  	s0 =	rddreg [dreg:$0x0];
	s2 =	stileid.u32  }
0x63: {  	s1 =	rddreg [dreg:$0x1];
	p0 =	sne.s32 s2, $0x0  }
0x64: {  	s3 =	rddreg [dreg:$0x2];
	[bflag:$0x3] =	sbarrier.arrive $0xFFFF;
	s2 =	simm.s32 @!p0 $0x1C01  }
0x65: {  	[timem:s3], [sflag:s2] =	dma.local @!p0 [hbm:s0], s1  }
0x66: {  	s0 =	simm.s32 @!p0 $0x1  }
0x67: {  	_ =	swait.ge @!p0 [sflag:s0], s1  }
0x68: {  	s1 =	ssub.s32 @!p0 $0x0, s1;
	[sflag:s0] =	ssyncset.done @!p0 $0x0  }
0x69: {  	[sflag:s0] =	ssyncadd.s32 @!p0 s1  }
0x6a: {  	[bflag:$0x3] =	sbarrier.arrive $0xFFFF  }
0x6b: {  	_ =	shalt  }

// kernel: kernel.13.cloned.1.call-start
scs
__scs_entry_jumppad:
0x0: {  	(pc) =	sbr.rel $0x88, $3  }
0x1: {  	(tag) =	ssettag $0x0;
	lr =	simm.s32 $0x1  }
0x2: {  	[smem:$0x3F9B] =	sst lr;
	_ =	strace $0xD0000000  }
0x3: {  	_ = 	snop  }
0x4: {  	_ = 	snop  }
0x5: {  	_ = 	snop  }
0x6: {  	_ = 	snop  }
0x7: {  	_ = 	snop  }
__scs_overlays_trampoline_lowered:
0x8: {  	[smem:$0x3FAA] =	sst s0  }
0x9: {  	[smem:$0x3FAB] =	sst s1  }
0xa: {  	[smem:$0x3FAC] =	sst s2  }
0xb: {  	[smem:$0x3FAD] =	sst s3  }
0xc: {  	[smem:$0x3FAE] =	sst s4  }
0xd: {  	[smem:$0x3FAF] =	sst s5  }
0xe: {  	[smem:$0x3FB0] =	sst s6  }
0xf: {  	[smem:$0x3FB1] =	sst s7  }
0x10: {  	[smem:$0x3FB2] =	sst s8  }
0x11: {  	[smem:$0x3FB3] =	sst s9;
	s0 =	simm.s32 @!p0 $0x0  }
0x12: {  	s1 =	sld [smem:$0x3F99];
	s0 =	simm.s32 @p0 $0x1  }
0x13: {  	[smem:$0x3FB4] =	sst s0;
	s0 =	simm.s32 @!p1 $0x0  }
0x14: {  	s2 =	sld [smem:$0x3F98];
	s0 =	simm.s32 @p1 $0x1  }
0x15: {  	[smem:$0x3FB5] =	sst s0;
	s0 =	simm.s32 @!p2 $0x0  }
0x16: {  	s3 =	sld [smem:$0x3FDB];
	s0 =	simm.s32 @p2 $0x1  }
0x17: {  	s4 =	simm.s32 $0x1BF5;
	[smem:$0x3FB7] =	sst s0  }
0x18: {  	s0 =	sld [smem:$0x3F9A];
	_ =	swait.ge [sflag:s4], $0x0  }
0x19: {  	s7 =	sld [smem:$0x3F9B]  }
0x1a: {  	s8 =	sadd.s32 $0xFFFFE003, lr  }
0x1b: {  	s9 =	sadd.s32 $0xFFFFFEF7, lr;
	s5 =	simm.s32 $0xFFFFFFFF;
	p2 =	slt.u32 s8, $0xFFFFF086  }
0x1c: {  	p1 =	slt.u32 s9, $0xF7A;
	s5 =	simm.s32 @!p2 $0x0  }
0x1d: {  	s5 =	simm.s32 @p1 $0x1;
	p0 =	seq.s32 s7, s2  }
0x1e: {  	s7 =	smul.u32 @!p0 $0xF7A, s2;
	p2 =	seq.s32 @!p0 s5, $0x0  }
0x1f: {  	s9 =	smul.u32 $0xF7A, s1;
	s8 =	simm.s32 @!p0 $0x1BF5;
	p2 =	por !p2, p0  }
0x20: {  	[sflag:s8] =	ssyncset.s32 @!p0 $0xFFFFF086;
	s6 =	sadd.s32 @!p0 s3, s7;
	s7 =	simm.s32 @!p0 $0x108  }
0x21: {  	s3 =	sadd.s32 s3, s9;
	s6 =	sadd.s32 @!p0 $0x88, s6;
	s7 =	simm.s32 @p2 $0x1082  }
0x22: {  	[simem:s7], [sflag:s8] =	dma.local @!p0 [hbm:s6], $0xF7A  }
0x23: {  	s9 =	sor.u32 $0xD0000000, s2;
	s6 =	simm.s32 $0x108;
	_ =	swait.ge @!p0 [sflag:s8], $0x0  }
0x24: {  	s3 =	sadd.s32 $0x88, s3;
	s6 =	simm.s32 @!p1 $0x1082;
	[sflag:s4] =	ssyncset.s32 $0xFFFFF086  }
0x25: {  	[simem:s6], [sflag:s4] =	dma.local [hbm:s3], $0xF7A  }
0x26: {  	[smem:$0x3F9B] =	sst s1;
	(tag) =	ssettag s2;
	_ =	strace s9  }
0x27: {  	s1 =	sld [smem:$0x3FAB]  }
0x28: {  	s2 =	sld [smem:$0x3FAC]  }
0x29: {  	s4 =	sld [smem:$0x3FAE]  }
0x2a: {  	p0 =	seq.s32 s5, $0x0;
	s5 =	sld [smem:$0x3FAF]  }
0x2b: {  	s6 =	sld [smem:$0x3FB0]  }
0x2c: {  	s7 =	sld [smem:$0x3FB1]  }
0x2d: {  	s3 =	simm.s32 $0x108;
	s8 =	sld [smem:$0x3FB2]  }
0x2e: {  	s3 =	simm.s32 @!p0 $0x1082;
	s9 =	sld [smem:$0x3FB3]  }
0x2f: {  	lr =	sadd.s32 s0, s3;
	s0 =	sld [smem:$0x3FAA]  }
0x30: {  	s3 =	sld [smem:$0x3FAD]  }
0x31: {  	[smem:$0x3FB6] =	sst s10  }
0x32: {  	s10 =	sld [smem:$0x3FB4];
	_ =	sdelay $0x3  }
0x33: {  	p0 =	seq.s32 s10, $0x1;
	s10 =	sld [smem:$0x3FB6];
	_ =	sdelay $0x3  }
0x34: {  	[smem:$0x3FB6] =	sst s10  }
0x35: {  	s10 =	sld [smem:$0x3FB5];
	_ =	sdelay $0x3  }
0x36: {  	p1 =	seq.s32 s10, $0x1;
	s10 =	sld [smem:$0x3FB6];
	_ =	sdelay $0x3  }
0x37: {  	[smem:$0x3FB6] =	sst s10  }
0x38: {  	s10 =	sld [smem:$0x3FB7]  }
0x39: {  	_ = 	snop;
	(pc) =	sbr.ind lr, $3  }
0x3a: {  	_ = 	snop  }
0x3b: {  	_ = 	snop  }
0x3c: {  	p2 =	seq.s32 s10, $0x1;
	s10 =	sld [smem:$0x3FB6]  }
0x3d: {  	_ =	shalt  }
0x3e: {  	_ =	shalt  }
0x3f: {  	_ =	shalt  }
0x40: {  	_ =	shalt  }
0x41: {  	_ =	shalt  }
0x42: {  	_ =	shalt  }
0x43: {  	_ =	shalt  }
0x44: {  	_ =	shalt  }
0x45: {  	_ =	shalt  }
0x46: {  	_ =	shalt  }
0x47: {  	_ =	shalt  }
0x48: {  	_ =	shalt  }
0x49: {  	_ =	shalt  }
0x4a: {  	_ =	shalt  }
0x4b: {  	_ =	shalt  }
0x4c: {  	_ =	shalt  }
0x4d: {  	_ =	shalt  }
0x4e: {  	_ =	shalt  }
0x4f: {  	_ =	shalt  }
0x50: {  	_ =	shalt  }
0x51: {  	_ =	shalt  }
0x52: {  	_ =	shalt  }
0x53: {  	_ =	shalt  }
0x54: {  	_ =	shalt  }
0x55: {  	_ =	shalt  }
0x56: {  	_ =	shalt  }
0x57: {  	_ =	shalt  }
0x58: {  	_ =	shalt  }
0x59: {  	_ =	shalt  }
0x5a: {  	_ =	shalt  }
0x5b: {  	_ =	shalt  }
0x5c: {  	_ =	shalt  }
0x5d: {  	_ =	shalt  }
0x5e: {  	_ =	shalt  }
0x5f: {  	_ =	shalt  }
0x60: {  	_ =	shalt  }
0x61: {  	_ =	shalt  }
0x62: {  	_ =	shalt  }
0x63: {  	_ =	shalt  }
0x64: {  	_ =	shalt  }
0x65: {  	_ =	shalt  }
0x66: {  	_ =	shalt  }
0x67: {  	_ =	shalt  }
0x68: {  	_ =	shalt  }
0x69: {  	_ =	shalt  }
0x6a: {  	_ =	shalt  }
0x6b: {  	_ =	shalt  }
0x6c: {  	_ =	shalt  }
0x6d: {  	_ =	shalt  }
0x6e: {  	_ =	shalt  }
0x6f: {  	_ =	shalt  }
0x70: {  	_ =	shalt  }
0x71: {  	_ =	shalt  }
0x72: {  	_ =	shalt  }
0x73: {  	_ =	shalt  }
0x74: {  	_ =	shalt  }
0x75: {  	_ =	shalt  }
0x76: {  	_ =	shalt  }
0x77: {  	_ =	shalt  }
0x78: {  	_ =	shalt  }
0x79: {  	_ =	shalt  }
0x7a: {  	_ =	shalt  }
0x7b: {  	_ =	shalt  }
0x7c: {  	_ =	shalt  }
0x7d: {  	_ =	shalt  }
0x7e: {  	_ =	shalt  }
0x7f: {  	_ =	shalt  }
0x80: {  	_ =	shalt  }
0x81: {  	_ =	shalt  }
0x82: {  	_ =	shalt  }
0x83: {  	_ =	shalt  }
0x84: {  	_ =	shalt  }
0x85: {  	_ =	shalt  }
0x86: {  	_ =	shalt  }
0x87: {  	_ =	shalt  }
.Lfunc_end0:
.L_simem_size_0:
called_computation.1_lowered:
.L_overlay_start_0:
0x88: {  	s2 =	sld [smem:$0x3FD9]  }
0x89: {  	s3 =	sld [smem:$0x3FFE];
	_ =	sdelay $0x1  }
0x8a: {  	s1 =	srdreg.scid  }
0x8b: {  	s0 =	sand.u32 $0x1, s1  }
0x8c: {  	s14 =	sshll.u32 s0, $0xA;
	s2 =	sadd.s32 s3, s2  }
0x8d: {  	s2 =	sadd.s32 s2, s14  }
0x8e: {  	[smem:$0x3FC2] =	sst s2  }
0x8f: {  	_ = 	snop  }
0x90: {  	s2 =	sld [smem:$0x3FD0];
	_ =	sdelay $0x2  }
0x91: {  	s15 =	simm.s32 $0xA;
	s4 =	simm.s32 $0x10  }
0x92: {  	[smem:s4], [sflag:s15] =	dma.local [hbm:s2], $0x1  }
0x93: {  	_ =	swait.eq [sflag:s15], $0x1  }
0x94: {  	[sflag:s15] =	ssyncset.done $0x0  }
0x95: {  	s16 =	sld [smem:$0x10];
	[sflag:s15] =	ssyncadd.s32 $0xFFFFFFFF  }
0x96: {  	s17 =	sld [smem:$0x12];
	(tm) =	ssettm $0x1  }
0x97: {  	s18 =	sld [smem:$0x3FFB];
	_ =	sdelay $0x3  }
0x98: {  	_ =	strace s18  }
0x99: {  	s4 =	sld [smem:$0x3FFC];
	_ =	sdelay $0x3  }
0x9a: {  	_ =	strace s4  }
0x9b: {  	s4 =	sld [smem:$0x3FFD];
	_ =	sdelay $0x3  }
0x9c: {  	_ =	strace s4  }
0x9d: {  	_ =	strace $0x8FFFFFFF  }
0x9e: {  	s19 =	sld [smem:$0x3FDB];
	_ =	sdelay $0x1  }
0x9f: {  	s5 =	simm.s32 $_scs_section_size  }
0xa0: {  	s6 =	simm.s32 $_size__tile_overlayer_lowered;
	s7 =	simm.s32 $_tile_overlayer_lowered  }
0xa1: {  	s22 =	simm.s32 $0x1BFF;
	s21 =	sshll.u32 s7, $0x1;
	s4 =	sadd.s32 s5, s19  }
0xa2: {  	s8 =	simm.s32 $0x0;
	s20 =	sshll.u32 s6, $0x1;
	s6 =	sadd.s32 s21, s4  }
0xa3: {  	[timem:s8], [sflag:s22] =	dma.local [hbm:s6], s20  }
0xa4: {  	_ =	swait.ge [sflag:s22], s20  }
0xa5: {  	s5 =	ssub.s32 $0x0, s20;
	[sflag:s22] =	ssyncset.done $0x0  }
0xa6: {  	[sflag:s22] =	ssyncadd.s32 s5;
	_ =	sdelay $0x1  }
0xa7: {  	s23 =	simm.s32 $0x1B8B  }
0xa8: {  	_ =	swait.ge [sflag:s23], $0x1  }
0xa9: {  	[sflag:s23] =	ssyncset.done $0x0  }
0xaa: {  	s25 =	simm.s32 $0x1B8E;
	s24 =	sld [smem:$0x3FFE];
	[sflag:s23] =	ssyncadd.s32 $0xFFFFFFFF  }
0xab: {  	s26 =	simm.s32 $execute0_lowered;
	[smem:$0x3FD2] =	sst s25  }
0xac: {  	s6 =	sshll.u32 s26, $0x1;
	_ =	strace $0x80000049;
	[dreg:$0x1] =	wrdreg $0xFFFFFFFF  }
0xad: {  	s28 =	simm.s32 $_size_execute0_lowered;
	s4 =	sadd.s32 s4, s6;
	[dreg:$0x0] =	wrdreg $0x0  }
0xae: {  	s6 =	sshll.u32 s28, $0x1;
	[dreg:$0x2] =	wrdreg s4  }
0xaf: {  	[dreg:$0x3] =	wrdreg s6  }
0xb0: {  	[dreg:$0x4] =	wrdreg $0xC0  }
0xb1: {  	_ =	task [dreg:s8], $0x5FFFF  }
0xb2: {  	[dreg:$0x1] =	wrdreg $0xFFFFFFFF  }
0xb3: {  	[dreg:$0x0] =	wrdreg $0x60  }
0xb4: {  	[dreg:$0x2] =	wrdreg s17  }
0xb5: {  	[dreg:$0x3] =	wrdreg s16  }
0xb6: {  	[dreg:$0x4] =	wrdreg s24  }
0xb7: {  	[dreg:$0x5] =	wrdreg $0x0  }
0xb8: {  	[dreg:$0x6] =	wrdreg $0x9  }
0xb9: {  	_ =	task.clear_ibuf [dreg:s8], $0x7FFFF;
	_ =	strace $0x90000049  }
0xba: {  	s29 =	simm.s32 $0x9;
	_ =	strace $0x8000004B  }
0xbb: {  	_ =	swait.ge [sflag:s29], $0x1  }
0xbc: {  	[sflag:s29] =	ssyncadd.s32 $0xFFFFFFFF  }
0xbd: {  	_ =	strace $0x9000004B  }
0xbe: {  	_ =	sfence  }
0xbf: {  	s30 =	sld [smem:$0x0];
	_ =	sdelay $0x2  }
0xc0: {  	s31 =	sshll.u32 s1, $0xD;
	s1 =	sshrl.u32 s1, $0x2  }
0xc1: {  	s3 =	sand.u32 $0x4000, s31;
	s1 =	sadd.s32 s1, s30  }
0xc2: {  	s0 =	sor.u32 s3, s0;
	s1 =	sshll.u32 s1, $0x11  }
0xc3: {  	s0 =	sor.u32 s1, s0  }
0xc4: {  	s0 =	sadd.s32 $0x8F2B, s0  }
0xc5: {  	[sflag:s0] =	ssyncadd.remote.s32 $0x1  }
0xc6: {  	_ =	sfence.sel $0xFFFF  }
0xc7: {  	[dreg:$0x0] =	wrdreg $0xFFFFFFFF;
	(pc) =	sbr.abs _section_cstart, $3  }
0xc8: {  	[dreg:$0x1] =	wrdreg $0xFFFFFFFF  }
0xc9: {  	_ =	task.clear_ibuf [dreg:s8], $0x2FFFF;
	_ =	strace $0x9FFFFFFF  }
0xca: {  	(tm) =	ssettm $0x7FFFFFFF  }
0xcb: {  	_ =	shalt  }
tec
execute0_lowered:
.L_overlay_start_1:
0x0: {  	(tag) =	ssettag $0x1  }
0x1: {  	s1 =	rddreg [dreg:$0x0]  }
0x2: {  	s0 =	rddreg [dreg:$0x1]  }
0x3: {  	s3 =	rddreg [dreg:$0x2]  }
0x4: {  	s2 =	rddreg [dreg:$0x3];
	s4 =	simm.s32 $0x0;
	s5 =	srdreg.scid  }
0x5: {  	s16 =	stileid.u32;
	s28 =	simm.s32 $0x17880;
	s30 =	simm.s32 $0x1A200  }
0x6: {  	s31 =	simm.s32 $0x17900;
	[smem:$0x7FF] =	sst s4;
	s7 =	smul.u32 $0x50000, s16  }
0x7: {  	s5 =	sand.u32 $0x1, s5;
	s9 =	sadd.s32 $0x2200, s3;
	s11 =	smul.u32 $0x280, s16  }
0x8: {  	s3 =	sadd.s32 $0x7200, s3;
	s29 =	sshll.u32 s16, $0xB;
	s12 =	smul.u32 $0x2710, s16  }
0x9: {  	s13 =	sadd.s32 $0x12C000, s2;
	s20 =	smul.u32 $0x4E2, s16;
	p0 =	seq.s32 s16, $0xF  }
0xa: {  	s16 =	simm.s32 $0x5;
	s10 =	smul.u32 $0x2710, s5;
	_ =	strace $0x8000004A  }
0xb: {  	s6 =	ssub.s32 $0x2, s5;
	s5 =	smul.u32 $0x138800, s5;
	s0 =	sadd.s32 s0, s29  }
0xc: {  	[dreg:$0x8] =	wrdreg s13;
	s8 =	sshrl.u32 s6, $0x1;
	s7 =	sshrl.u32 s7, $0x2  }
0xd: {  	[dreg:$0x5] =	wrdreg s0;
	s26 =	sadd.s32 s20, s9;
	s6 =	ssub.s32 s6, s8  }
0xe: {  	s7 =	sadd.s32 s7, s2;
	s8 =	sadd.s32 s11, s10;
	s5 =	sshrl.u32 s5, $0x3  }
0xf: {  	s11 =	sshrl.u32 s12, $0x3;
	[dreg:$0x6] =	wrdreg s7;
	s0 =	sshll.u32 s8, $0x4  }
0x10: {  	s15 =	sadd.s32 $0x25800, s5;
	s8 =	sadd.s32 s9, s11;
	s29 =	smax.u32 s6, $0x1  }
0x11: {  	s5 =	sadd.s32 $0x73A00, s5;
	s12 =	sadd.s32 s1, s0;
	[dreg:$0x12] =	wrdreg s29  }
0x12: {  	s6 =	simm.s32 $0x17980;
	s14 =	sadd.s32 s1, s15;
	[dreg:$0x7] =	wrdreg s12  }
0x13: {  	s7 =	simm.s32 $0x2;
	s17 =	sadd.s32 $0x1E, s8;
	[dreg:$0x9] =	wrdreg s14  }
0x14: {  	s9 =	simm.s32 $0x4;
	s18 =	sadd.s32 $0x28, s8;
	[dreg:$0xa] =	wrdreg s17  }
0x15: {  	s22 =	sadd.s32 $0xA, s8;
	s19 =	sadd.s32 s3, s0;
	[dreg:$0xb] =	wrdreg s18  }
0x16: {  	s23 =	sadd.s32 $0x14, s8;
	s21 =	sadd.s32 s3, s15;
	[dreg:$0xc] =	wrdreg s19  }
0x17: {  	s0 =	sadd.s32 $0x4E200, s0;
	s25 =	sadd.s32 s1, s5;
	[dreg:$0xd] =	wrdreg s21  }
0x18: {  	s15 =	simm.s32 $0x3;
	s24 =	sadd.s32 s1, s0;
	[dreg:$0xf] =	wrdreg s25  }
0x19: {  	s0 =	sadd.s32 s3, s0;
	s3 =	sadd.s32 s3, s5;
	[dreg:$0xe] =	wrdreg s24  }
0x1a: {  	s25 =	simm.s32 $0x50;
	s5 =	simm.s32 $0x1CA00;
	[dreg:$0x10] =	wrdreg s0  }
0x1b: {  	s18 =	simm.s32 $0x6;
	s19 =	simm.s32 $0x0;
	[dreg:$0x11] =	wrdreg s3  }
0x1c: {  	v0 =	vmov s10;
	s24 =	sadd.s32 $0x46, s26;
	s26 =	simm.s32 $0x17A00;
	s0 =	simm.s32 $0x1  }
.LBB2_1:
0x1d: {  	s3 =	rddreg [dreg:$0x5];
	s10 =	simm.s32 $0x13880;
	s29 =	simm.s32 $0x7  }
0x1e: {  	[tilespmem:s10], [sflag:$0x7] =	stream.linear.gather [hbm4b:s3+s4], $0x3E80, $0x38;
	[tilespmem:$0x1F200] =	vst v63  }
0x1f: {  	_ =	swait.ge [sflag:s29], $0x3E80  }
0x20: {  	[sflag:s29] =	ssyncset.done $0x0  }
0x21: {  	s3 =	simm.s32 $0x0;
	[sflag:s29] =	ssyncadd.s32 $0xFFFFC180  }
0x22: {  	v4 =	vld [tilespmem:s3+$0x13880]  }
0x23: {  	v3 =	vld [tilespmem:s3+$0x13890]  }
0x24: {  	v2 =	vld [tilespmem:s3+$0x138A0]  }
0x25: {  	s10 =	simm.s32 $0x200;
	v1 =	vld [tilespmem:s3+$0x138B0]  }
.LBB2_2:
0x26: {  	p1 =	sne.s32 s10, $0xF800;
	v5 =	vld [tilespmem:s3+$0x138C0]  }
0x27: {  	v4 =	vadd.s32 v0, v4  }
.Ltmp0:
0x28: {  	s17 =	sshra.s32 s10, $0x2;
	[tilespmem:s3+$0x13880] =	vst v4;
	v3 =	vadd.s32 v0, v3;
	(pc) =	sbr.rel @p1 .LBB2_2-.Ltmp0, $4  }
0x29: {  	v4 =	vld [tilespmem:s17+$0x13880];
	[tilespmem:s3+$0x13890] =	vst v3;
	v2 =	vadd.s32 v0, v2  }
0x2a: {  	v3 =	vld [tilespmem:s17+$0x13890];
	[tilespmem:s3+$0x138A0] =	vst v2;
	v1 =	vadd.s32 v0, v1  }
0x2b: {  	v2 =	vld [tilespmem:s17+$0x138A0];
	[tilespmem:s3+$0x138B0] =	vst v1;
	v5 =	vadd.s32 v0, v5  }
0x2c: {  	s10 =	sadd.s32 $0x200, s10;
	v1 =	vld [tilespmem:s17+$0x138B0];
	[tilespmem:s3+$0x138C0] =	vst v5;
	s3 =	smov.u32 s17  }
0x2d: {  	v5 =	vld [tilespmem:s3+$0x138C0]  }
0x2e: {  	v4 =	vadd.s32 v0, v4  }
0x2f: {  	[tilespmem:s3+$0x13880] =	vst v4;
	v3 =	vadd.s32 v0, v3  }
0x30: {  	[tilespmem:s3+$0x13890] =	vst v3;
	v2 =	vadd.s32 v0, v2  }
0x31: {  	[tilespmem:s3+$0x138A0] =	vst v2;
	v1 =	vadd.s32 v0, v1  }
0x32: {  	[tilespmem:s3+$0x138B0] =	vst v1;
	v1 =	vadd.s32 v0, v5  }
0x33: {  	[tilespmem:s3+$0x138C0] =	vst v1;
	s3 =	rddreg [dreg:$0x8]  }
0x34: {  	s10 =	rddreg [dreg:$0x9];
	s20 =	sshrl.u32 @p0 s3, $0x3;
	s3 =	simm.s32 @p0 $0x1FC7  }
0x35: {  	[spmem:s20], [sflag:s3] =	dma.local @p0 [hbm:s10], $0x1900  }
0x36: {  	s3 =	simm.s32 @p0 $0x7  }
0x37: {  	_ =	swait.ge @p0 [sflag:s3], $0x1900  }
0x38: {  	s10 =	stileid.u32;
	[sflag:s3] =	ssyncset.done @p0 $0x0  }
0x39: {  	s10 =	sshll.u32 @!p0 s10, $0x6;
	[sflag:s3] =	ssyncadd.s32 @p0 $0xFFFFE700;
	s3 =	rddreg [dreg:$0x6]  }
0x3a: {  	s29 =	sor.u32 @!p0 $0x1C07, s10;
	s21 =	sshrl.u32 @!p0 s3, $0x3;
	s3 =	rddreg [dreg:$0x7]  }
0x3b: {  	[spmem:s21], [sflag:s29] =	dma.local @!p0 [hbm:s3], $0x2800  }
0x3c: {  	s3 =	simm.s32 @!p0 $0x7  }
0x3d: {  	_ =	swait.ge @!p0 [sflag:s3], $0x2800  }
0x3e: {  	[sflag:s3] =	ssyncset.done @!p0 $0x0  }
0x3f: {  	[sflag:s3] =	ssyncadd.s32 @!p0 $0xFFFFD800  }
0x40: {  	s14 =	simm.s32 $0x13880;
	[bflag:$0x0] =	sbarrier.arrive $0xFFFF  }
0x41: {  	[tilespmem:s26], [sflag:$0x1] =	stream.indirect.gather [hbm4b:s1+s25], $0x80, s14, s25, $0xb8;
	[tilespmem:$0x1F200] =	vst v63  }
0x42: {  	s3 =	simm.s32 $0x0  }
0x43: {  	[tilespmem:s28], [sflag:$0x1] =	stream.linear.gather [hbm4b:s8+s3], $0x50, $0x38;
	[tilespmem:$0x1F200] =	vst v63  }
0x44: {  	s17 =	simm.s32 $0x13900  }
0x45: {  	[tilespmem:s30], [sflag:$0x2] =	stream.indirect.gather [hbm4b:s1+s25], $0x80, s17, s25, $0xb8;
	[tilespmem:$0x1F200] =	vst v63  }
0x46: {  	_ = 	snop  }
0x47: {  	[tilespmem:s31], [sflag:$0x2] =	stream.linear.gather [hbm4b:s22+s3], $0x50, $0x38;
	[tilespmem:$0x1F200] =	vst v63  }
0x48: {  	_ =	swait.ge [sflag:s0], $0x2800  }
0x49: {  	[sflag:s0] =	ssyncset.done $0x0  }
0x4a: {  	[sflag:s0] =	ssyncadd.s32 $0xFFFFD800  }
0x4b: {  	_ =	swait.ge [sflag:s0], $0x50  }
0x4c: {  	[sflag:s0] =	ssyncset.done $0x0  }
0x4d: {  	[sflag:s0] =	ssyncadd.s32 $0xFFFFFFB0  }
0x4e: {  	[spmem:s2] =	stream.indirect.scatter.add.f32 [tilespmem:s26], [sflag:$0x4], $0x80, s28, s25, $0xb8;
	[tilespmem:$0x1F200] =	vst v63  }
0x4f: {  	s13 =	smov.u32 s22;
	s22 =	simm.s32 $0x13980  }
0x50: {  	[tilespmem:s5], [sflag:$0x3] =	stream.indirect.gather [hbm4b:s1+s25], $0x80, s22, s25, $0xb8;
	[tilespmem:$0x1F200] =	vst v63  }
0x51: {  	_ = 	snop  }
0x52: {  	[tilespmem:s6], [sflag:$0x3] =	stream.linear.gather [hbm4b:s23+s3], $0x50, $0x38;
	[tilespmem:$0x1F200] =	vst v63  }
0x53: {  	_ =	swait.ge [sflag:s7], $0x2800  }
0x54: {  	[sflag:s7] =	ssyncset.done $0x0  }
0x55: {  	[sflag:s7] =	ssyncadd.s32 $0xFFFFD800  }
0x56: {  	_ =	swait.ge [sflag:s7], $0x50  }
0x57: {  	[sflag:s7] =	ssyncset.done $0x0  }
0x58: {  	[sflag:s7] =	ssyncadd.s32 $0xFFFFFFB0  }
0x59: {  	[spmem:s2] =	stream.indirect.scatter.add.f32 [tilespmem:s30], [sflag:$0x5], $0x80, s31, s25, $0xb8;
	[tilespmem:$0x1F200] =	vst v63  }
0x5a: {  	_ =	swait.ge [sflag:s9], $0x2800  }
0x5b: {  	[sflag:s9] =	ssyncset.done $0x0  }
0x5c: {  	s14 =	smov.u32 s23;
	s23 =	simm.s32 $0x13A00;
	[sflag:s9] =	ssyncadd.s32 $0xFFFFD800  }
0x5d: {  	[tilespmem:s26], [sflag:$0x1] =	stream.indirect.gather [hbm4b:s1+s25], $0x80, s23, s25, $0xb8;
	[tilespmem:$0x1F200] =	vst v63  }
0x5e: {  	s11 =	rddreg [dreg:$0xa]  }
0x5f: {  	[tilespmem:s28], [sflag:$0x1] =	stream.linear.gather [hbm4b:s11+s3], $0x50, $0x38;
	[tilespmem:$0x1F200] =	vst v63  }
0x60: {  	_ =	swait.ge [sflag:s15], $0x2800  }
0x61: {  	[sflag:s15] =	ssyncset.done $0x0  }
0x62: {  	[sflag:s15] =	ssyncadd.s32 $0xFFFFD800  }
0x63: {  	_ =	swait.ge [sflag:s15], $0x50  }
0x64: {  	[sflag:s15] =	ssyncset.done $0x0  }
0x65: {  	[sflag:s15] =	ssyncadd.s32 $0xFFFFFFB0  }
0x66: {  	[spmem:s2] =	stream.indirect.scatter.add.f32 [tilespmem:s5], [sflag:$0x6], $0x80, s6, s25, $0xb8;
	[tilespmem:$0x1F200] =	vst v63  }
0x67: {  	_ =	swait.ge [sflag:s16], $0x2800  }
0x68: {  	[sflag:s16] =	ssyncset.done $0x0  }
0x69: {  	s12 =	simm.s32 $0x13A80;
	[sflag:s16] =	ssyncadd.s32 $0xFFFFD800  }
0x6a: {  	[tilespmem:s30], [sflag:$0x2] =	stream.indirect.gather [hbm4b:s1+s25], $0x80, s12, s25, $0xb8;
	[tilespmem:$0x1F200] =	vst v63  }
0x6b: {  	s17 =	rddreg [dreg:$0xb]  }
0x6c: {  	[tilespmem:s31], [sflag:$0x2] =	stream.linear.gather [hbm4b:s17+s3], $0x50, $0x38;
	[tilespmem:$0x1F200] =	vst v63  }
0x6d: {  	_ =	swait.ge [sflag:s0], $0x2800  }
0x6e: {  	[sflag:s0] =	ssyncset.done $0x0  }
0x6f: {  	[sflag:s0] =	ssyncadd.s32 $0xFFFFD800  }
0x70: {  	_ =	swait.ge [sflag:s0], $0x50  }
0x71: {  	[sflag:s0] =	ssyncset.done $0x0  }
0x72: {  	[sflag:s0] =	ssyncadd.s32 $0xFFFFFFB0  }
0x73: {  	[spmem:s2] =	stream.indirect.scatter.add.f32 [tilespmem:s26], [sflag:$0x4], $0x80, s28, s25, $0xb8;
	[tilespmem:$0x1F200] =	vst v63  }
0x74: {  	_ =	swait.ge [sflag:s18], $0x2800  }
0x75: {  	[sflag:s18] =	ssyncset.done $0x0  }
0x76: {  	s22 =	simm.s32 $0x13B00;
	[sflag:s18] =	ssyncadd.s32 $0xFFFFD800  }
0x77: {  	[tilespmem:s5], [sflag:$0x3] =	stream.indirect.gather [hbm4b:s1+s25], $0x80, s22, s25, $0xb8;
	[tilespmem:$0x1F200] =	vst v63  }
0x78: {  	s3 =	sadd.s32 $0xFFFFFFEC, s24  }
0x79: {  	[tilespmem:s6], [sflag:$0x3] =	stream.linear.gather [hbm4b:s3+s4], $0x50, $0x38;
	[tilespmem:$0x1F200] =	vst v63  }
0x7a: {  	_ =	swait.ge [sflag:s7], $0x2800  }
0x7b: {  	[sflag:s7] =	ssyncset.done $0x0  }
0x7c: {  	[sflag:s7] =	ssyncadd.s32 $0xFFFFD800  }
0x7d: {  	_ =	swait.ge [sflag:s7], $0x50  }
0x7e: {  	[sflag:s7] =	ssyncset.done $0x0  }
0x7f: {  	[sflag:s7] =	ssyncadd.s32 $0xFFFFFFB0  }
0x80: {  	[spmem:s2] =	stream.indirect.scatter.add.f32 [tilespmem:s30], [sflag:$0x5], $0x80, s31, s25, $0xb8;
	[tilespmem:$0x1F200] =	vst v63  }
0x81: {  	_ =	swait.ge [sflag:s9], $0x2800  }
0x82: {  	[sflag:s9] =	ssyncset.done $0x0  }
0x83: {  	s23 =	simm.s32 $0x13B80;
	[sflag:s9] =	ssyncadd.s32 $0xFFFFD800  }
0x84: {  	[tilespmem:s26], [sflag:$0x1] =	stream.indirect.gather [hbm4b:s1+s25], $0x80, s23, s25, $0xb8;
	[tilespmem:$0x1F200] =	vst v63  }
0x85: {  	s10 =	sadd.s32 $0xFFFFFFF6, s24  }
0x86: {  	[tilespmem:s28], [sflag:$0x1] =	stream.linear.gather [hbm4b:s10+s4], $0x50, $0x38;
	[tilespmem:$0x1F200] =	vst v63  }
0x87: {  	_ =	swait.ge [sflag:s15], $0x2800  }
0x88: {  	[sflag:s15] =	ssyncset.done $0x0  }
0x89: {  	[sflag:s15] =	ssyncadd.s32 $0xFFFFD800  }
0x8a: {  	_ =	swait.ge [sflag:s15], $0x50  }
0x8b: {  	[sflag:s15] =	ssyncset.done $0x0  }
0x8c: {  	[sflag:s15] =	ssyncadd.s32 $0xFFFFFFB0  }
0x8d: {  	[spmem:s2] =	stream.indirect.scatter.add.f32 [tilespmem:s5], [sflag:$0x6], $0x80, s6, s25, $0xb8;
	[tilespmem:$0x1F200] =	vst v63  }
0x8e: {  	_ =	swait.ge [sflag:s16], $0x2800  }
0x8f: {  	[sflag:s16] =	ssyncset.done $0x0  }
0x90: {  	s17 =	simm.s32 $0x13C00;
	[sflag:s16] =	ssyncadd.s32 $0xFFFFD800  }
0x91: {  	[tilespmem:s30], [sflag:$0x2] =	stream.indirect.gather [hbm4b:s1+s25], $0x80, s17, s25, $0xb8;
	[tilespmem:$0x1F200] =	vst v63  }
0x92: {  	s22 =	smov.u32 s24;
	s23 =	sadd.s32 $0x1E, s24;
	s17 =	simm.s32 $0x600  }
.LBB2_4:
0x93: {  	[tilespmem:s31], [sflag:$0x2] =	stream.linear.gather [hbm4b:s22+s4], $0x50, $0x38;
	[tilespmem:$0x1F200] =	vst v63  }
0x94: {  	s11 =	smov.u32 s17;
	s22 =	smov.u32 s23  }
0x95: {  	p1 =	sne.s32 s17, $0xEA00;
	s17 =	sadd.s32 $0x600, s17;
	_ =	swait.ge [sflag:s0], $0x2800  }
0x96: {  	[sflag:s0] =	ssyncset.done $0x0  }
0x97: {  	[sflag:s0] =	ssyncadd.s32 $0xFFFFD800  }
0x98: {  	_ =	swait.ge [sflag:s0], $0x50  }
0x99: {  	[sflag:s0] =	ssyncset.done $0x0  }
0x9a: {  	[sflag:s0] =	ssyncadd.s32 $0xFFFFFFB0  }
0x9b: {  	[spmem:s2] =	stream.indirect.scatter.add.f32 [tilespmem:s26], [sflag:$0x4], $0x80, s28, s25, $0xb8;
	[tilespmem:$0x1F200] =	vst v63  }
0x9c: {  	_ =	swait.ge [sflag:s18], $0x2800  }
0x9d: {  	s11 =	sshra.s32 s11, $0x2;
	[sflag:s18] =	ssyncset.done $0x0  }
0x9e: {  	s12 =	sadd.s32 $0x13B00, s11;
	[sflag:s18] =	ssyncadd.s32 $0xFFFFD800  }
0x9f: {  	[tilespmem:s5], [sflag:$0x3] =	stream.indirect.gather [hbm4b:s1+s25], $0x80, s12, s25, $0xb8;
	[tilespmem:$0x1F200] =	vst v63  }
0xa0: {  	s12 =	sadd.s32 $0xFFFFFFEC, s23  }
0xa1: {  	[tilespmem:s6], [sflag:$0x3] =	stream.linear.gather [hbm4b:s12+s4], $0x50, $0x38;
	[tilespmem:$0x1F200] =	vst v63  }
0xa2: {  	_ =	swait.ge [sflag:s7], $0x2800  }
0xa3: {  	[sflag:s7] =	ssyncset.done $0x0  }
0xa4: {  	[sflag:s7] =	ssyncadd.s32 $0xFFFFD800  }
0xa5: {  	_ =	swait.ge [sflag:s7], $0x50  }
0xa6: {  	[sflag:s7] =	ssyncset.done $0x0  }
0xa7: {  	[sflag:s7] =	ssyncadd.s32 $0xFFFFFFB0  }
0xa8: {  	[spmem:s2] =	stream.indirect.scatter.add.f32 [tilespmem:s30], [sflag:$0x5], $0x80, s31, s25, $0xb8;
	[tilespmem:$0x1F200] =	vst v63  }
0xa9: {  	_ =	swait.ge [sflag:s9], $0x2800  }
0xaa: {  	[sflag:s9] =	ssyncset.done $0x0  }
0xab: {  	s12 =	sadd.s32 $0x13B80, s11;
	[sflag:s9] =	ssyncadd.s32 $0xFFFFD800  }
0xac: {  	[tilespmem:s26], [sflag:$0x1] =	stream.indirect.gather [hbm4b:s1+s25], $0x80, s12, s25, $0xb8;
	[tilespmem:$0x1F200] =	vst v63  }
0xad: {  	s12 =	sadd.s32 $0xFFFFFFF6, s23  }
0xae: {  	[tilespmem:s28], [sflag:$0x1] =	stream.linear.gather [hbm4b:s12+s4], $0x50, $0x38;
	[tilespmem:$0x1F200] =	vst v63  }
0xaf: {  	_ =	swait.ge [sflag:s15], $0x2800  }
0xb0: {  	[sflag:s15] =	ssyncset.done $0x0  }
0xb1: {  	[sflag:s15] =	ssyncadd.s32 $0xFFFFD800  }
0xb2: {  	_ =	swait.ge [sflag:s15], $0x50  }
0xb3: {  	[sflag:s15] =	ssyncset.done $0x0  }
0xb4: {  	[sflag:s15] =	ssyncadd.s32 $0xFFFFFFB0  }
0xb5: {  	[spmem:s2] =	stream.indirect.scatter.add.f32 [tilespmem:s5], [sflag:$0x6], $0x80, s6, s25, $0xb8;
	[tilespmem:$0x1F200] =	vst v63  }
.Ltmp1:
0xb6: {  	_ =	swait.ge [sflag:s16], $0x2800;
	(pc) =	sbr.rel @p1 .LBB2_4-.Ltmp1, $4  }
0xb7: {  	[sflag:s16] =	ssyncset.done $0x0  }
0xb8: {  	s11 =	sadd.s32 $0x13C00, s11;
	[sflag:s16] =	ssyncadd.s32 $0xFFFFD800  }
0xb9: {  	[tilespmem:s30], [sflag:$0x2] =	stream.indirect.gather [hbm4b:s1+s25], $0x80, s11, s25, $0xb8;
	[tilespmem:$0x1F200] =	vst v63  }
0xba: {  	s23 =	sadd.s32 $0x1E, s23  }
0xbb: {  	[tilespmem:s31], [sflag:$0x2] =	stream.linear.gather [hbm4b:s22+s4], $0x50, $0x38;
	[tilespmem:$0x1F200] =	vst v63  }
0xbc: {  	_ =	swait.ge [sflag:s0], $0x2800  }
0xbd: {  	[sflag:s0] =	ssyncset.done $0x0  }
0xbe: {  	[sflag:s0] =	ssyncadd.s32 $0xFFFFD800  }
0xbf: {  	_ =	swait.ge [sflag:s0], $0x50  }
0xc0: {  	[sflag:s0] =	ssyncset.done $0x0  }
0xc1: {  	[sflag:s0] =	ssyncadd.s32 $0xFFFFFFB0  }
0xc2: {  	[spmem:s2] =	stream.indirect.scatter.add.f32 [tilespmem:s26], [sflag:$0x4], $0x80, s28, s25, $0xb8;
	[tilespmem:$0x1F200] =	vst v63  }
0xc3: {  	_ =	swait.ge [sflag:s18], $0x2800  }
0xc4: {  	[sflag:s18] =	ssyncset.done $0x0  }
0xc5: {  	[sflag:s18] =	ssyncadd.s32 $0xFFFFD800  }
0xc6: {  	_ =	swait.ge [sflag:s7], $0x2800  }
0xc7: {  	[sflag:s7] =	ssyncset.done $0x0  }
0xc8: {  	[sflag:s7] =	ssyncadd.s32 $0xFFFFD800  }
0xc9: {  	_ =	swait.ge [sflag:s7], $0x50  }
0xca: {  	[sflag:s7] =	ssyncset.done $0x0  }
0xcb: {  	[sflag:s7] =	ssyncadd.s32 $0xFFFFFFB0  }
0xcc: {  	[spmem:s2] =	stream.indirect.scatter.add.f32 [tilespmem:s30], [sflag:$0x5], $0x80, s31, s25, $0xb8;
	[tilespmem:$0x1F200] =	vst v63  }
0xcd: {  	_ =	swait.ge [sflag:s9], $0x2800  }
0xce: {  	[sflag:s9] =	ssyncset.done $0x0  }
0xcf: {  	[sflag:s9] =	ssyncadd.s32 $0xFFFFD800  }
0xd0: {  	_ =	swait.ge [sflag:s16], $0x2800  }
0xd1: {  	[sflag:s16] =	ssyncset.done $0x0  }
0xd2: {  	[sflag:s16] =	ssyncadd.s32 $0xFFFFD800  }
0xd3: {  	[bflag:$0x0] =	sbarrier.arrive $0xFFFF  }
0xd4: {  	s11 =	simm.s32 @p0 $0x1FC7;
	s12 =	rddreg [dreg:$0xd]  }
0xd5: {  	[hbm:s12], [sflag:s11] =	dma.local @p0 [spmem:s20], $0x1900  }
0xd6: {  	s11 =	simm.s32 @p0 $0x7  }
0xd7: {  	_ =	swait.ge @p0 [sflag:s11], $0x1900  }
0xd8: {  	[sflag:s11] =	ssyncset.done @p0 $0x0  }
0xd9: {  	[sflag:s11] =	ssyncadd.s32 @p0 $0xFFFFE700;
	s11 =	rddreg [dreg:$0xc]  }
0xda: {  	[hbm:s11], [sflag:s29] =	dma.local @!p0 [spmem:s21], $0x2800  }
0xdb: {  	s11 =	simm.s32 @!p0 $0x7  }
0xdc: {  	_ =	swait.ge @!p0 [sflag:s11], $0x2800  }
0xdd: {  	[sflag:s11] =	ssyncset.done @!p0 $0x0  }
0xde: {  	[sflag:s11] =	ssyncadd.s32 @!p0 $0xFFFFD800  }
0xdf: {  	s17 =	simm.s32 $0x0;
	[bflag:$0x0] =	sbarrier.arrive $0xFFFF  }
0xe0: {  	v4 =	vld [tilespmem:s17+$0x13880]  }
0xe1: {  	v3 =	vld [tilespmem:s17+$0x13890]  }
0xe2: {  	v2 =	vld [tilespmem:s17+$0x138A0]  }
0xe3: {  	s22 =	simm.s32 $0x200;
	v1 =	vld [tilespmem:s17+$0x138B0]  }
.LBB2_6:
0xe4: {  	p1 =	sne.s32 s22, $0xF800;
	v5 =	vld [tilespmem:s17+$0x138C0]  }
0xe5: {  	v4 =	vadd.s32 $0x4E20, v4  }
.Ltmp2:
0xe6: {  	s11 =	sshra.s32 s22, $0x2;
	[tilespmem:s17+$0x13880] =	vst v4;
	v3 =	vadd.s32 $0x4E20, v3;
	(pc) =	sbr.rel @p1 .LBB2_6-.Ltmp2, $4  }
0xe7: {  	v4 =	vld [tilespmem:s11+$0x13880];
	[tilespmem:s17+$0x13890] =	vst v3;
	v2 =	vadd.s32 $0x4E20, v2  }
0xe8: {  	v3 =	vld [tilespmem:s11+$0x13890];
	[tilespmem:s17+$0x138A0] =	vst v2;
	v1 =	vadd.s32 $0x4E20, v1  }
0xe9: {  	v2 =	vld [tilespmem:s11+$0x138A0];
	[tilespmem:s17+$0x138B0] =	vst v1;
	v5 =	vadd.s32 $0x4E20, v5  }
0xea: {  	s22 =	sadd.s32 $0x200, s22;
	v1 =	vld [tilespmem:s11+$0x138B0];
	[tilespmem:s17+$0x138C0] =	vst v5;
	s17 =	smov.u32 s11  }
0xeb: {  	v5 =	vld [tilespmem:s17+$0x138C0]  }
0xec: {  	v4 =	vadd.s32 $0x4E20, v4  }
0xed: {  	[tilespmem:s17+$0x13880] =	vst v4;
	v3 =	vadd.s32 $0x4E20, v3  }
0xee: {  	[tilespmem:s17+$0x13890] =	vst v3;
	v2 =	vadd.s32 $0x4E20, v2  }
0xef: {  	[tilespmem:s17+$0x138A0] =	vst v2;
	v1 =	vadd.s32 $0x4E20, v1  }
0xf0: {  	[tilespmem:s17+$0x138B0] =	vst v1;
	v1 =	vadd.s32 $0x4E20, v5  }
0xf1: {  	s11 =	simm.s32 @p0 $0x1FC7;
	s12 =	rddreg [dreg:$0xf];
	[tilespmem:s17+$0x138C0] =	vst v1  }
0xf2: {  	[spmem:s20], [sflag:s11] =	dma.local @p0 [hbm:s12], $0x1900  }
0xf3: {  	s11 =	simm.s32 @p0 $0x7  }
0xf4: {  	_ =	swait.ge @p0 [sflag:s11], $0x1900  }
0xf5: {  	[sflag:s11] =	ssyncset.done @p0 $0x0  }
0xf6: {  	[sflag:s11] =	ssyncadd.s32 @p0 $0xFFFFE700;
	s11 =	rddreg [dreg:$0xe]  }
0xf7: {  	[spmem:s21], [sflag:s29] =	dma.local @!p0 [hbm:s11], $0x2800  }
0xf8: {  	s11 =	simm.s32 @!p0 $0x7  }
0xf9: {  	_ =	swait.ge @!p0 [sflag:s11], $0x2800  }
0xfa: {  	[sflag:s11] =	ssyncset.done @!p0 $0x0  }
0xfb: {  	[sflag:s11] =	ssyncadd.s32 @!p0 $0xFFFFD800  }
0xfc: {  	s22 =	simm.s32 $0x13880;
	[bflag:$0x0] =	sbarrier.arrive $0xFFFF  }
0xfd: {  	[tilespmem:s26], [sflag:$0x1] =	stream.indirect.gather [hbm4b:s1+s25], $0x80, s22, s25, $0xb8;
	[tilespmem:$0x1F200] =	vst v63  }
0xfe: {  	s11 =	simm.s32 $0x0  }
0xff: {  	[tilespmem:s28], [sflag:$0x1] =	stream.linear.gather [hbm4b:s8+s11], $0x50, $0x38;
	[tilespmem:$0x1F200] =	vst v63  }
0x100: {  	s23 =	simm.s32 $0x13900  }
0x101: {  	[tilespmem:s30], [sflag:$0x2] =	stream.indirect.gather [hbm4b:s1+s25], $0x80, s23, s25, $0xb8;
	[tilespmem:$0x1F200] =	vst v63  }
0x102: {  	_ = 	snop  }
0x103: {  	[tilespmem:s31], [sflag:$0x2] =	stream.linear.gather [hbm4b:s13+s11], $0x50, $0x38;
	[tilespmem:$0x1F200] =	vst v63  }
0x104: {  	_ =	swait.ge [sflag:s0], $0x2800  }
0x105: {  	[sflag:s0] =	ssyncset.done $0x0  }
0x106: {  	[sflag:s0] =	ssyncadd.s32 $0xFFFFD800  }
0x107: {  	_ =	swait.ge [sflag:s0], $0x50  }
0x108: {  	[sflag:s0] =	ssyncset.done $0x0  }
0x109: {  	[sflag:s0] =	ssyncadd.s32 $0xFFFFFFB0  }
0x10a: {  	[spmem:s2] =	stream.indirect.scatter.add.f32 [tilespmem:s26], [sflag:$0x4], $0x80, s28, s25, $0xb8;
	[tilespmem:$0x1F200] =	vst v63  }
0x10b: {  	s22 =	smov.u32 s13;
	s13 =	simm.s32 $0x13980  }
0x10c: {  	[tilespmem:s5], [sflag:$0x3] =	stream.indirect.gather [hbm4b:s1+s25], $0x80, s13, s25, $0xb8;
	[tilespmem:$0x1F200] =	vst v63  }
0x10d: {  	_ = 	snop  }
0x10e: {  	[tilespmem:s6], [sflag:$0x3] =	stream.linear.gather [hbm4b:s14+s11], $0x50, $0x38;
	[tilespmem:$0x1F200] =	vst v63  }
0x10f: {  	_ =	swait.ge [sflag:s7], $0x2800  }
0x110: {  	[sflag:s7] =	ssyncset.done $0x0  }
0x111: {  	[sflag:s7] =	ssyncadd.s32 $0xFFFFD800  }
0x112: {  	_ =	swait.ge [sflag:s7], $0x50  }
0x113: {  	[sflag:s7] =	ssyncset.done $0x0  }
0x114: {  	[sflag:s7] =	ssyncadd.s32 $0xFFFFFFB0  }
0x115: {  	[spmem:s2] =	stream.indirect.scatter.add.f32 [tilespmem:s30], [sflag:$0x5], $0x80, s31, s25, $0xb8;
	[tilespmem:$0x1F200] =	vst v63  }
0x116: {  	_ =	swait.ge [sflag:s9], $0x2800  }
0x117: {  	[sflag:s9] =	ssyncset.done $0x0  }
0x118: {  	s17 =	simm.s32 $0x13A00;
	[sflag:s9] =	ssyncadd.s32 $0xFFFFD800  }
0x119: {  	[tilespmem:s26], [sflag:$0x1] =	stream.indirect.gather [hbm4b:s1+s25], $0x80, s17, s25, $0xb8;
	[tilespmem:$0x1F200] =	vst v63  }
0x11a: {  	s13 =	rddreg [dreg:$0xa]  }
0x11b: {  	[tilespmem:s28], [sflag:$0x1] =	stream.linear.gather [hbm4b:s13+s11], $0x50, $0x38;
	[tilespmem:$0x1F200] =	vst v63  }
0x11c: {  	_ =	swait.ge [sflag:s15], $0x2800  }
0x11d: {  	[sflag:s15] =	ssyncset.done $0x0  }
0x11e: {  	[sflag:s15] =	ssyncadd.s32 $0xFFFFD800  }
0x11f: {  	_ =	swait.ge [sflag:s15], $0x50  }
0x120: {  	[sflag:s15] =	ssyncset.done $0x0  }
0x121: {  	[sflag:s15] =	ssyncadd.s32 $0xFFFFFFB0  }
0x122: {  	[spmem:s2] =	stream.indirect.scatter.add.f32 [tilespmem:s5], [sflag:$0x6], $0x80, s6, s25, $0xb8;
	[tilespmem:$0x1F200] =	vst v63  }
0x123: {  	_ =	swait.ge [sflag:s16], $0x2800  }
0x124: {  	[sflag:s16] =	ssyncset.done $0x0  }
0x125: {  	s23 =	smov.u32 s14;
	s14 =	simm.s32 $0x13A80;
	[sflag:s16] =	ssyncadd.s32 $0xFFFFD800  }
0x126: {  	[tilespmem:s30], [sflag:$0x2] =	stream.indirect.gather [hbm4b:s1+s25], $0x80, s14, s25, $0xb8;
	[tilespmem:$0x1F200] =	vst v63  }
0x127: {  	s17 =	rddreg [dreg:$0xb]  }
0x128: {  	[tilespmem:s31], [sflag:$0x2] =	stream.linear.gather [hbm4b:s17+s11], $0x50, $0x38;
	[tilespmem:$0x1F200] =	vst v63  }
0x129: {  	_ =	swait.ge [sflag:s0], $0x2800  }
0x12a: {  	[sflag:s0] =	ssyncset.done $0x0  }
0x12b: {  	[sflag:s0] =	ssyncadd.s32 $0xFFFFD800  }
0x12c: {  	_ =	swait.ge [sflag:s0], $0x50  }
0x12d: {  	[sflag:s0] =	ssyncset.done $0x0  }
0x12e: {  	[sflag:s0] =	ssyncadd.s32 $0xFFFFFFB0  }
0x12f: {  	[spmem:s2] =	stream.indirect.scatter.add.f32 [tilespmem:s26], [sflag:$0x4], $0x80, s28, s25, $0xb8;
	[tilespmem:$0x1F200] =	vst v63  }
0x130: {  	_ =	swait.ge [sflag:s18], $0x2800  }
0x131: {  	[sflag:s18] =	ssyncset.done $0x0  }
0x132: {  	s13 =	simm.s32 $0x13B00;
	[sflag:s18] =	ssyncadd.s32 $0xFFFFD800  }
0x133: {  	[tilespmem:s5], [sflag:$0x3] =	stream.indirect.gather [hbm4b:s1+s25], $0x80, s13, s25, $0xb8;
	[tilespmem:$0x1F200] =	vst v63  }
0x134: {  	_ = 	snop  }
0x135: {  	[tilespmem:s6], [sflag:$0x3] =	stream.linear.gather [hbm4b:s3+s4], $0x50, $0x38;
	[tilespmem:$0x1F200] =	vst v63  }
0x136: {  	_ =	swait.ge [sflag:s7], $0x2800  }
0x137: {  	[sflag:s7] =	ssyncset.done $0x0  }
0x138: {  	[sflag:s7] =	ssyncadd.s32 $0xFFFFD800  }
0x139: {  	_ =	swait.ge [sflag:s7], $0x50  }
0x13a: {  	[sflag:s7] =	ssyncset.done $0x0  }
0x13b: {  	[sflag:s7] =	ssyncadd.s32 $0xFFFFFFB0  }
0x13c: {  	[spmem:s2] =	stream.indirect.scatter.add.f32 [tilespmem:s30], [sflag:$0x5], $0x80, s31, s25, $0xb8;
	[tilespmem:$0x1F200] =	vst v63  }
0x13d: {  	_ =	swait.ge [sflag:s9], $0x2800  }
0x13e: {  	[sflag:s9] =	ssyncset.done $0x0  }
0x13f: {  	s14 =	simm.s32 $0x13B80;
	[sflag:s9] =	ssyncadd.s32 $0xFFFFD800  }
0x140: {  	[tilespmem:s26], [sflag:$0x1] =	stream.indirect.gather [hbm4b:s1+s25], $0x80, s14, s25, $0xb8;
	[tilespmem:$0x1F200] =	vst v63  }
0x141: {  	_ = 	snop  }
0x142: {  	[tilespmem:s28], [sflag:$0x1] =	stream.linear.gather [hbm4b:s10+s4], $0x50, $0x38;
	[tilespmem:$0x1F200] =	vst v63  }
0x143: {  	_ =	swait.ge [sflag:s15], $0x2800  }
0x144: {  	[sflag:s15] =	ssyncset.done $0x0  }
0x145: {  	[sflag:s15] =	ssyncadd.s32 $0xFFFFD800  }
0x146: {  	_ =	swait.ge [sflag:s15], $0x50  }
0x147: {  	[sflag:s15] =	ssyncset.done $0x0  }
0x148: {  	[sflag:s15] =	ssyncadd.s32 $0xFFFFFFB0  }
0x149: {  	[spmem:s2] =	stream.indirect.scatter.add.f32 [tilespmem:s5], [sflag:$0x6], $0x80, s6, s25, $0xb8;
	[tilespmem:$0x1F200] =	vst v63  }
0x14a: {  	_ =	swait.ge [sflag:s16], $0x2800  }
0x14b: {  	[sflag:s16] =	ssyncset.done $0x0  }
0x14c: {  	s17 =	simm.s32 $0x13C00;
	[sflag:s16] =	ssyncadd.s32 $0xFFFFD800  }
0x14d: {  	[tilespmem:s30], [sflag:$0x2] =	stream.indirect.gather [hbm4b:s1+s25], $0x80, s17, s25, $0xb8;
	[tilespmem:$0x1F200] =	vst v63  }
0x14e: {  	s3 =	simm.s32 $0x600;
	s10 =	sadd.s32 $0x1E, s24;
	s17 =	smov.u32 s24  }
.LBB2_8:
0x14f: {  	[tilespmem:s31], [sflag:$0x2] =	stream.linear.gather [hbm4b:s17+s4], $0x50, $0x38;
	[tilespmem:$0x1F200] =	vst v63  }
0x150: {  	s11 =	smov.u32 s3;
	s17 =	smov.u32 s10  }
0x151: {  	p1 =	sne.s32 s3, $0xEA00;
	s3 =	sadd.s32 $0x600, s3;
	_ =	swait.ge [sflag:s0], $0x2800  }
0x152: {  	[sflag:s0] =	ssyncset.done $0x0  }
0x153: {  	[sflag:s0] =	ssyncadd.s32 $0xFFFFD800  }
0x154: {  	_ =	swait.ge [sflag:s0], $0x50  }
0x155: {  	[sflag:s0] =	ssyncset.done $0x0  }
0x156: {  	[sflag:s0] =	ssyncadd.s32 $0xFFFFFFB0  }
0x157: {  	[spmem:s2] =	stream.indirect.scatter.add.f32 [tilespmem:s26], [sflag:$0x4], $0x80, s28, s25, $0xb8;
	[tilespmem:$0x1F200] =	vst v63  }
0x158: {  	_ =	swait.ge [sflag:s18], $0x2800  }
0x159: {  	s11 =	sshra.s32 s11, $0x2;
	[sflag:s18] =	ssyncset.done $0x0  }
0x15a: {  	s12 =	sadd.s32 $0x13B00, s11;
	[sflag:s18] =	ssyncadd.s32 $0xFFFFD800  }
0x15b: {  	[tilespmem:s5], [sflag:$0x3] =	stream.indirect.gather [hbm4b:s1+s25], $0x80, s12, s25, $0xb8;
	[tilespmem:$0x1F200] =	vst v63  }
0x15c: {  	s12 =	sadd.s32 $0xFFFFFFEC, s10  }
0x15d: {  	[tilespmem:s6], [sflag:$0x3] =	stream.linear.gather [hbm4b:s12+s4], $0x50, $0x38;
	[tilespmem:$0x1F200] =	vst v63  }
0x15e: {  	_ =	swait.ge [sflag:s7], $0x2800  }
0x15f: {  	[sflag:s7] =	ssyncset.done $0x0  }
0x160: {  	[sflag:s7] =	ssyncadd.s32 $0xFFFFD800  }
0x161: {  	_ =	swait.ge [sflag:s7], $0x50  }
0x162: {  	[sflag:s7] =	ssyncset.done $0x0  }
0x163: {  	[sflag:s7] =	ssyncadd.s32 $0xFFFFFFB0  }
0x164: {  	[spmem:s2] =	stream.indirect.scatter.add.f32 [tilespmem:s30], [sflag:$0x5], $0x80, s31, s25, $0xb8;
	[tilespmem:$0x1F200] =	vst v63  }
0x165: {  	_ =	swait.ge [sflag:s9], $0x2800  }
0x166: {  	[sflag:s9] =	ssyncset.done $0x0  }
0x167: {  	s12 =	sadd.s32 $0x13B80, s11;
	[sflag:s9] =	ssyncadd.s32 $0xFFFFD800  }
0x168: {  	[tilespmem:s26], [sflag:$0x1] =	stream.indirect.gather [hbm4b:s1+s25], $0x80, s12, s25, $0xb8;
	[tilespmem:$0x1F200] =	vst v63  }
0x169: {  	s12 =	sadd.s32 $0xFFFFFFF6, s10  }
0x16a: {  	[tilespmem:s28], [sflag:$0x1] =	stream.linear.gather [hbm4b:s12+s4], $0x50, $0x38;
	[tilespmem:$0x1F200] =	vst v63  }
0x16b: {  	_ =	swait.ge [sflag:s15], $0x2800  }
0x16c: {  	[sflag:s15] =	ssyncset.done $0x0  }
0x16d: {  	[sflag:s15] =	ssyncadd.s32 $0xFFFFD800  }
0x16e: {  	_ =	swait.ge [sflag:s15], $0x50  }
0x16f: {  	[sflag:s15] =	ssyncset.done $0x0  }
0x170: {  	[sflag:s15] =	ssyncadd.s32 $0xFFFFFFB0  }
0x171: {  	[spmem:s2] =	stream.indirect.scatter.add.f32 [tilespmem:s5], [sflag:$0x6], $0x80, s6, s25, $0xb8;
	[tilespmem:$0x1F200] =	vst v63  }
.Ltmp3:
0x172: {  	_ =	swait.ge [sflag:s16], $0x2800;
	(pc) =	sbr.rel @p1 .LBB2_8-.Ltmp3, $4  }
0x173: {  	[sflag:s16] =	ssyncset.done $0x0  }
0x174: {  	s11 =	sadd.s32 $0x13C00, s11;
	[sflag:s16] =	ssyncadd.s32 $0xFFFFD800  }
0x175: {  	[tilespmem:s30], [sflag:$0x2] =	stream.indirect.gather [hbm4b:s1+s25], $0x80, s11, s25, $0xb8;
	[tilespmem:$0x1F200] =	vst v63  }
0x176: {  	s10 =	sadd.s32 $0x1E, s10  }
0x177: {  	[tilespmem:s31], [sflag:$0x2] =	stream.linear.gather [hbm4b:s17+s4], $0x50, $0x38;
	[tilespmem:$0x1F200] =	vst v63  }
0x178: {  	_ =	swait.ge [sflag:s0], $0x2800  }
0x179: {  	[sflag:s0] =	ssyncset.done $0x0  }
0x17a: {  	[sflag:s0] =	ssyncadd.s32 $0xFFFFD800  }
0x17b: {  	_ =	swait.ge [sflag:s0], $0x50  }
0x17c: {  	[sflag:s0] =	ssyncset.done $0x0  }
0x17d: {  	[sflag:s0] =	ssyncadd.s32 $0xFFFFFFB0  }
0x17e: {  	[spmem:s2] =	stream.indirect.scatter.add.f32 [tilespmem:s26], [sflag:$0x4], $0x80, s28, s25, $0xb8;
	[tilespmem:$0x1F200] =	vst v63  }
0x17f: {  	_ =	swait.ge [sflag:s18], $0x2800  }
0x180: {  	[sflag:s18] =	ssyncset.done $0x0  }
0x181: {  	[sflag:s18] =	ssyncadd.s32 $0xFFFFD800  }
0x182: {  	_ =	swait.ge [sflag:s7], $0x2800  }
0x183: {  	[sflag:s7] =	ssyncset.done $0x0  }
0x184: {  	[sflag:s7] =	ssyncadd.s32 $0xFFFFD800  }
0x185: {  	_ =	swait.ge [sflag:s7], $0x50  }
0x186: {  	[sflag:s7] =	ssyncset.done $0x0  }
0x187: {  	[sflag:s7] =	ssyncadd.s32 $0xFFFFFFB0  }
0x188: {  	[spmem:s2] =	stream.indirect.scatter.add.f32 [tilespmem:s30], [sflag:$0x5], $0x80, s31, s25, $0xb8;
	[tilespmem:$0x1F200] =	vst v63  }
0x189: {  	_ =	swait.ge [sflag:s9], $0x2800  }
0x18a: {  	[sflag:s9] =	ssyncset.done $0x0  }
0x18b: {  	[sflag:s9] =	ssyncadd.s32 $0xFFFFD800  }
0x18c: {  	_ =	swait.ge [sflag:s16], $0x2800  }
0x18d: {  	[sflag:s16] =	ssyncset.done $0x0  }
0x18e: {  	[sflag:s16] =	ssyncadd.s32 $0xFFFFD800  }
0x18f: {  	[bflag:$0x0] =	sbarrier.arrive $0xFFFF  }
0x190: {  	s3 =	simm.s32 @p0 $0x1FC7;
	s10 =	rddreg [dreg:$0x11]  }
0x191: {  	[hbm:s10], [sflag:s3] =	dma.local @p0 [spmem:s20], $0x1900  }
0x192: {  	s3 =	simm.s32 @p0 $0x7  }
0x193: {  	_ =	swait.ge @p0 [sflag:s3], $0x1900  }
0x194: {  	[sflag:s3] =	ssyncset.done @p0 $0x0  }
0x195: {  	[sflag:s3] =	ssyncadd.s32 @p0 $0xFFFFE700;
	s3 =	rddreg [dreg:$0x10]  }
0x196: {  	[hbm:s3], [sflag:s29] =	dma.local @!p0 [spmem:s21], $0x2800  }
0x197: {  	s3 =	simm.s32 @!p0 $0x7  }
0x198: {  	_ =	swait.ge @!p0 [sflag:s3], $0x2800  }
0x199: {  	s19 =	sadd.s32 $0x1, s19;
	s29 =	rddreg [dreg:$0x12]  }
0x19a: {  	p1 =	sne.s32 s19, s29  }
.Ltmp4:
0x19b: {  	_ = 	snop;
	(pc) =	sbr.rel @p1 .LBB2_1-.Ltmp4, $3  }
0x19c: {  	_ =	sdelay $0x1  }
0x19d: {  	[sflag:s3] =	ssyncset.done @!p0 $0x0  }
0x19e: {  	[sflag:s3] =	ssyncadd.s32 @!p0 $0xFFFFD800  }
0x19f: {  	_ =	sfence.sel $0x180000  }
0x1a0: {  	[bflag:$0x0] =	sbarrier.arrive $0xFFFF  }
0x1a1: {  	_ =	strace $0x9000004A  }
0x1a2: {  	s0 =	stileid.u32;
	[bflag:$0x2] =	sbarrier.arrive $0xFFFF  }
0x1a3: {  	p0 =	sne.s32 s0, $0x0;
	s0 =	rddreg [dreg:$0x4]  }
0x1a4: {  	s0 =	sadd.s32 @!p0 $0x100000, s0  }
0x1a5: {  	[sflag:s0] =	ssyncadd.tile.s32 @!p0 $0x1;
	_ =	shalt  }
.Lfunc_end2:
_tile_overlayer_lowered:
.L_overlay_start_2:
0x1a6: {  	(tag) =	ssettag $0x2  }
0x1a7: {  	s0 =	rddreg [dreg:$0x0];
	s2 =	stileid.u32  }
0x1a8: {  	s1 =	rddreg [dreg:$0x1];
	p0 =	sne.s32 s2, $0x0  }
0x1a9: {  	s3 =	rddreg [dreg:$0x2];
	[bflag:$0x3] =	sbarrier.arrive $0xFFFF;
	s2 =	simm.s32 @!p0 $0x1C07  }
0x1aa: {  	[timem:s3], [sflag:s2] =	dma.local @!p0 [hbm:s0], s1  }
0x1ab: {  	s0 =	simm.s32 @!p0 $0x7  }
0x1ac: {  	_ =	swait.ge @!p0 [sflag:s0], s1  }
0x1ad: {  	s1 =	ssub.s32 @!p0 $0x0, s1;
	[sflag:s0] =	ssyncset.done @!p0 $0x0  }
0x1ae: {  	[sflag:s0] =	ssyncadd.s32 @!p0 s1  }
0x1af: {  	[bflag:$0x3] =	sbarrier.arrive $0xFFFF  }
0x1b0: {  	_ =	shalt  }

// kernel: kernel.16.cloned.1.call-start
scs
__scs_entry_jumppad:
0x0: {  	(pc) =	sbr.rel $0x88, $3  }
0x1: {  	(tag) =	ssettag $0x0;
	lr =	simm.s32 $0x1  }
0x2: {  	[smem:$0x3F9B] =	sst lr;
	_ =	strace $0xD0000000  }
0x3: {  	_ = 	snop  }
0x4: {  	_ = 	snop  }
0x5: {  	_ = 	snop  }
0x6: {  	_ = 	snop  }
0x7: {  	_ = 	snop  }
__scs_overlays_trampoline_lowered:
0x8: {  	[smem:$0x3FAA] =	sst s0  }
0x9: {  	[smem:$0x3FAB] =	sst s1  }
0xa: {  	[smem:$0x3FAC] =	sst s2  }
0xb: {  	[smem:$0x3FAD] =	sst s3  }
0xc: {  	[smem:$0x3FAE] =	sst s4  }
0xd: {  	[smem:$0x3FAF] =	sst s5  }
0xe: {  	[smem:$0x3FB0] =	sst s6  }
0xf: {  	[smem:$0x3FB1] =	sst s7  }
0x10: {  	[smem:$0x3FB2] =	sst s8  }
0x11: {  	[smem:$0x3FB3] =	sst s9;
	s0 =	simm.s32 @!p0 $0x0  }
0x12: {  	s1 =	sld [smem:$0x3F99];
	s0 =	simm.s32 @p0 $0x1  }
0x13: {  	[smem:$0x3FB4] =	sst s0;
	s0 =	simm.s32 @!p1 $0x0  }
0x14: {  	s2 =	sld [smem:$0x3F98];
	s0 =	simm.s32 @p1 $0x1  }
0x15: {  	[smem:$0x3FB5] =	sst s0;
	s0 =	simm.s32 @!p2 $0x0  }
0x16: {  	s3 =	sld [smem:$0x3FDB];
	s0 =	simm.s32 @p2 $0x1  }
0x17: {  	s4 =	simm.s32 $0x1BF5;
	[smem:$0x3FB7] =	sst s0  }
0x18: {  	s0 =	sld [smem:$0x3F9A];
	_ =	swait.ge [sflag:s4], $0x0  }
0x19: {  	s7 =	sld [smem:$0x3F9B]  }
0x1a: {  	s8 =	sadd.s32 $0xFFFFE003, lr  }
0x1b: {  	s9 =	sadd.s32 $0xFFFFFEF7, lr;
	s5 =	simm.s32 $0xFFFFFFFF;
	p2 =	slt.u32 s8, $0xFFFFF086  }
0x1c: {  	p1 =	slt.u32 s9, $0xF7A;
	s5 =	simm.s32 @!p2 $0x0  }
0x1d: {  	s5 =	simm.s32 @p1 $0x1;
	p0 =	seq.s32 s7, s2  }
0x1e: {  	s7 =	smul.u32 @!p0 $0xF7A, s2;
	p2 =	seq.s32 @!p0 s5, $0x0  }
0x1f: {  	s9 =	smul.u32 $0xF7A, s1;
	s8 =	simm.s32 @!p0 $0x1BF5;
	p2 =	por !p2, p0  }
0x20: {  	[sflag:s8] =	ssyncset.s32 @!p0 $0xFFFFF086;
	s6 =	sadd.s32 @!p0 s3, s7;
	s7 =	simm.s32 @!p0 $0x108  }
0x21: {  	s3 =	sadd.s32 s3, s9;
	s6 =	sadd.s32 @!p0 $0x88, s6;
	s7 =	simm.s32 @p2 $0x1082  }
0x22: {  	[simem:s7], [sflag:s8] =	dma.local @!p0 [hbm:s6], $0xF7A  }
0x23: {  	s9 =	sor.u32 $0xD0000000, s2;
	s6 =	simm.s32 $0x108;
	_ =	swait.ge @!p0 [sflag:s8], $0x0  }
0x24: {  	s3 =	sadd.s32 $0x88, s3;
	s6 =	simm.s32 @!p1 $0x1082;
	[sflag:s4] =	ssyncset.s32 $0xFFFFF086  }
0x25: {  	[simem:s6], [sflag:s4] =	dma.local [hbm:s3], $0xF7A  }
0x26: {  	[smem:$0x3F9B] =	sst s1;
	(tag) =	ssettag s2;
	_ =	strace s9  }
0x27: {  	s1 =	sld [smem:$0x3FAB]  }
0x28: {  	s2 =	sld [smem:$0x3FAC]  }
0x29: {  	s4 =	sld [smem:$0x3FAE]  }
0x2a: {  	p0 =	seq.s32 s5, $0x0;
	s5 =	sld [smem:$0x3FAF]  }
0x2b: {  	s6 =	sld [smem:$0x3FB0]  }
0x2c: {  	s7 =	sld [smem:$0x3FB1]  }
0x2d: {  	s3 =	simm.s32 $0x108;
	s8 =	sld [smem:$0x3FB2]  }
0x2e: {  	s3 =	simm.s32 @!p0 $0x1082;
	s9 =	sld [smem:$0x3FB3]  }
0x2f: {  	lr =	sadd.s32 s0, s3;
	s0 =	sld [smem:$0x3FAA]  }
0x30: {  	s3 =	sld [smem:$0x3FAD]  }
0x31: {  	[smem:$0x3FB6] =	sst s10  }
0x32: {  	s10 =	sld [smem:$0x3FB4];
	_ =	sdelay $0x3  }
0x33: {  	p0 =	seq.s32 s10, $0x1;
	s10 =	sld [smem:$0x3FB6];
	_ =	sdelay $0x3  }
0x34: {  	[smem:$0x3FB6] =	sst s10  }
0x35: {  	s10 =	sld [smem:$0x3FB5];
	_ =	sdelay $0x3  }
0x36: {  	p1 =	seq.s32 s10, $0x1;
	s10 =	sld [smem:$0x3FB6];
	_ =	sdelay $0x3  }
0x37: {  	[smem:$0x3FB6] =	sst s10  }
0x38: {  	s10 =	sld [smem:$0x3FB7]  }
0x39: {  	_ = 	snop;
	(pc) =	sbr.ind lr, $3  }
0x3a: {  	_ = 	snop  }
0x3b: {  	_ = 	snop  }
0x3c: {  	p2 =	seq.s32 s10, $0x1;
	s10 =	sld [smem:$0x3FB6]  }
0x3d: {  	_ =	shalt  }
0x3e: {  	_ =	shalt  }
0x3f: {  	_ =	shalt  }
0x40: {  	_ =	shalt  }
0x41: {  	_ =	shalt  }
0x42: {  	_ =	shalt  }
0x43: {  	_ =	shalt  }
0x44: {  	_ =	shalt  }
0x45: {  	_ =	shalt  }
0x46: {  	_ =	shalt  }
0x47: {  	_ =	shalt  }
0x48: {  	_ =	shalt  }
0x49: {  	_ =	shalt  }
0x4a: {  	_ =	shalt  }
0x4b: {  	_ =	shalt  }
0x4c: {  	_ =	shalt  }
0x4d: {  	_ =	shalt  }
0x4e: {  	_ =	shalt  }
0x4f: {  	_ =	shalt  }
0x50: {  	_ =	shalt  }
0x51: {  	_ =	shalt  }
0x52: {  	_ =	shalt  }
0x53: {  	_ =	shalt  }
0x54: {  	_ =	shalt  }
0x55: {  	_ =	shalt  }
0x56: {  	_ =	shalt  }
0x57: {  	_ =	shalt  }
0x58: {  	_ =	shalt  }
0x59: {  	_ =	shalt  }
0x5a: {  	_ =	shalt  }
0x5b: {  	_ =	shalt  }
0x5c: {  	_ =	shalt  }
0x5d: {  	_ =	shalt  }
0x5e: {  	_ =	shalt  }
0x5f: {  	_ =	shalt  }
0x60: {  	_ =	shalt  }
0x61: {  	_ =	shalt  }
0x62: {  	_ =	shalt  }
0x63: {  	_ =	shalt  }
0x64: {  	_ =	shalt  }
0x65: {  	_ =	shalt  }
0x66: {  	_ =	shalt  }
0x67: {  	_ =	shalt  }
0x68: {  	_ =	shalt  }
0x69: {  	_ =	shalt  }
0x6a: {  	_ =	shalt  }
0x6b: {  	_ =	shalt  }
0x6c: {  	_ =	shalt  }
0x6d: {  	_ =	shalt  }
0x6e: {  	_ =	shalt  }
0x6f: {  	_ =	shalt  }
0x70: {  	_ =	shalt  }
0x71: {  	_ =	shalt  }
0x72: {  	_ =	shalt  }
0x73: {  	_ =	shalt  }
0x74: {  	_ =	shalt  }
0x75: {  	_ =	shalt  }
0x76: {  	_ =	shalt  }
0x77: {  	_ =	shalt  }
0x78: {  	_ =	shalt  }
0x79: {  	_ =	shalt  }
0x7a: {  	_ =	shalt  }
0x7b: {  	_ =	shalt  }
0x7c: {  	_ =	shalt  }
0x7d: {  	_ =	shalt  }
0x7e: {  	_ =	shalt  }
0x7f: {  	_ =	shalt  }
0x80: {  	_ =	shalt  }
0x81: {  	_ =	shalt  }
0x82: {  	_ =	shalt  }
0x83: {  	_ =	shalt  }
0x84: {  	_ =	shalt  }
0x85: {  	_ =	shalt  }
0x86: {  	_ =	shalt  }
0x87: {  	_ =	shalt  }
.Lfunc_end0:
.L_simem_size_0:
called_computation.2_lowered:
.L_overlay_start_0:
0x88: {  	s2 =	sld [smem:$0x3FD9]  }
0x89: {  	s3 =	sld [smem:$0x3FFE];
	_ =	sdelay $0x1  }
0x8a: {  	s1 =	srdreg.scid  }
0x8b: {  	s0 =	sand.u32 $0x1, s1  }
0x8c: {  	s14 =	sshll.u32 s0, $0xA;
	s2 =	sadd.s32 s3, s2  }
0x8d: {  	s2 =	sadd.s32 s2, s14  }
0x8e: {  	[smem:$0x3FC2] =	sst s2  }
0x8f: {  	_ = 	snop  }
0x90: {  	s2 =	sld [smem:$0x3FD0];
	_ =	sdelay $0x2  }
0x91: {  	s15 =	simm.s32 $0xA;
	s4 =	simm.s32 $0x10  }
0x92: {  	[smem:s4], [sflag:s15] =	dma.local [hbm:s2], $0x1  }
0x93: {  	_ =	swait.eq [sflag:s15], $0x1  }
0x94: {  	s16 =	sld [smem:$0x10];
	[sflag:s15] =	ssyncset.done $0x0  }
0x95: {  	s17 =	sld [smem:$0x11];
	[sflag:s15] =	ssyncadd.s32 $0xFFFFFFFF  }
0x96: {  	s18 =	sld [smem:$0x13];
	(tm) =	ssettm $0x1  }
0x97: {  	s5 =	sld [smem:$0x3FFB];
	_ =	sdelay $0x3  }
0x98: {  	_ =	strace s5  }
0x99: {  	s5 =	sld [smem:$0x3FFC];
	_ =	sdelay $0x3  }
0x9a: {  	_ =	strace s5  }
0x9b: {  	s5 =	sld [smem:$0x3FFD];
	_ =	sdelay $0x3  }
0x9c: {  	_ =	strace s5  }
0x9d: {  	_ =	strace $0x8FFFFFFF  }
0x9e: {  	s19 =	sld [smem:$0x3FDB];
	_ =	sdelay $0x1  }
0x9f: {  	s6 =	simm.s32 $_scs_section_size  }
0xa0: {  	s7 =	simm.s32 $_size__tile_overlayer_lowered;
	s8 =	simm.s32 $_tile_overlayer_lowered  }
0xa1: {  	s22 =	simm.s32 $0x1BFF;
	s21 =	sshll.u32 s8, $0x1;
	s5 =	sadd.s32 s6, s19  }
0xa2: {  	s9 =	simm.s32 $0x0;
	s20 =	sshll.u32 s7, $0x1;
	s7 =	sadd.s32 s21, s5  }
0xa3: {  	[timem:s9], [sflag:s22] =	dma.local [hbm:s7], s20  }
0xa4: {  	_ =	swait.ge [sflag:s22], s20  }
0xa5: {  	s6 =	ssub.s32 $0x0, s20;
	[sflag:s22] =	ssyncset.done $0x0  }
0xa6: {  	[sflag:s22] =	ssyncadd.s32 s6;
	_ =	sdelay $0x1  }
0xa7: {  	s23 =	simm.s32 $0x1B8B  }
0xa8: {  	_ =	swait.ge [sflag:s23], $0x1  }
0xa9: {  	[sflag:s23] =	ssyncset.done $0x0  }
0xaa: {  	s25 =	simm.s32 $0x1B8E;
	s24 =	sld [smem:$0x3FFE];
	[sflag:s23] =	ssyncadd.s32 $0xFFFFFFFF  }
0xab: {  	s26 =	simm.s32 $execute0_lowered;
	[smem:$0x3FD2] =	sst s25  }
0xac: {  	s7 =	sshll.u32 s26, $0x1;
	_ =	strace $0x8000004C;
	[dreg:$0x1] =	wrdreg $0xFFFFFFFF  }
0xad: {  	s28 =	simm.s32 $_size_execute0_lowered;
	s5 =	sadd.s32 s5, s7;
	[dreg:$0x0] =	wrdreg $0x0  }
0xae: {  	s7 =	sshll.u32 s28, $0x1;
	[dreg:$0x2] =	wrdreg s5  }
0xaf: {  	[dreg:$0x3] =	wrdreg s7  }
0xb0: {  	[dreg:$0x4] =	wrdreg $0xC0  }
0xb1: {  	_ =	task [dreg:s9], $0x5FFFF  }
0xb2: {  	[dreg:$0x1] =	wrdreg $0xFFFFFFFF  }
0xb3: {  	[dreg:$0x0] =	wrdreg $0x60  }
0xb4: {  	[dreg:$0x2] =	wrdreg s18  }
0xb5: {  	[dreg:$0x3] =	wrdreg s16  }
0xb6: {  	[dreg:$0x4] =	wrdreg s24  }
0xb7: {  	[dreg:$0x5] =	wrdreg s17  }
0xb8: {  	[dreg:$0x6] =	wrdreg $0x0  }
0xb9: {  	[dreg:$0x7] =	wrdreg $0x9  }
0xba: {  	_ =	task.clear_ibuf [dreg:s9], $0x8FFFF;
	_ =	strace $0x9000004C  }
0xbb: {  	s29 =	simm.s32 $0x9;
	_ =	strace $0x8000004E  }
0xbc: {  	_ =	swait.ge [sflag:s29], $0x1  }
0xbd: {  	[sflag:s29] =	ssyncadd.s32 $0xFFFFFFFF  }
0xbe: {  	_ =	strace $0x9000004E  }
0xbf: {  	_ =	sfence  }
0xc0: {  	s30 =	sld [smem:$0x0];
	_ =	sdelay $0x2  }
0xc1: {  	s31 =	sshll.u32 s1, $0xD;
	s1 =	sshrl.u32 s1, $0x2  }
0xc2: {  	s3 =	sand.u32 $0x4000, s31;
	s1 =	sadd.s32 s1, s30  }
0xc3: {  	s0 =	sor.u32 s3, s0;
	s1 =	sshll.u32 s1, $0x11  }
0xc4: {  	s0 =	sor.u32 s1, s0  }
0xc5: {  	s0 =	sadd.s32 $0x8F2B, s0  }
0xc6: {  	[sflag:s0] =	ssyncadd.remote.s32 $0x1  }
0xc7: {  	_ =	sfence.sel $0xFFFF  }
0xc8: {  	[dreg:$0x0] =	wrdreg $0xFFFFFFFF;
	(pc) =	sbr.abs _section_cstart, $3  }
0xc9: {  	[dreg:$0x1] =	wrdreg $0xFFFFFFFF  }
0xca: {  	_ =	task.clear_ibuf [dreg:s9], $0x2FFFF;
	_ =	strace $0x9FFFFFFF  }
0xcb: {  	(tm) =	ssettm $0x7FFFFFFF  }
tec
execute0_lowered:
.L_overlay_start_1:
0x0: {  	(tag) =	ssettag $0x1  }
0x1: {  	s1 =	rddreg [dreg:$0x0]  }
0x2: {  	s0 =	rddreg [dreg:$0x1]  }
0x3: {  	s4 =	rddreg [dreg:$0x2]  }
0x4: {  	s5 =	rddreg [dreg:$0x3]  }
0x5: {  	s2 =	rddreg [dreg:$0x4];
	s3 =	simm.s32 $0x0  }
0x6: {  	s6 =	srdreg.scid;
	s12 =	stileid.u32;
	s28 =	simm.s32 $0x1  }
0x7: {  	s30 =	simm.s32 $0x1CA00;
	s31 =	simm.s32 $0x17980;
	s10 =	smul.u32 $0x280, s12  }
0x8: {  	s29 =	simm.s32 $0x3;
	[smem:$0x7FF] =	sst s3;
	s11 =	smul.u32 $0x50000, s12  }
0x9: {  	s6 =	sand.u32 $0x1, s6;
	s4 =	sadd.s32 $0x2200, s4;
	s16 =	smul.u32 $0x2710, s12  }
0xa: {  	s13 =	sshll.u32 s12, $0xB;
	s18 =	sadd.s32 $0x12C000, s2;
	s21 =	smul.u32 $0x4E2, s12  }
0xb: {  	p0 =	seq.s32 s12, $0xF;
	_ =	strace $0x8000004D;
	s7 =	ssub.s32 $0x2, s6  }
0xc: {  	s8 =	smul.u32 $0x2710, s6;
	s0 =	sadd.s32 s0, s13;
	[dreg:$0x9] =	wrdreg s18  }
0xd: {  	s6 =	smul.u32 $0x138800, s6;
	s9 =	sshrl.u32 s7, $0x1;
	[dreg:$0x6] =	wrdreg s0  }
0xe: {  	s15 =	sshrl.u32 s11, $0x2;
	s19 =	sshrl.u32 s16, $0x3;
	s26 =	sadd.s32 s21, s4  }
0xf: {  	s21 =	simm.s32 $0x50;
	s7 =	ssub.s32 s7, s9;
	s14 =	sadd.s32 s10, s8  }
0x10: {  	s9 =	sadd.s32 s15, s2;
	s6 =	sshrl.u32 s6, $0x3;
	s10 =	sadd.s32 s4, s19  }
0x11: {  	s13 =	sadd.s32 $0x46, s26;
	s26 =	simm.s32 $0x17900;
	s4 =	simm.s32 $0x5  }
0x12: {  	s0 =	sshll.u32 s14, $0x4;
	[dreg:$0x7] =	wrdreg s9;
	s22 =	sadd.s32 $0xA, s10  }
0x13: {  	s6 =	sadd.s32 $0x25800, s6;
	s23 =	sadd.s32 $0x14, s10;
	[dreg:$0xb] =	wrdreg s22  }
0x14: {  	s24 =	sadd.s32 $0x1E, s10;
	s25 =	sadd.s32 $0x28, s10;
	[dreg:$0xc] =	wrdreg s23  }
0x15: {  	s14 =	simm.s32 $0x13880;
	s17 =	sadd.s32 s1, s0;
	[dreg:$0xd] =	wrdreg s24  }
0x16: {  	s20 =	sadd.s32 s1, s6;
	[dreg:$0xe] =	wrdreg s25;
	s15 =	sadd.s32 s5, s0  }
0x17: {  	s16 =	sadd.s32 s5, s6;
	s22 =	simm.s32 $0x17A00;
	s23 =	simm.s32 $0x17880  }
0x18: {  	s25 =	simm.s32 $0x1A200;
	s0 =	simm.s32 $0x2;
	s24 =	simm.s32 $0x4  }
0x19: {  	s5 =	simm.s32 $0x6;
	s6 =	simm.s32 $0x0;
	[dreg:$0x8] =	wrdreg s17  }
0x1a: {  	v0 =	vmov s8;
	[dreg:$0xa] =	wrdreg s20;
	s17 =	smax.u32 s7, $0x1;
	s20 =	simm.s32 $0x7  }
.LBB2_1:
0x1b: {  	s7 =	rddreg [dreg:$0x6]  }
0x1c: {  	[tilespmem:s14], [sflag:$0x7] =	stream.linear.gather [hbm4b:s7+s3], $0x3E80, $0x38;
	[tilespmem:$0x1F200] =	vst v63  }
0x1d: {  	_ =	swait.ge [sflag:s20], $0x3E80  }
0x1e: {  	[sflag:s20] =	ssyncset.done $0x0  }
0x1f: {  	s7 =	simm.s32 $0x0;
	[sflag:s20] =	ssyncadd.s32 $0xFFFFC180  }
0x20: {  	v4 =	vld [tilespmem:s7+$0x13880]  }
0x21: {  	v3 =	vld [tilespmem:s7+$0x13890]  }
0x22: {  	v2 =	vld [tilespmem:s7+$0x138A0]  }
0x23: {  	s8 =	simm.s32 $0x200;
	v1 =	vld [tilespmem:s7+$0x138B0]  }
.LBB2_2:
0x24: {  	p1 =	sne.s32 s8, $0xF800;
	v5 =	vld [tilespmem:s7+$0x138C0]  }
0x25: {  	v4 =	vadd.s32 v0, v4  }
.Ltmp0:
0x26: {  	s9 =	sshra.s32 s8, $0x2;
	[tilespmem:s7+$0x13880] =	vst v4;
	v3 =	vadd.s32 v0, v3;
	(pc) =	sbr.rel @p1 .LBB2_2-.Ltmp0, $4  }
0x27: {  	v4 =	vld [tilespmem:s9+$0x13880];
	[tilespmem:s7+$0x13890] =	vst v3;
	v2 =	vadd.s32 v0, v2  }
0x28: {  	v3 =	vld [tilespmem:s9+$0x13890];
	[tilespmem:s7+$0x138A0] =	vst v2;
	v1 =	vadd.s32 v0, v1  }
0x29: {  	v2 =	vld [tilespmem:s9+$0x138A0];
	[tilespmem:s7+$0x138B0] =	vst v1;
	v5 =	vadd.s32 v0, v5  }
0x2a: {  	s8 =	sadd.s32 $0x200, s8;
	v1 =	vld [tilespmem:s9+$0x138B0];
	[tilespmem:s7+$0x138C0] =	vst v5;
	s7 =	smov.u32 s9  }
0x2b: {  	v5 =	vld [tilespmem:s7+$0x138C0]  }
0x2c: {  	v4 =	vadd.s32 v0, v4  }
0x2d: {  	[tilespmem:s7+$0x13880] =	vst v4;
	v3 =	vadd.s32 v0, v3  }
0x2e: {  	[tilespmem:s7+$0x13890] =	vst v3;
	v2 =	vadd.s32 v0, v2  }
0x2f: {  	[tilespmem:s7+$0x138A0] =	vst v2;
	v1 =	vadd.s32 v0, v1  }
0x30: {  	[tilespmem:s7+$0x138B0] =	vst v1;
	v1 =	vadd.s32 v0, v5  }
0x31: {  	[tilespmem:s7+$0x138C0] =	vst v1;
	s7 =	rddreg [dreg:$0x9]  }
0x32: {  	s8 =	simm.s32 @p0 $0x1FC7;
	s9 =	rddreg [dreg:$0xa];
	s7 =	sshrl.u32 @p0 s7, $0x3  }
0x33: {  	[spmem:s7], [sflag:s8] =	dma.local @p0 [hbm:s9], $0x1900  }
0x34: {  	s8 =	simm.s32 @p0 $0x7  }
0x35: {  	s9 =	stileid.u32;
	_ =	swait.ge @p0 [sflag:s8], $0x1900  }
0x36: {  	s9 =	sshll.u32 @!p0 s9, $0x6;
	[sflag:s8] =	ssyncset.done @p0 $0x0  }
0x37: {  	[sflag:s8] =	ssyncadd.s32 @p0 $0xFFFFE700;
	s8 =	sor.u32 @!p0 $0x1C07, s9;
	s9 =	rddreg [dreg:$0x7]  }
0x38: {  	s11 =	rddreg [dreg:$0x8];
	s9 =	sshrl.u32 @!p0 s9, $0x3  }
0x39: {  	[spmem:s9], [sflag:s8] =	dma.local @!p0 [hbm:s11], $0x2800  }
0x3a: {  	s11 =	simm.s32 @!p0 $0x7  }
0x3b: {  	_ =	swait.ge @!p0 [sflag:s11], $0x2800  }
0x3c: {  	[sflag:s11] =	ssyncset.done @!p0 $0x0  }
0x3d: {  	[sflag:s11] =	ssyncadd.s32 @!p0 $0xFFFFD800  }
0x3e: {  	[bflag:$0x0] =	sbarrier.arrive $0xFFFF  }
0x3f: {  	[tilespmem:s22], [sflag:$0x1] =	stream.indirect.gather [hbm4b:s1+s21], $0x80, s14, s21, $0xb8;
	[tilespmem:$0x1F200] =	vst v63  }
0x40: {  	s11 =	simm.s32 $0x0  }
0x41: {  	[tilespmem:s23], [sflag:$0x1] =	stream.linear.gather [hbm4b:s10+s11], $0x50, $0x38;
	[tilespmem:$0x1F200] =	vst v63  }
0x42: {  	s12 =	simm.s32 $0x13900  }
0x43: {  	[tilespmem:s25], [sflag:$0x2] =	stream.indirect.gather [hbm4b:s1+s21], $0x80, s12, s21, $0xb8;
	[tilespmem:$0x1F200] =	vst v63  }
0x44: {  	s18 =	rddreg [dreg:$0xb]  }
0x45: {  	[tilespmem:s26], [sflag:$0x2] =	stream.linear.gather [hbm4b:s18+s11], $0x50, $0x38;
	[tilespmem:$0x1F200] =	vst v63  }
0x46: {  	_ =	swait.ge [sflag:s28], $0x2800  }
0x47: {  	[sflag:s28] =	ssyncset.done $0x0  }
0x48: {  	[sflag:s28] =	ssyncadd.s32 $0xFFFFD800  }
0x49: {  	_ =	swait.ge [sflag:s28], $0x50  }
0x4a: {  	[sflag:s28] =	ssyncset.done $0x0  }
0x4b: {  	[sflag:s28] =	ssyncadd.s32 $0xFFFFFFB0  }
0x4c: {  	[spmem:s2] =	stream.indirect.scatter.add.f32 [tilespmem:s22], [sflag:$0x4], $0x80, s23, s21, $0xb8;
	[tilespmem:$0x1F200] =	vst v63  }
0x4d: {  	s19 =	simm.s32 $0x13980  }
0x4e: {  	[tilespmem:s30], [sflag:$0x3] =	stream.indirect.gather [hbm4b:s1+s21], $0x80, s19, s21, $0xb8;
	[tilespmem:$0x1F200] =	vst v63  }
0x4f: {  	s14 =	rddreg [dreg:$0xc]  }
0x50: {  	[tilespmem:s31], [sflag:$0x3] =	stream.linear.gather [hbm4b:s14+s11], $0x50, $0x38;
	[tilespmem:$0x1F200] =	vst v63  }
0x51: {  	_ =	swait.ge [sflag:s0], $0x2800  }
0x52: {  	[sflag:s0] =	ssyncset.done $0x0  }
0x53: {  	[sflag:s0] =	ssyncadd.s32 $0xFFFFD800  }
0x54: {  	_ =	swait.ge [sflag:s0], $0x50  }
0x55: {  	[sflag:s0] =	ssyncset.done $0x0  }
0x56: {  	[sflag:s0] =	ssyncadd.s32 $0xFFFFFFB0  }
0x57: {  	[spmem:s2] =	stream.indirect.scatter.add.f32 [tilespmem:s25], [sflag:$0x5], $0x80, s26, s21, $0xb8;
	[tilespmem:$0x1F200] =	vst v63  }
0x58: {  	_ =	swait.ge [sflag:s24], $0x2800  }
0x59: {  	[sflag:s24] =	ssyncset.done $0x0  }
0x5a: {  	s18 =	simm.s32 $0x13A00;
	[sflag:s24] =	ssyncadd.s32 $0xFFFFD800  }
0x5b: {  	[tilespmem:s22], [sflag:$0x1] =	stream.indirect.gather [hbm4b:s1+s21], $0x80, s18, s21, $0xb8;
	[tilespmem:$0x1F200] =	vst v63  }
0x5c: {  	s19 =	rddreg [dreg:$0xd]  }
0x5d: {  	[tilespmem:s23], [sflag:$0x1] =	stream.linear.gather [hbm4b:s19+s11], $0x50, $0x38;
	[tilespmem:$0x1F200] =	vst v63  }
0x5e: {  	_ =	swait.ge [sflag:s29], $0x2800  }
0x5f: {  	[sflag:s29] =	ssyncset.done $0x0  }
0x60: {  	[sflag:s29] =	ssyncadd.s32 $0xFFFFD800  }
0x61: {  	_ =	swait.ge [sflag:s29], $0x50  }
0x62: {  	[sflag:s29] =	ssyncset.done $0x0  }
0x63: {  	[sflag:s29] =	ssyncadd.s32 $0xFFFFFFB0  }
0x64: {  	[spmem:s2] =	stream.indirect.scatter.add.f32 [tilespmem:s30], [sflag:$0x6], $0x80, s31, s21, $0xb8;
	[tilespmem:$0x1F200] =	vst v63  }
0x65: {  	_ =	swait.ge [sflag:s4], $0x2800  }
0x66: {  	[sflag:s4] =	ssyncset.done $0x0  }
0x67: {  	s14 =	simm.s32 $0x13A80;
	[sflag:s4] =	ssyncadd.s32 $0xFFFFD800  }
0x68: {  	[tilespmem:s25], [sflag:$0x2] =	stream.indirect.gather [hbm4b:s1+s21], $0x80, s14, s21, $0xb8;
	[tilespmem:$0x1F200] =	vst v63  }
0x69: {  	s18 =	rddreg [dreg:$0xe]  }
0x6a: {  	[tilespmem:s26], [sflag:$0x2] =	stream.linear.gather [hbm4b:s18+s11], $0x50, $0x38;
	[tilespmem:$0x1F200] =	vst v63  }
0x6b: {  	_ =	swait.ge [sflag:s28], $0x2800  }
0x6c: {  	[sflag:s28] =	ssyncset.done $0x0  }
0x6d: {  	[sflag:s28] =	ssyncadd.s32 $0xFFFFD800  }
0x6e: {  	_ =	swait.ge [sflag:s28], $0x50  }
0x6f: {  	[sflag:s28] =	ssyncset.done $0x0  }
0x70: {  	[sflag:s28] =	ssyncadd.s32 $0xFFFFFFB0  }
0x71: {  	[spmem:s2] =	stream.indirect.scatter.add.f32 [tilespmem:s22], [sflag:$0x4], $0x80, s23, s21, $0xb8;
	[tilespmem:$0x1F200] =	vst v63  }
0x72: {  	_ =	swait.ge [sflag:s5], $0x2800  }
0x73: {  	[sflag:s5] =	ssyncset.done $0x0  }
0x74: {  	s19 =	simm.s32 $0x13B00;
	[sflag:s5] =	ssyncadd.s32 $0xFFFFD800  }
0x75: {  	[tilespmem:s30], [sflag:$0x3] =	stream.indirect.gather [hbm4b:s1+s21], $0x80, s19, s21, $0xb8;
	[tilespmem:$0x1F200] =	vst v63  }
0x76: {  	s12 =	sadd.s32 $0xFFFFFFEC, s13  }
0x77: {  	[tilespmem:s31], [sflag:$0x3] =	stream.linear.gather [hbm4b:s12+s3], $0x50, $0x38;
	[tilespmem:$0x1F200] =	vst v63  }
0x78: {  	_ =	swait.ge [sflag:s0], $0x2800  }
0x79: {  	[sflag:s0] =	ssyncset.done $0x0  }
0x7a: {  	[sflag:s0] =	ssyncadd.s32 $0xFFFFD800  }
0x7b: {  	_ =	swait.ge [sflag:s0], $0x50  }
0x7c: {  	[sflag:s0] =	ssyncset.done $0x0  }
0x7d: {  	[sflag:s0] =	ssyncadd.s32 $0xFFFFFFB0  }
0x7e: {  	[spmem:s2] =	stream.indirect.scatter.add.f32 [tilespmem:s25], [sflag:$0x5], $0x80, s26, s21, $0xb8;
	[tilespmem:$0x1F200] =	vst v63  }
0x7f: {  	_ =	swait.ge [sflag:s24], $0x2800  }
0x80: {  	[sflag:s24] =	ssyncset.done $0x0  }
0x81: {  	s14 =	simm.s32 $0x13B80;
	[sflag:s24] =	ssyncadd.s32 $0xFFFFD800  }
0x82: {  	[tilespmem:s22], [sflag:$0x1] =	stream.indirect.gather [hbm4b:s1+s21], $0x80, s14, s21, $0xb8;
	[tilespmem:$0x1F200] =	vst v63  }
0x83: {  	s18 =	sadd.s32 $0xFFFFFFF6, s13  }
0x84: {  	[tilespmem:s23], [sflag:$0x1] =	stream.linear.gather [hbm4b:s18+s3], $0x50, $0x38;
	[tilespmem:$0x1F200] =	vst v63  }
0x85: {  	_ =	swait.ge [sflag:s29], $0x2800  }
0x86: {  	[sflag:s29] =	ssyncset.done $0x0  }
0x87: {  	[sflag:s29] =	ssyncadd.s32 $0xFFFFD800  }
0x88: {  	_ =	swait.ge [sflag:s29], $0x50  }
0x89: {  	[sflag:s29] =	ssyncset.done $0x0  }
0x8a: {  	[sflag:s29] =	ssyncadd.s32 $0xFFFFFFB0  }
0x8b: {  	[spmem:s2] =	stream.indirect.scatter.add.f32 [tilespmem:s30], [sflag:$0x6], $0x80, s31, s21, $0xb8;
	[tilespmem:$0x1F200] =	vst v63  }
0x8c: {  	_ =	swait.ge [sflag:s4], $0x2800  }
0x8d: {  	s11 =	simm.s32 $0x600;
	s19 =	simm.s32 $0x13C00;
	[sflag:s4] =	ssyncset.done $0x0  }
0x8e: {  	s12 =	sadd.s32 $0x1E, s13;
	s18 =	smov.u32 s13;
	[sflag:s4] =	ssyncadd.s32 $0xFFFFD800  }
0x8f: {  	[tilespmem:s25], [sflag:$0x2] =	stream.indirect.gather [hbm4b:s1+s21], $0x80, s19, s21, $0xb8;
	[tilespmem:$0x1F200] =	vst v63  }
.LBB2_4:
0x90: {  	[tilespmem:s26], [sflag:$0x2] =	stream.linear.gather [hbm4b:s18+s3], $0x50, $0x38;
	[tilespmem:$0x1F200] =	vst v63  }
0x91: {  	s14 =	smov.u32 s11;
	s18 =	smov.u32 s12  }
0x92: {  	p1 =	sne.s32 s11, $0xEA00;
	s11 =	sadd.s32 $0x600, s11;
	_ =	swait.ge [sflag:s28], $0x2800  }
0x93: {  	[sflag:s28] =	ssyncset.done $0x0  }
0x94: {  	[sflag:s28] =	ssyncadd.s32 $0xFFFFD800  }
0x95: {  	_ =	swait.ge [sflag:s28], $0x50  }
0x96: {  	[sflag:s28] =	ssyncset.done $0x0  }
0x97: {  	[sflag:s28] =	ssyncadd.s32 $0xFFFFFFB0  }
0x98: {  	[spmem:s2] =	stream.indirect.scatter.add.f32 [tilespmem:s22], [sflag:$0x4], $0x80, s23, s21, $0xb8;
	[tilespmem:$0x1F200] =	vst v63  }
0x99: {  	_ =	swait.ge [sflag:s5], $0x2800  }
0x9a: {  	s14 =	sshra.s32 s14, $0x2;
	[sflag:s5] =	ssyncset.done $0x0  }
0x9b: {  	s19 =	sadd.s32 $0x13B00, s14;
	[sflag:s5] =	ssyncadd.s32 $0xFFFFD800  }
0x9c: {  	[tilespmem:s30], [sflag:$0x3] =	stream.indirect.gather [hbm4b:s1+s21], $0x80, s19, s21, $0xb8;
	[tilespmem:$0x1F200] =	vst v63  }
0x9d: {  	s19 =	sadd.s32 $0xFFFFFFEC, s12  }
0x9e: {  	[tilespmem:s31], [sflag:$0x3] =	stream.linear.gather [hbm4b:s19+s3], $0x50, $0x38;
	[tilespmem:$0x1F200] =	vst v63  }
0x9f: {  	_ =	swait.ge [sflag:s0], $0x2800  }
0xa0: {  	[sflag:s0] =	ssyncset.done $0x0  }
0xa1: {  	[sflag:s0] =	ssyncadd.s32 $0xFFFFD800  }
0xa2: {  	_ =	swait.ge [sflag:s0], $0x50  }
0xa3: {  	[sflag:s0] =	ssyncset.done $0x0  }
0xa4: {  	[sflag:s0] =	ssyncadd.s32 $0xFFFFFFB0  }
0xa5: {  	[spmem:s2] =	stream.indirect.scatter.add.f32 [tilespmem:s25], [sflag:$0x5], $0x80, s26, s21, $0xb8;
	[tilespmem:$0x1F200] =	vst v63  }
0xa6: {  	_ =	swait.ge [sflag:s24], $0x2800  }
0xa7: {  	[sflag:s24] =	ssyncset.done $0x0  }
0xa8: {  	s19 =	sadd.s32 $0x13B80, s14;
	[sflag:s24] =	ssyncadd.s32 $0xFFFFD800  }
0xa9: {  	[tilespmem:s22], [sflag:$0x1] =	stream.indirect.gather [hbm4b:s1+s21], $0x80, s19, s21, $0xb8;
	[tilespmem:$0x1F200] =	vst v63  }
0xaa: {  	s19 =	sadd.s32 $0xFFFFFFF6, s12  }
0xab: {  	[tilespmem:s23], [sflag:$0x1] =	stream.linear.gather [hbm4b:s19+s3], $0x50, $0x38;
	[tilespmem:$0x1F200] =	vst v63  }
0xac: {  	_ =	swait.ge [sflag:s29], $0x2800  }
0xad: {  	[sflag:s29] =	ssyncset.done $0x0  }
0xae: {  	[sflag:s29] =	ssyncadd.s32 $0xFFFFD800  }
0xaf: {  	_ =	swait.ge [sflag:s29], $0x50  }
0xb0: {  	[sflag:s29] =	ssyncset.done $0x0  }
0xb1: {  	[sflag:s29] =	ssyncadd.s32 $0xFFFFFFB0  }
0xb2: {  	[spmem:s2] =	stream.indirect.scatter.add.f32 [tilespmem:s30], [sflag:$0x6], $0x80, s31, s21, $0xb8;
	[tilespmem:$0x1F200] =	vst v63  }
.Ltmp1:
0xb3: {  	_ =	swait.ge [sflag:s4], $0x2800;
	(pc) =	sbr.rel @p1 .LBB2_4-.Ltmp1, $4  }
0xb4: {  	[sflag:s4] =	ssyncset.done $0x0  }
0xb5: {  	s14 =	sadd.s32 $0x13C00, s14;
	[sflag:s4] =	ssyncadd.s32 $0xFFFFD800  }
0xb6: {  	[tilespmem:s25], [sflag:$0x2] =	stream.indirect.gather [hbm4b:s1+s21], $0x80, s14, s21, $0xb8;
	[tilespmem:$0x1F200] =	vst v63  }
0xb7: {  	s12 =	sadd.s32 $0x1E, s12  }
0xb8: {  	[tilespmem:s26], [sflag:$0x2] =	stream.linear.gather [hbm4b:s18+s3], $0x50, $0x38;
	[tilespmem:$0x1F200] =	vst v63  }
0xb9: {  	_ =	swait.ge [sflag:s28], $0x2800  }
0xba: {  	[sflag:s28] =	ssyncset.done $0x0  }
0xbb: {  	[sflag:s28] =	ssyncadd.s32 $0xFFFFD800  }
0xbc: {  	_ =	swait.ge [sflag:s28], $0x50  }
0xbd: {  	[sflag:s28] =	ssyncset.done $0x0  }
0xbe: {  	[sflag:s28] =	ssyncadd.s32 $0xFFFFFFB0  }
0xbf: {  	[spmem:s2] =	stream.indirect.scatter.add.f32 [tilespmem:s22], [sflag:$0x4], $0x80, s23, s21, $0xb8;
	[tilespmem:$0x1F200] =	vst v63  }
0xc0: {  	_ =	swait.ge [sflag:s5], $0x2800  }
0xc1: {  	[sflag:s5] =	ssyncset.done $0x0  }
0xc2: {  	[sflag:s5] =	ssyncadd.s32 $0xFFFFD800  }
0xc3: {  	_ =	swait.ge [sflag:s0], $0x2800  }
0xc4: {  	[sflag:s0] =	ssyncset.done $0x0  }
0xc5: {  	[sflag:s0] =	ssyncadd.s32 $0xFFFFD800  }
0xc6: {  	_ =	swait.ge [sflag:s0], $0x50  }
0xc7: {  	[sflag:s0] =	ssyncset.done $0x0  }
0xc8: {  	[sflag:s0] =	ssyncadd.s32 $0xFFFFFFB0  }
0xc9: {  	[spmem:s2] =	stream.indirect.scatter.add.f32 [tilespmem:s25], [sflag:$0x5], $0x80, s26, s21, $0xb8;
	[tilespmem:$0x1F200] =	vst v63  }
0xca: {  	_ =	swait.ge [sflag:s24], $0x2800  }
0xcb: {  	[sflag:s24] =	ssyncset.done $0x0  }
0xcc: {  	[sflag:s24] =	ssyncadd.s32 $0xFFFFD800  }
0xcd: {  	_ =	swait.ge [sflag:s4], $0x2800  }
0xce: {  	[sflag:s4] =	ssyncset.done $0x0  }
0xcf: {  	[sflag:s4] =	ssyncadd.s32 $0xFFFFD800  }
0xd0: {  	s11 =	simm.s32 @p0 $0x1FC7;
	[bflag:$0x0] =	sbarrier.arrive $0xFFFF  }
0xd1: {  	[hbm:s16], [sflag:s11] =	dma.local @p0 [spmem:s7], $0x1900  }
0xd2: {  	s7 =	simm.s32 @p0 $0x7  }
0xd3: {  	s6 =	sadd.s32 $0x1, s6;
	_ =	swait.ge @p0 [sflag:s7], $0x1900  }
0xd4: {  	p1 =	sne.s32 s6, s17;
	[sflag:s7] =	ssyncset.done @p0 $0x0  }
.Ltmp2:
0xd5: {  	[sflag:s7] =	ssyncadd.s32 @p0 $0xFFFFE700;
	s7 =	simm.s32 @!p0 $0x7;
	(pc) =	sbr.rel @p1 .LBB2_1-.Ltmp2, $4  }
0xd6: {  	[hbm:s15], [sflag:s8] =	dma.local @!p0 [spmem:s9], $0x2800  }
0xd7: {  	_ =	swait.ge @!p0 [sflag:s7], $0x2800  }
0xd8: {  	[sflag:s7] =	ssyncset.done @!p0 $0x0  }
0xd9: {  	s14 =	simm.s32 $0x13880;
	[sflag:s7] =	ssyncadd.s32 @!p0 $0xFFFFD800  }
0xda: {  	_ =	sfence.sel $0x180000  }
0xdb: {  	[bflag:$0x0] =	sbarrier.arrive $0xFFFF  }
0xdc: {  	_ =	strace $0x9000004D  }
0xdd: {  	s0 =	stileid.u32;
	[bflag:$0x2] =	sbarrier.arrive $0xFFFF  }
0xde: {  	p0 =	sne.s32 s0, $0x0;
	s0 =	rddreg [dreg:$0x5]  }
0xdf: {  	s0 =	sadd.s32 @!p0 $0x100000, s0  }
0xe0: {  	[sflag:s0] =	ssyncadd.tile.s32 @!p0 $0x1;
	_ =	shalt  }
.Lfunc_end2:
_tile_overlayer_lowered:
.L_overlay_start_2:
0xe1: {  	(tag) =	ssettag $0x2  }
0xe2: {  	s0 =	rddreg [dreg:$0x0];
	s2 =	stileid.u32  }
0xe3: {  	s1 =	rddreg [dreg:$0x1];
	p0 =	sne.s32 s2, $0x0  }
0xe4: {  	s3 =	rddreg [dreg:$0x2];
	[bflag:$0x3] =	sbarrier.arrive $0xFFFF;
	s2 =	simm.s32 @!p0 $0x1C07  }
0xe5: {  	[timem:s3], [sflag:s2] =	dma.local @!p0 [hbm:s0], s1  }
0xe6: {  	s0 =	simm.s32 @!p0 $0x7  }
0xe7: {  	_ =	swait.ge @!p0 [sflag:s0], s1  }
0xe8: {  	s1 =	ssub.s32 @!p0 $0x0, s1;
	[sflag:s0] =	ssyncset.done @!p0 $0x0  }
0xe9: {  	[sflag:s0] =	ssyncadd.s32 @!p0 s1  }
0xea: {  	[bflag:$0x3] =	sbarrier.arrive $0xFFFF  }
0xeb: {  	_ =	shalt  }

</sc_bundles>
